<compile_context>
chip_gen: v7x
topology: tpu7x:2x2x1
jax: 0.10.2.dev20260603
libtpu: 0.0.44.dev20260713+nightly
codegen_flags: <defaults>
</compile_context>

<pallas_src>
import functools

import jax
import jax.numpy as jnp
from jax import lax
from jax.experimental import pallas as pl
from jax.experimental.pallas import tpu as pltpu
from jax.experimental.pallas import tpu_sc as plsc

NC, NS = 2, 16
NW = NC * NS



def _dense_pre(x, sx, tW1, tb1, tW2, tb2, sA1, sa1):
    n = x.shape[0]
    bn = 2000
    grid = n // bn

    def body(x_r, sx_r, w1a_r, w1b_r, b1_r, w2_r, b2_r, a1a_r, a1b_r, ba_r,
             x0_r, p1_r):
        xb = x_r[...]
        sxb = sx_r[...]
        h = jnp.maximum(
            jnp.dot(xb, w1a_r[...], preferred_element_type=jnp.float32)
            + jnp.dot(sxb, w1b_r[...], preferred_element_type=jnp.float32)
            + b1_r[...], 0.0)
        x0 = jnp.maximum(
            jnp.dot(h, w2_r[...], preferred_element_type=jnp.float32)
            + b2_r[...], 0.0)
        p1 = (jnp.dot(x0, a1a_r[...], preferred_element_type=jnp.float32)
              + jnp.dot(sxb, a1b_r[...], preferred_element_type=jnp.float32)
              + ba_r[...])
        x0_r[...] = x0
        p1_r[...] = p1

    full = lambda s: pl.BlockSpec(s, lambda i: (0, 0))
    return pl.pallas_call(
        body,
        grid=(grid,),
        in_specs=[
            pl.BlockSpec((bn, 28), lambda i: (i, 0)),
            pl.BlockSpec((bn, 8), lambda i: (i, 0)),
            full((28, 32)), full((8, 32)), full((1, 32)),
            full((32, 32)), full((1, 32)),
            full((32, 32)), full((8, 32)), full((1, 32)),
        ],
        out_specs=[
            pl.BlockSpec((bn, 32), lambda i: (i, 0)),
            pl.BlockSpec((bn, 32), lambda i: (i, 0)),
        ],
        out_shape=[
            jax.ShapeDtypeStruct((n, 32), jnp.float32),
            jax.ShapeDtypeStruct((n, 32), jnp.float32),
        ],
    )(x, sx, tW1[:28], tW1[28:], tb1.reshape(1, 32), tW2, tb2.reshape(1, 32),
      sA1[:32], sA1[32:40], sa1.reshape(1, 32))


def _edge_mlp(g, edge_attr, w1e, w2, b2):
    if g.ndim == 2:
        d = 32
        eq = g.shape[0]
    else:
        d = 64
        eq = g.shape[1]
    beq = 3200
    grid = eq // beq
    eye4 = jnp.eye(4, dtype=jnp.float32)
    w2lo = jnp.kron(eye4, w2[:, :32])
    w2hi = jnp.kron(eye4, w2[:, 32:])
    blo = jnp.tile(b2[:32], 4).reshape(1, 128)
    bhi = jnp.tile(b2[32:], 4).reshape(1, 128)
    w1big = jnp.zeros((16, 4 * d), jnp.float32)
    for a in range(4):
        for u in range(4):
            w1big = w1big.at[4 * a + u, d * u:d * (u + 1)].set(w1e[a])
    ea16 = edge_attr.T.reshape(16, eq)

    def body(g_r, ea_r, w1_r, w2lo_r, w2hi_r, blo_r, bhi_r, y_r):
        if d == 32:
            g4 = g_r[...]
        else:
            g4 = jnp.concatenate([g_r[0], g_r[1]], axis=1)
        q = lax.dot_general(ea_r[...], w1_r[...],
                            (((0,), (0,)), ((), ())),
                            preferred_element_type=jnp.float32)
        z = jnp.maximum(g4 + q, 0.0)
        y_r[0] = jnp.maximum(
            jnp.dot(z, w2lo_r[...], preferred_element_type=jnp.float32)
            + blo_r[...], 0.0)
        y_r[1] = jnp.maximum(
            jnp.dot(z, w2hi_r[...], preferred_element_type=jnp.float32)
            + bhi_r[...], 0.0)

    full = lambda s: pl.BlockSpec(s, lambda i: tuple(0 for _ in s))
    g_spec = (pl.BlockSpec((beq, 128), lambda i: (i, 0)) if d == 32 else
              pl.BlockSpec((2, beq, 128), lambda i: (0, i, 0)))
    return pl.pallas_call(
        body,
        grid=(grid,),
        in_specs=[
            g_spec,
            pl.BlockSpec((16, beq), lambda i: (0, i)),
            full((16, 4 * d)), full((4 * d, 128)), full((4 * d, 128)),
            full((1, 128)), full((1, 128)),
        ],
        out_specs=pl.BlockSpec((2, beq, 128), lambda i: (0, i, 0)),
        out_shape=jax.ShapeDtypeStruct((2, eq, 128), jnp.float32),
    )(g, ea16, w1big, w2lo, w2hi, blo, bhi)


def _dense_mid(s1, cnt, x0, sx, sB1, sb1):
    n = x0.shape[0]
    bn = 2000
    grid = n // bn

    def body(sl_r, sh_r, c_r, x0_r, sx_r, wa_r, wb_r, wc_r, wd_r, b_r, p2_r):
        r = 1.0 / jnp.maximum(c_r[...], 1.0)
        o1l = sl_r[...] * r
        o1h = sh_r[...] * r
        p2_r[...] = (
            jnp.dot(o1l, wa_r[...], preferred_element_type=jnp.float32)
            + jnp.dot(o1h, wb_r[...], preferred_element_type=jnp.float32)
            + jnp.dot(x0_r[...], wc_r[...], preferred_element_type=jnp.float32)
            + jnp.dot(sx_r[...], wd_r[...], preferred_element_type=jnp.float32)
            + b_r[...])

    full = lambda s: pl.BlockSpec(s, lambda i: (0, 0))
    return pl.pallas_call(
        body,
        grid=(grid,),
        in_specs=[
            pl.BlockSpec((bn, 32), lambda i: (i, 0)),
            pl.BlockSpec((bn, 32), lambda i: (i, 0)),
            pl.BlockSpec((bn, 1), lambda i: (i, 0)),
            pl.BlockSpec((bn, 32), lambda i: (i, 0)),
            pl.BlockSpec((bn, 8), lambda i: (i, 0)),
            full((32, 64)), full((32, 64)), full((32, 64)), full((8, 64)),
            full((1, 64)),
        ],
        out_specs=pl.BlockSpec((bn, 64), lambda i: (i, 0)),
        out_shape=jax.ShapeDtypeStruct((n, 64), jnp.float32),
    )(s1[0], s1[1], cnt.reshape(n, 1), x0, sx,
      sB1[:32], sB1[32:64], sB1[64:96], sB1[96:104], sb1.reshape(1, 64))


def _dense_head(s2, cnt, x0, sx, mW1, mb1, mW2, mb2):
    n = x0.shape[0]
    bn = 2000
    grid = n // bn

    def body(sl_r, sh_r, c_r, x0_r, sx_r, wa_r, wb_r, wc_r, wd_r, b1_r,
             w2_r, b2_r, out_r):
        r = 1.0 / jnp.maximum(c_r[...], 1.0)
        o2l = sl_r[...] * r
        o2h = sh_r[...] * r
        h = jnp.maximum(
            jnp.dot(o2l, wa_r[...], preferred_element_type=jnp.float32)
            + jnp.dot(o2h, wb_r[...], preferred_element_type=jnp.float32)
            + jnp.dot(x0_r[...], wc_r[...], preferred_element_type=jnp.float32)
            + jnp.dot(sx_r[...], wd_r[...], preferred_element_type=jnp.float32)
            + b1_r[...], 0.0)
        out_r[...] = (
            jnp.dot(h, w2_r[...], preferred_element_type=jnp.float32)
            + b2_r[...])

    full = lambda s: pl.BlockSpec(s, lambda i: (0, 0))
    return pl.pallas_call(
        body,
        grid=(grid,),
        in_specs=[
            pl.BlockSpec((bn, 32), lambda i: (i, 0)),
            pl.BlockSpec((bn, 32), lambda i: (i, 0)),
            pl.BlockSpec((bn, 1), lambda i: (i, 0)),
            pl.BlockSpec((bn, 32), lambda i: (i, 0)),
            pl.BlockSpec((bn, 8), lambda i: (i, 0)),
            full((32, 16)), full((32, 16)), full((32, 16)), full((8, 16)),
            full((1, 16)), full((16, 1)), full((1, 1)),
        ],
        out_specs=pl.BlockSpec((bn, 1), lambda i: (i, 0)),
        out_shape=jax.ShapeDtypeStruct((n, 1), jnp.float32),
    )(s2[0], s2[1], cnt.reshape(n, 1), x0, sx,
      mW1[:32], mW1[32:64], mW1[64:96], mW1[96:104], mb1.reshape(1, 16),
      mW2, mb2.reshape(1, 1))




def _sc_gather(table, src):
    e = src.shape[0]
    d = table.shape[1]
    eq = e // 4
    ew = e // NW
    c = 1000 if d == 32 else 400
    steps = ew // c
    last = steps - 1 if steps % 2 else steps - 2
    mesh = plsc.VectorSubcoreMesh(core_axis_name="c", subcore_axis_name="s")
    out_type = (jax.ShapeDtypeStruct((eq, 128), jnp.float32) if d == 32 else
                jax.ShapeDtypeStruct((2, eq, 128), jnp.float32))

    @functools.partial(
        pl.kernel,
        out_type=out_type,
        mesh=mesh,
        compiler_params=pltpu.CompilerParams(use_tc_tiling_on_sc=False),
        scratch_types=[
            pltpu.VMEM((c,), jnp.int32), pltpu.VMEM((c,), jnp.int32),
            pltpu.VMEM((c, d), jnp.float32), pltpu.VMEM((c, d), jnp.float32),
            pltpu.SemaphoreType.DMA, pltpu.SemaphoreType.DMA,
        ],
    )
    def k(table_hbm, src_hbm, out_hbm, idx0, idx1, rows0, rows1, sem0, sem1):
        wid = lax.axis_index("s") * NC + lax.axis_index("c")
        quarter = wid // 8
        jo = (wid % 8) * ew
        base = wid * ew

        def start(i, idx_v, rows_v, sem):
            pltpu.sync_copy(src_hbm.at[pl.ds(base + i * c, c)], idx_v)
            pltpu.async_copy(table_hbm.at[idx_v], rows_v, sem)

        def wait(idx_v, rows_v, sem):
            pltpu.make_async_copy(table_hbm.at[idx_v], rows_v, sem).wait()

        def write(i, rows_v):
            ro = jo + i * c
            if d == 32:
                pltpu.sync_copy(
                    rows_v,
                    out_hbm.at[pl.ds(ro, c), pl.ds(quarter * 32, 32)])
            else:
                pltpu.sync_copy(
                    rows_v,
                    out_hbm.at[quarter // 2, pl.ds(ro, c),
                               pl.ds((quarter % 2) * 64, 64)])

        start(0, idx0, rows0, sem0)

        def step(j, carry):
            i0 = 2 * j
            start(i0 + 1, idx1, rows1, sem1)
            wait(idx0, rows0, sem0)
            write(i0, rows0)
            start(jnp.minimum(i0 + 2, last), idx0, rows0, sem0)
            wait(idx1, rows1, sem1)
            write(i0 + 1, rows1)
            return carry

        lax.fori_loop(0, steps // 2, step, 0)
        wait(idx0, rows0, sem0)
        if steps % 2:
            write(last, rows0)

    return k(table, src)


def _sc_segsum(y2, dst, n):
    e = dst.shape[0]
    ew = e // NS
    c = 400
    steps = ew // c
    rows_t = n // NS
    mesh = plsc.VectorSubcoreMesh(core_axis_name="c", subcore_axis_name="s")

    zeros2 = jnp.zeros((n, 32), jnp.float32)

    @functools.partial(
        pl.kernel,
        out_type=jax.ShapeDtypeStruct((2, n, 32), jnp.float32),
        mesh=mesh,
        compiler_params=pltpu.CompilerParams(use_tc_tiling_on_sc=False),
        scratch_types=[
            pltpu.VMEM((c,), jnp.int32), pltpu.VMEM((c,), jnp.int32),
            pltpu.VMEM((c, 32), jnp.float32), pltpu.VMEM((c, 32), jnp.float32),
            pltpu.SemaphoreType.DMA, pltpu.SemaphoreType.DMA,
            pltpu.VMEM_SHARED((n, 32), jnp.float32),
        ],
    )
    def k(y_hbm, dst_hbm, z2_hbm, s_hbm, idx0, idx1, val0, val1, sem0, sem1,
          acc):
        ci = lax.axis_index("c")
        si = lax.axis_index("s")

        pltpu.sync_copy(z2_hbm.at[pl.ds(si * rows_t, rows_t)],
                        acc.at[pl.ds(si * rows_t, rows_t)])
        plsc.subcore_barrier()

        base = si * ew
        quarter = si // 4
        jo = (si % 4) * ew

        def start(i, idx_v, val_v, sem):
            pltpu.async_copy(dst_hbm.at[pl.ds(base + i * c, c)], idx_v, sem)
            pltpu.async_copy(
                y_hbm.at[ci, pl.ds(jo + i * c, c), pl.ds(quarter * 32, 32)],
                val_v, sem)

        def wait(i, idx_v, val_v, sem):
            pltpu.make_async_copy(dst_hbm.at[pl.ds(base + i * c, c)], idx_v,
                                  sem).wait()
            pltpu.make_async_copy(
                y_hbm.at[ci, pl.ds(jo + i * c, c), pl.ds(quarter * 32, 32)],
                val_v, sem).wait()

        def finish(i, idx_v, val_v, sem):
            wait(i, idx_v, val_v, sem)
            pltpu.sync_copy(val_v, acc.at[idx_v], add=True)

        start(0, idx0, val0, sem0)

        def step(j, carry):
            i0 = 2 * j
            start(i0 + 1, idx1, val1, sem1)
            finish(i0, idx0, val0, sem0)
            start(jnp.minimum(i0 + 2, steps - 2), idx0, val0, sem0)
            finish(i0 + 1, idx1, val1, sem1)
            return carry

        lax.fori_loop(0, steps // 2, step, 0)
        wait(steps - 2, idx0, val0, sem0)
        plsc.subcore_barrier()

        pltpu.sync_copy(acc.at[pl.ds(si * rows_t, rows_t)],
                        s_hbm.at[ci, pl.ds(si * rows_t, rows_t)])

    return k(y2, dst, zeros2)


def _sc_count(dst, n):
    e = dst.shape[0]
    ew = e // NS
    c = 2000
    steps = ew // c
    rows_t = n // NS
    mesh = plsc.VectorSubcoreMesh(core_axis_name="c", subcore_axis_name="s")

    zeros8 = jnp.zeros((n, 8), jnp.float32)
    ones_c = jnp.ones((c, 8), jnp.float32)

    @functools.partial(
        pl.kernel,
        out_type=jax.ShapeDtypeStruct((n, 8), jnp.float32),
        mesh=mesh,
        compiler_params=pltpu.CompilerParams(use_tc_tiling_on_sc=False),
        scratch_types=[
            pltpu.VMEM((c,), jnp.int32),
            pltpu.VMEM((c, 8), jnp.float32),
            pltpu.VMEM_SHARED((n, 8), jnp.float32),
        ],
    )
    def k(dst_hbm, z8_hbm, one_hbm, cnt_hbm, idx_v, one_v, cacc):
        si = lax.axis_index("s")

        pltpu.sync_copy(z8_hbm.at[pl.ds(si * rows_t, rows_t)],
                        cacc.at[pl.ds(si * rows_t, rows_t)])
        pltpu.sync_copy(one_hbm, one_v)
        plsc.subcore_barrier()

        base = si * ew

        def step(i, carry):
            off = base + i * c
            pltpu.sync_copy(dst_hbm.at[pl.ds(off, c)], idx_v)
            pltpu.sync_copy(one_v, cacc.at[idx_v], add=True)
            return carry

        lax.fori_loop(0, steps, step, 0)
        plsc.subcore_barrier()

        pltpu.sync_copy(cacc.at[pl.ds(si * rows_t, rows_t)],
                        cnt_hbm.at[pl.ds(si * rows_t, rows_t)])

    return k(dst, zeros8, ones_c)[:, 0]




def kernel(x, sx, edge_index, edge_attr, tW1, tb1, tW2, tb2, sA1, sa1, sA2,
           sa2, sB1, sb1, sB2, sb2, mW1, mb1, mW2, mb2):
    n = x.shape[0]
    e = edge_index.shape[1]
    src, dst = edge_index[0], edge_index[1]

    x0, p1 = _dense_pre(x, sx, tW1, tb1, tW2, tb2, sA1, sa1)

    g1 = _sc_gather(p1, src)
    y1 = _edge_mlp(g1, edge_attr, sA1[40:44], sA2, sa2)
    s1 = _sc_segsum(y1, dst, n)
    cnt = _sc_count(dst, n)

    p2 = _dense_mid(s1, cnt, x0, sx, sB1, sb1)

    g2 = _sc_gather(p2, src)
    y2 = _edge_mlp(g2, edge_attr, sB1[104:108], sB2, sb2)
    s2 = _sc_segsum(y2, dst, n)

    return _dense_head(s2, cnt, x0, sx, mW1, mb1, mW2, mb2)

# --- scband reference (transcript-rebuilt; emitter-appended) ---
"""Pipeline reference for scband-spatio-temporal-gcn-nounemploy-8916352107115 (READ-ONLY COPY).

The authoritative reference and input builder live on the scoring server;
editing this copy changes nothing except your own understanding.
"""

import jax, jax.numpy as jnp
import numpy as np

N = 50000
E = 1600000

def _p(key, fan_in, shape):
    return jax.random.normal(key, shape, dtype=jnp.float32) * (1.0 / np.sqrt(fan_in))

def setup_inputs(seed: int = 0):
    key = jax.random.key(seed)
    ks = jax.random.split(key, 20)
    inp = {}
    inp['x'] = jax.random.normal(ks[0], (N, 28), dtype=jnp.float32)
    inp['sx'] = jax.random.normal(ks[1], (N, 8), dtype=jnp.float32)
    inp['edge_index'] = jax.random.randint(ks[2], (2, E), 0, N, dtype=jnp.int32)
    inp['edge_attr'] = jax.random.normal(ks[3], (E, 4), dtype=jnp.float32)
    inp['tW1'] = _p(ks[4], 36, (36, 32)); inp['tb1'] = jnp.zeros((32,), jnp.float32)
    inp['tW2'] = _p(ks[5], 32, (32, 32)); inp['tb2'] = jnp.zeros((32,), jnp.float32)
    inp['sA1'] = _p(ks[6], 44, (44, 32)); inp['sa1'] = jnp.zeros((32,), jnp.float32)
    inp['sA2'] = _p(ks[7], 32, (32, 64)); inp['sa2'] = jnp.zeros((64,), jnp.float32)
    inp['sB1'] = _p(ks[8], 108, (108, 64)); inp['sb1'] = jnp.zeros((64,), jnp.float32)
    inp['sB2'] = _p(ks[9], 64, (64, 64)); inp['sb2'] = jnp.zeros((64,), jnp.float32)
    inp['mW1'] = _p(ks[10], 104, (104, 16)); inp['mb1'] = jnp.zeros((16,), jnp.float32)
    inp['mW2'] = _p(ks[11], 16, (16, 1)); inp['mb2'] = jnp.zeros((1,), jnp.float32)
    return inp

def _seg_mean(msg, dst, n):
    s = jax.ops.segment_sum(msg, dst, num_segments=n)
    c = jax.ops.segment_sum(jnp.ones((msg.shape[0], 1), msg.dtype), dst, num_segments=n)
    return s / jnp.maximum(c, 1.0)

def _space_conv(xn, edge_attr, src, dst, W1, b1, W2, b2, n):
    m = jnp.concatenate([jnp.take(xn, src, axis=0), edge_attr], axis=-1)
    m = jax.nn.relu(m @ W1 + b1)
    m = jax.nn.relu(m @ W2 + b2)
    return _seg_mean(m, dst, n)

def reference(x, sx, edge_index, edge_attr, tW1, tb1, tW2, tb2, sA1, sa1, sA2, sa2, sB1, sb1, sB2, sb2, mW1, mb1, mW2, mb2):
    n = x.shape[0]
    src, dst = edge_index[0], edge_index[1]
    h = jnp.concatenate([x, sx], axis=-1)
    x0 = jax.nn.relu(jax.nn.relu(h @ tW1 + tb1) @ tW2 + tb2)
    h1 = jnp.concatenate([x0, sx], axis=-1)
    o1 = _space_conv(h1, edge_attr, src, dst, sA1, sa1, sA2, sa2, n)
    h2 = jnp.concatenate([o1, x0, sx], axis=-1)
    o2 = _space_conv(h2, edge_attr, src, dst, sB1, sb1, sB2, sb2, n)
    h3 = jnp.concatenate([o2, x0, sx], axis=-1)
    out = jax.nn.relu(h3 @ mW1 + mb1) @ mW2 + mb2
    return out

if __name__ == "__main__":
    import jax
    _d = setup_inputs()
    print(jax.jit(kernel)(*tuple(_d.values())))

</pallas_src>

<mosaic_0001>
#map = affine_map<(d0, d1) -> (0)>
#map1 = affine_map<(d0, d1) -> (0, 0)>
module attributes {stable_mosaic.version = 14 : i64} {
  func.func @k(%arg0: i32, %arg1: i32, %arg2: memref<1600000xi32, #tpu.memory_space<hbm>>, %arg3: memref<50000x8xf32, #tpu.memory_space<hbm>>, %arg4: memref<2000x8xf32, #tpu.memory_space<hbm>>, %arg5: memref<50000x8xf32, #tpu.memory_space<hbm>>, %arg6: memref<2000xi32, #tpu.memory_space<vmem>>, %arg7: memref<2000x8xf32, #tpu.memory_space<vmem>>, %arg8: memref<50000x8xf32, #tpu.memory_space<vmem_shared>>) attributes {dimension_semantics = [#tpu.dimension_semantics<core_parallel>, #tpu.dimension_semantics<subcore_parallel>], iteration_bounds = array<i64: 2, 16>, scalar_prefetch = 0 : i64, scratch_operands = 3 : i64, tpu.core_type = #tpu.core_type<sc_vector_subcore>, window_params = [{transform_indices = #map}, {transform_indices = #map1}, {transform_indices = #map1}, {transform_indices = #map1}]} {
    %mul3A = arith.constant 3125 : i32
    %mul3A_0 = arith.muli %arg1, %mul3A : i32
    %mul3A_1 = arith.constant 3125 : i32
    %mul3A_2 = arith.muli %arg1, %mul3A_1 : i32
    "tpu.region"() ({
      %run_scoped3A = tpu.sem_alloc : memref<!tpu.dma_semaphore, #tpu.memory_space<semaphore_mem>>
      %dma_start3A = arith.constant 0 : i32
      %dma_start3A_15 = tpu.memref_slice %arg8[%mul3A_2, %dma_start3A] : memref<50000x8xf32, #tpu.memory_space<vmem_shared>> -> memref<3125x8xf32, #tpu.memory_space<vmem_shared>>
      %dma_start3A_16 = arith.constant 0 : i32
      %dma_start3A_17 = tpu.memref_slice %arg3[%mul3A_0, %dma_start3A_16] : memref<50000x8xf32, #tpu.memory_space<hbm>> -> memref<3125x8xf32, #tpu.memory_space<hbm>>
      tpu.enqueue_dma source(%dma_start3A_17 : memref<3125x8xf32, #tpu.memory_space<hbm>>) target(%dma_start3A_15 : memref<3125x8xf32, #tpu.memory_space<vmem_shared>>) target_semaphore(%run_scoped3A : memref<!tpu.dma_semaphore, #tpu.memory_space<semaphore_mem>>)
      %dma_wait3A = arith.constant 0 : i32
      %dma_wait3A_18 = tpu.memref_slice %arg8[%mul3A_2, %dma_wait3A] : memref<50000x8xf32, #tpu.memory_space<vmem_shared>> -> memref<3125x8xf32, #tpu.memory_space<vmem_shared>>
      %dma_wait3A_19 = arith.constant 0 : i32
      %dma_wait3A_20 = tpu.memref_slice %arg3[%mul3A_0, %dma_wait3A_19] : memref<50000x8xf32, #tpu.memory_space<hbm>> -> memref<3125x8xf32, #tpu.memory_space<hbm>>
      tpu.wait_dma2 semaphore(%run_scoped3A : memref<!tpu.dma_semaphore, #tpu.memory_space<semaphore_mem>>) src(%dma_wait3A_20 : memref<3125x8xf32, #tpu.memory_space<hbm>>) dst(%dma_wait3A_18 : memref<3125x8xf32, #tpu.memory_space<vmem_shared>>)
      tpu.yield
    }) : () -> ()
    "tpu.region"() ({
      %run_scoped3A = tpu.sem_alloc : memref<!tpu.dma_semaphore, #tpu.memory_space<semaphore_mem>>
      tpu.enqueue_dma source(%arg4 : memref<2000x8xf32, #tpu.memory_space<hbm>>) target(%arg7 : memref<2000x8xf32, #tpu.memory_space<vmem>>) target_semaphore(%run_scoped3A : memref<!tpu.dma_semaphore, #tpu.memory_space<semaphore_mem>>)
      tpu.wait_dma2 semaphore(%run_scoped3A : memref<!tpu.dma_semaphore, #tpu.memory_space<semaphore_mem>>) src(%arg4 : memref<2000x8xf32, #tpu.memory_space<hbm>>) dst(%arg7 : memref<2000x8xf32, #tpu.memory_space<vmem>>)
      tpu.yield
    }) : () -> ()
    %barrier3A = arith.constant 0 : index
    tpu.barrier barrier_id(%barrier3A)
    %mul3A_3 = arith.constant 100000 : i32
    %mul3A_4 = arith.muli %arg1, %mul3A_3 : i32
    %scan3A = arith.constant 0 : i32
    %scan3A_5 = arith.constant 0 : i32
    %scan3A_6 = arith.constant 50 : i32
    %scan3A_7 = arith.addi %scan3A_5, %scan3A_6 : i32
    %scan3A_8 = arith.constant 1 : i32
    scf.for %scan3A_15 = %scan3A_5 to %scan3A_7 step %scan3A_8  : i32 {
      %mul3A_16 = arith.constant 2000 : i32
      %mul3A_17 = arith.muli %scan3A_15, %mul3A_16 : i32
      %add3A = arith.addi %mul3A_4, %mul3A_17 : i32
      "tpu.region"() ({
        %run_scoped3A = tpu.sem_alloc : memref<!tpu.dma_semaphore, #tpu.memory_space<semaphore_mem>>
        %dma_start3A = tpu.memref_slice %arg2[%add3A] : memref<1600000xi32, #tpu.memory_space<hbm>> -> memref<2000xi32, #tpu.memory_space<hbm>>
        %dma_start3A_18 = tpu.memref_slice %arg2[%add3A] : memref<1600000xi32, #tpu.memory_space<hbm>> -> memref<2000xi32, #tpu.memory_space<hbm>>
        tpu.enqueue_dma source(%dma_start3A_18 : memref<2000xi32, #tpu.memory_space<hbm>>) target(%arg6 : memref<2000xi32, #tpu.memory_space<vmem>>) target_semaphore(%run_scoped3A : memref<!tpu.dma_semaphore, #tpu.memory_space<semaphore_mem>>)
        %dma_wait3A = tpu.memref_slice %arg2[%add3A] : memref<1600000xi32, #tpu.memory_space<hbm>> -> memref<2000xi32, #tpu.memory_space<hbm>>
        %dma_wait3A_19 = tpu.memref_slice %arg2[%add3A] : memref<1600000xi32, #tpu.memory_space<hbm>> -> memref<2000xi32, #tpu.memory_space<hbm>>
        tpu.wait_dma2 semaphore(%run_scoped3A : memref<!tpu.dma_semaphore, #tpu.memory_space<semaphore_mem>>) src(%dma_wait3A_19 : memref<2000xi32, #tpu.memory_space<hbm>>) dst(%arg6 : memref<2000xi32, #tpu.memory_space<vmem>>)
        tpu.yield
      }) : () -> ()
      "tpu.region"() ({
        %run_scoped3A = tpu.sem_alloc : memref<!tpu.dma_semaphore, #tpu.memory_space<semaphore_mem>>
        %dma_start3A = arith.constant 0 : i32
        %dma_start3A_18 = arith.constant 0 : i32
        %dma_start3A_19 = tpu.memref_slice %arg8[%dma_start3A, %dma_start3A_18] : memref<50000x8xf32, #tpu.memory_space<vmem_shared>> -> memref<50000x8xf32, #tpu.memory_space<vmem_shared>>
        tpu.enqueue_indirect_dma source(%arg7 : memref<2000x8xf32, #tpu.memory_space<vmem>>) target(%dma_start3A_19 : memref<50000x8xf32, #tpu.memory_space<vmem_shared>>) offsets(%arg6 : memref<2000xi32, #tpu.memory_space<vmem>>) semaphore(%run_scoped3A : memref<!tpu.dma_semaphore, #tpu.memory_space<semaphore_mem>>) {add = true}
        %dma_wait3A = arith.constant 0 : i32
        %dma_wait3A_20 = arith.constant 0 : i32
        %dma_wait3A_21 = tpu.memref_slice %arg8[%dma_wait3A, %dma_wait3A_20] : memref<50000x8xf32, #tpu.memory_space<vmem_shared>> -> memref<50000x8xf32, #tpu.memory_space<vmem_shared>>
        tpu.wait_indirect_dma semaphore(%run_scoped3A : memref<!tpu.dma_semaphore, #tpu.memory_space<semaphore_mem>>) src(%arg7 : memref<2000x8xf32, #tpu.memory_space<vmem>>) dst(%dma_wait3A_21 : memref<50000x8xf32, #tpu.memory_space<vmem_shared>>)
        tpu.yield
      }) : () -> ()
    }
    %scan3A_9 = arith.constant 50 : i32
    %barrier3A_10 = arith.constant 0 : index
    tpu.barrier barrier_id(%barrier3A_10)
    %mul3A_11 = arith.constant 3125 : i32
    %mul3A_12 = arith.muli %arg1, %mul3A_11 : i32
    %mul3A_13 = arith.constant 3125 : i32
    %mul3A_14 = arith.muli %arg1, %mul3A_13 : i32
    "tpu.region"() ({
      %run_scoped3A = tpu.sem_alloc : memref<!tpu.dma_semaphore, #tpu.memory_space<semaphore_mem>>
      %dma_start3A = arith.constant 0 : i32
      %dma_start3A_15 = tpu.memref_slice %arg5[%mul3A_14, %dma_start3A] : memref<50000x8xf32, #tpu.memory_space<hbm>> -> memref<3125x8xf32, #tpu.memory_space<hbm>>
      %dma_start3A_16 = arith.constant 0 : i32
      %dma_start3A_17 = tpu.memref_slice %arg8[%mul3A_12, %dma_start3A_16] : memref<50000x8xf32, #tpu.memory_space<vmem_shared>> -> memref<3125x8xf32, #tpu.memory_space<vmem_shared>>
      tpu.enqueue_dma source(%dma_start3A_17 : memref<3125x8xf32, #tpu.memory_space<vmem_shared>>) target(%dma_start3A_15 : memref<3125x8xf32, #tpu.memory_space<hbm>>) target_semaphore(%run_scoped3A : memref<!tpu.dma_semaphore, #tpu.memory_space<semaphore_mem>>)
      %dma_wait3A = arith.constant 0 : i32
      %dma_wait3A_18 = tpu.memref_slice %arg5[%mul3A_14, %dma_wait3A] : memref<50000x8xf32, #tpu.memory_space<hbm>> -> memref<3125x8xf32, #tpu.memory_space<hbm>>
      %dma_wait3A_19 = arith.constant 0 : i32
      %dma_wait3A_20 = tpu.memref_slice %arg8[%mul3A_12, %dma_wait3A_19] : memref<50000x8xf32, #tpu.memory_space<vmem_shared>> -> memref<3125x8xf32, #tpu.memory_space<vmem_shared>>
      tpu.wait_dma2 semaphore(%run_scoped3A : memref<!tpu.dma_semaphore, #tpu.memory_space<semaphore_mem>>) src(%dma_wait3A_20 : memref<3125x8xf32, #tpu.memory_space<vmem_shared>>) dst(%dma_wait3A_18 : memref<3125x8xf32, #tpu.memory_space<hbm>>)
      tpu.yield
    }) : () -> ()
    return
  }
}

#map = affine_map<(d0, d1) -> (0, 0)>
#map1 = affine_map<(d0, d1) -> (0)>
#map2 = affine_map<(d0, d1) -> (0, 0, 0)>
module attributes {stable_mosaic.version = 14 : i64} {
  func.func @k(%arg0: i32, %arg1: i32, %arg2: memref<50000x64xf32, #tpu.memory_space<hbm>>, %arg3: memref<1600000xi32, #tpu.memory_space<hbm>>, %arg4: memref<2x400000x128xf32, #tpu.memory_space<hbm>>, %arg5: memref<400xi32, #tpu.memory_space<vmem>>, %arg6: memref<400xi32, #tpu.memory_space<vmem>>, %arg7: memref<400x64xf32, #tpu.memory_space<vmem>>, %arg8: memref<400x64xf32, #tpu.memory_space<vmem>>, %arg9: memref<!tpu.dma_semaphore, #tpu.memory_space<semaphore_mem>>, %arg10: memref<!tpu.dma_semaphore, #tpu.memory_space<semaphore_mem>>) attributes {dimension_semantics = [#tpu.dimension_semantics<core_parallel>, #tpu.dimension_semantics<subcore_parallel>], iteration_bounds = array<i64: 2, 16>, scalar_prefetch = 0 : i64, scratch_operands = 6 : i64, tpu.core_type = #tpu.core_type<sc_vector_subcore>, window_params = [{transform_indices = #map}, {transform_indices = #map1}, {transform_indices = #map2}]} {
    %mul3A = arith.constant 2 : i32
    %mul3A_0 = arith.muli %arg1, %mul3A : i32
    %add3A = arith.addi %mul3A_0, %arg0 : i32
    %jit3A = arith.constant 8 : i32
    %div3A = arith.divsi %add3A, %jit3A : i32
    %sign3A = arith.constant 0 : i32
    %sign3A_1 = arith.cmpi sgt, %add3A, %sign3A : i32
    %sign3A_2 = arith.extui %sign3A_1 : i1 to i32
    %sign3A_3 = arith.constant 0 : i32
    %sign3A_4 = arith.cmpi slt, %add3A, %sign3A_3 : i32
    %sign3A_5 = arith.extui %sign3A_4 : i1 to i32
    %sign3A_6 = arith.subi %sign3A_2, %sign3A_5 : i32
    %sign3A_7 = arith.constant 0 : i32
    %sign3A_8 = arith.cmpi sgt, %jit3A, %sign3A_7 : i32
    %sign3A_9 = arith.extui %sign3A_8 : i1 to i32
    %sign3A_10 = arith.constant 0 : i32
    %sign3A_11 = arith.cmpi slt, %jit3A, %sign3A_10 : i32
    %sign3A_12 = arith.extui %sign3A_11 : i1 to i32
    %sign3A_13 = arith.subi %sign3A_9, %sign3A_12 : i32
    %ne3A = arith.cmpi ne, %sign3A_6, %sign3A_13 : i32
    %rem3A = arith.remsi %add3A, %jit3A : i32
    %ne3A_14 = arith.constant 0 : i32
    %ne3A_15 = arith.cmpi ne, %rem3A, %ne3A_14 : i32
    %and3A = arith.andi %ne3A, %ne3A_15 : i1
    %sub3A = arith.constant 1 : i32
    %sub3A_16 = arith.subi %div3A, %sub3A : i32
    %select_n3A = arith.select %and3A, %sub3A_16, %div3A : i32
    %jit3A_17 = arith.constant 8 : i32
    %eq3A = arith.constant 0 : i32
    %eq3A_18 = arith.cmpi eq, %jit3A_17, %eq3A : i32
    %jit3A_19 = arith.constant 1 : i32
    %select_n3A_20 = arith.select %eq3A_18, %jit3A_19, %jit3A_17 : i32
    %rem3A_21 = arith.remsi %add3A, %select_n3A_20 : i32
    %ne3A_22 = arith.constant 0 : i32
    %ne3A_23 = arith.cmpi ne, %rem3A_21, %ne3A_22 : i32
    %lt3A = arith.constant 0 : i32
    %lt3A_24 = arith.cmpi slt, %rem3A_21, %lt3A : i32
    %lt3A_25 = arith.constant 0 : i32
    %lt3A_26 = arith.cmpi slt, %select_n3A_20, %lt3A_25 : i32
    %ne3A_27 = arith.xori %lt3A_24, %lt3A_26 : i1
    %and3A_28 = arith.andi %ne3A_27, %ne3A_23 : i1
    %add3A_29 = arith.addi %rem3A_21, %select_n3A_20 : i32
    %select_n3A_30 = arith.select %and3A_28, %add3A_29, %rem3A_21 : i32
    %mul3A_31 = arith.constant 50000 : i32
    %mul3A_32 = arith.muli %select_n3A_30, %mul3A_31 : i32
    %mul3A_33 = arith.constant 50000 : i32
    %mul3A_34 = arith.muli %add3A, %mul3A_33 : i32
    %add3A_35 = arith.constant 0 : i32
    %add3A_36 = arith.addi %mul3A_34, %add3A_35 : i32
    "tpu.region"() ({
      %run_scoped3A = tpu.sem_alloc : memref<!tpu.dma_semaphore, #tpu.memory_space<semaphore_mem>>
      %dma_start3A_90 = tpu.memref_slice %arg3[%add3A_36] : memref<1600000xi32, #tpu.memory_space<hbm>> -> memref<400xi32, #tpu.memory_space<hbm>>
      %dma_start3A_91 = tpu.memref_slice %arg3[%add3A_36] : memref<1600000xi32, #tpu.memory_space<hbm>> -> memref<400xi32, #tpu.memory_space<hbm>>
      tpu.enqueue_dma source(%dma_start3A_91 : memref<400xi32, #tpu.memory_space<hbm>>) target(%arg5 : memref<400xi32, #tpu.memory_space<vmem>>) target_semaphore(%run_scoped3A : memref<!tpu.dma_semaphore, #tpu.memory_space<semaphore_mem>>)
      %dma_wait3A_92 = tpu.memref_slice %arg3[%add3A_36] : memref<1600000xi32, #tpu.memory_space<hbm>> -> memref<400xi32, #tpu.memory_space<hbm>>
      %dma_wait3A_93 = tpu.memref_slice %arg3[%add3A_36] : memref<1600000xi32, #tpu.memory_space<hbm>> -> memref<400xi32, #tpu.memory_space<hbm>>
      tpu.wait_dma2 semaphore(%run_scoped3A : memref<!tpu.dma_semaphore, #tpu.memory_space<semaphore_mem>>) src(%dma_wait3A_93 : memref<400xi32, #tpu.memory_space<hbm>>) dst(%arg5 : memref<400xi32, #tpu.memory_space<vmem>>)
      tpu.yield
    }) : () -> ()
    %dma_start3A = arith.constant 0 : i32
    %dma_start3A_37 = arith.constant 0 : i32
    %dma_start3A_38 = tpu.memref_slice %arg2[%dma_start3A, %dma_start3A_37] : memref<50000x64xf32, #tpu.memory_space<hbm>> -> memref<50000x64xf32, #tpu.memory_space<hbm>>
    tpu.enqueue_indirect_dma source(%dma_start3A_38 : memref<50000x64xf32, #tpu.memory_space<hbm>>) target(%arg7 : memref<400x64xf32, #tpu.memory_space<vmem>>) offsets(%arg5 : memref<400xi32, #tpu.memory_space<vmem>>) semaphore(%arg9 : memref<!tpu.dma_semaphore, #tpu.memory_space<semaphore_mem>>)
    %scan3A = arith.constant 0 : i32
    %scan3A_39 = arith.constant 0 : i32
    %scan3A_40 = arith.constant 62 : i32
    %scan3A_41 = arith.addi %scan3A_39, %scan3A_40 : i32
    %scan3A_42 = arith.constant 1 : i32
    scf.for %scan3A_90 = %scan3A_39 to %scan3A_41 step %scan3A_42  : i32 {
      %mul3A_91 = arith.constant 2 : i32
      %mul3A_92 = arith.muli %mul3A_91, %scan3A_90 : i32
      %add3A_93 = arith.constant 1 : i32
      %add3A_94 = arith.addi %mul3A_92, %add3A_93 : i32
      %mul3A_95 = arith.constant 400 : i32
      %mul3A_96 = arith.muli %add3A_94, %mul3A_95 : i32
      %add3A_97 = arith.addi %mul3A_34, %mul3A_96 : i32
      "tpu.region"() ({
        %run_scoped3A = tpu.sem_alloc : memref<!tpu.dma_semaphore, #tpu.memory_space<semaphore_mem>>
        %dma_start3A_208 = tpu.memref_slice %arg3[%add3A_97] : memref<1600000xi32, #tpu.memory_space<hbm>> -> memref<400xi32, #tpu.memory_space<hbm>>
        %dma_start3A_209 = tpu.memref_slice %arg3[%add3A_97] : memref<1600000xi32, #tpu.memory_space<hbm>> -> memref<400xi32, #tpu.memory_space<hbm>>
        tpu.enqueue_dma source(%dma_start3A_209 : memref<400xi32, #tpu.memory_space<hbm>>) target(%arg6 : memref<400xi32, #tpu.memory_space<vmem>>) target_semaphore(%run_scoped3A : memref<!tpu.dma_semaphore, #tpu.memory_space<semaphore_mem>>)
        %dma_wait3A_210 = tpu.memref_slice %arg3[%add3A_97] : memref<1600000xi32, #tpu.memory_space<hbm>> -> memref<400xi32, #tpu.memory_space<hbm>>
        %dma_wait3A_211 = tpu.memref_slice %arg3[%add3A_97] : memref<1600000xi32, #tpu.memory_space<hbm>> -> memref<400xi32, #tpu.memory_space<hbm>>
        tpu.wait_dma2 semaphore(%run_scoped3A : memref<!tpu.dma_semaphore, #tpu.memory_space<semaphore_mem>>) src(%dma_wait3A_211 : memref<400xi32, #tpu.memory_space<hbm>>) dst(%arg6 : memref<400xi32, #tpu.memory_space<vmem>>)
        tpu.yield
      }) : () -> ()
      %dma_start3A_98 = arith.constant 0 : i32
      %dma_start3A_99 = arith.constant 0 : i32
      %dma_start3A_100 = tpu.memref_slice %arg2[%dma_start3A_98, %dma_start3A_99] : memref<50000x64xf32, #tpu.memory_space<hbm>> -> memref<50000x64xf32, #tpu.memory_space<hbm>>
      tpu.enqueue_indirect_dma source(%dma_start3A_100 : memref<50000x64xf32, #tpu.memory_space<hbm>>) target(%arg8 : memref<400x64xf32, #tpu.memory_space<vmem>>) offsets(%arg6 : memref<400xi32, #tpu.memory_space<vmem>>) semaphore(%arg10 : memref<!tpu.dma_semaphore, #tpu.memory_space<semaphore_mem>>)
      %dma_wait3A_101 = arith.constant 0 : i32
      %dma_wait3A_102 = arith.constant 0 : i32
      %dma_wait3A_103 = tpu.memref_slice %arg2[%dma_wait3A_101, %dma_wait3A_102] : memref<50000x64xf32, #tpu.memory_space<hbm>> -> memref<50000x64xf32, #tpu.memory_space<hbm>>
      tpu.wait_indirect_dma semaphore(%arg9 : memref<!tpu.dma_semaphore, #tpu.memory_space<semaphore_mem>>) src(%dma_wait3A_103 : memref<50000x64xf32, #tpu.memory_space<hbm>>) dst(%arg7 : memref<400x64xf32, #tpu.memory_space<vmem>>)
      %mul3A_104 = arith.constant 400 : i32
      %mul3A_105 = arith.muli %mul3A_92, %mul3A_104 : i32
      %add3A_106 = arith.addi %mul3A_32, %mul3A_105 : i32
      %jit3A_107 = arith.constant 2 : i32
      %div3A_108 = arith.divsi %select_n3A, %jit3A_107 : i32
      %sign3A_109 = arith.constant 0 : i32
      %sign3A_110 = arith.cmpi sgt, %select_n3A, %sign3A_109 : i32
      %sign3A_111 = arith.extui %sign3A_110 : i1 to i32
      %sign3A_112 = arith.constant 0 : i32
      %sign3A_113 = arith.cmpi slt, %select_n3A, %sign3A_112 : i32
      %sign3A_114 = arith.extui %sign3A_113 : i1 to i32
      %sign3A_115 = arith.subi %sign3A_111, %sign3A_114 : i32
      %sign3A_116 = arith.constant 0 : i32
      %sign3A_117 = arith.cmpi sgt, %jit3A_107, %sign3A_116 : i32
      %sign3A_118 = arith.extui %sign3A_117 : i1 to i32
      %sign3A_119 = arith.constant 0 : i32
      %sign3A_120 = arith.cmpi slt, %jit3A_107, %sign3A_119 : i32
      %sign3A_121 = arith.extui %sign3A_120 : i1 to i32
      %sign3A_122 = arith.subi %sign3A_118, %sign3A_121 : i32
      %ne3A_123 = arith.cmpi ne, %sign3A_115, %sign3A_122 : i32
      %rem3A_124 = arith.remsi %select_n3A, %jit3A_107 : i32
      %ne3A_125 = arith.constant 0 : i32
      %ne3A_126 = arith.cmpi ne, %rem3A_124, %ne3A_125 : i32
      %and3A_127 = arith.andi %ne3A_123, %ne3A_126 : i1
      %sub3A_128 = arith.constant 1 : i32
      %sub3A_129 = arith.subi %div3A_108, %sub3A_128 : i32
      %select_n3A_130 = arith.select %and3A_127, %sub3A_129, %div3A_108 : i32
      %jit3A_131 = arith.constant 2 : i32
      %eq3A_132 = arith.constant 0 : i32
      %eq3A_133 = arith.cmpi eq, %jit3A_131, %eq3A_132 : i32
      %jit3A_134 = arith.constant 1 : i32
      %select_n3A_135 = arith.select %eq3A_133, %jit3A_134, %jit3A_131 : i32
      %rem3A_136 = arith.remsi %select_n3A, %select_n3A_135 : i32
      %ne3A_137 = arith.constant 0 : i32
      %ne3A_138 = arith.cmpi ne, %rem3A_136, %ne3A_137 : i32
      %lt3A_139 = arith.constant 0 : i32
      %lt3A_140 = arith.cmpi slt, %rem3A_136, %lt3A_139 : i32
      %lt3A_141 = arith.constant 0 : i32
      %lt3A_142 = arith.cmpi slt, %select_n3A_135, %lt3A_141 : i32
      %ne3A_143 = arith.xori %lt3A_140, %lt3A_142 : i1
      %and3A_144 = arith.andi %ne3A_143, %ne3A_138 : i1
      %add3A_145 = arith.addi %rem3A_136, %select_n3A_135 : i32
      %select_n3A_146 = arith.select %and3A_144, %add3A_145, %rem3A_136 : i32
      %mul3A_147 = arith.constant 64 : i32
      %mul3A_148 = arith.muli %select_n3A_146, %mul3A_147 : i32
      "tpu.region"() ({
        %run_scoped3A = tpu.sem_alloc : memref<!tpu.dma_semaphore, #tpu.memory_space<semaphore_mem>>
        %dma_start3A_208 = tpu.memref_slice %arg4[%select_n3A_130, %add3A_106, %mul3A_148] : memref<2x400000x128xf32, #tpu.memory_space<hbm>> -> memref<1x400x64xf32, #tpu.memory_space<hbm>>
        %dma_start3A_209 = tpu.memref_squeeze %dma_start3A_208 : memref<1x400x64xf32, #tpu.memory_space<hbm>> -> memref<400x64xf32, #tpu.memory_space<hbm>>
        %dma_start3A_210 = tpu.memref_slice %arg4[%select_n3A_130, %add3A_106, %mul3A_148] : memref<2x400000x128xf32, #tpu.memory_space<hbm>> -> memref<1x400x64xf32, #tpu.memory_space<hbm>>
        %dma_start3A_211 = tpu.memref_squeeze %dma_start3A_210 : memref<1x400x64xf32, #tpu.memory_space<hbm>> -> memref<400x64xf32, #tpu.memory_space<hbm>>
        tpu.enqueue_dma source(%arg7 : memref<400x64xf32, #tpu.memory_space<vmem>>) target(%dma_start3A_211 : memref<400x64xf32, #tpu.memory_space<hbm>>) target_semaphore(%run_scoped3A : memref<!tpu.dma_semaphore, #tpu.memory_space<semaphore_mem>>)
        %dma_wait3A_212 = tpu.memref_slice %arg4[%select_n3A_130, %add3A_106, %mul3A_148] : memref<2x400000x128xf32, #tpu.memory_space<hbm>> -> memref<1x400x64xf32, #tpu.memory_space<hbm>>
        %dma_wait3A_213 = tpu.memref_squeeze %dma_wait3A_212 : memref<1x400x64xf32, #tpu.memory_space<hbm>> -> memref<400x64xf32, #tpu.memory_space<hbm>>
        %dma_wait3A_214 = tpu.memref_slice %arg4[%select_n3A_130, %add3A_106, %mul3A_148] : memref<2x400000x128xf32, #tpu.memory_space<hbm>> -> memref<1x400x64xf32, #tpu.memory_space<hbm>>
        %dma_wait3A_215 = tpu.memref_squeeze %dma_wait3A_214 : memref<1x400x64xf32, #tpu.memory_space<hbm>> -> memref<400x64xf32, #tpu.memory_space<hbm>>
        tpu.wait_dma2 semaphore(%run_scoped3A : memref<!tpu.dma_semaphore, #tpu.memory_space<semaphore_mem>>) src(%arg7 : memref<400x64xf32, #tpu.memory_space<vmem>>) dst(%dma_wait3A_215 : memref<400x64xf32, #tpu.memory_space<hbm>>)
        tpu.yield
      }) : () -> ()
      %add3A_149 = arith.constant 2 : i32
      %add3A_150 = arith.addi %mul3A_92, %add3A_149 : i32
      %min3A = arith.constant 124 : i32
      %min3A_151 = arith.minsi %add3A_150, %min3A : i32
      %mul3A_152 = arith.constant 400 : i32
      %mul3A_153 = arith.muli %min3A_151, %mul3A_152 : i32
      %add3A_154 = arith.addi %mul3A_34, %mul3A_153 : i32
      "tpu.region"() ({
        %run_scoped3A = tpu.sem_alloc : memref<!tpu.dma_semaphore, #tpu.memory_space<semaphore_mem>>
        %dma_start3A_208 = tpu.memref_slice %arg3[%add3A_154] : memref<1600000xi32, #tpu.memory_space<hbm>> -> memref<400xi32, #tpu.memory_space<hbm>>
        %dma_start3A_209 = tpu.memref_slice %arg3[%add3A_154] : memref<1600000xi32, #tpu.memory_space<hbm>> -> memref<400xi32, #tpu.memory_space<hbm>>
        tpu.enqueue_dma source(%dma_start3A_209 : memref<400xi32, #tpu.memory_space<hbm>>) target(%arg5 : memref<400xi32, #tpu.memory_space<vmem>>) target_semaphore(%run_scoped3A : memref<!tpu.dma_semaphore, #tpu.memory_space<semaphore_mem>>)
        %dma_wait3A_210 = tpu.memref_slice %arg3[%add3A_154] : memref<1600000xi32, #tpu.memory_space<hbm>> -> memref<400xi32, #tpu.memory_space<hbm>>
        %dma_wait3A_211 = tpu.memref_slice %arg3[%add3A_154] : memref<1600000xi32, #tpu.memory_space<hbm>> -> memref<400xi32, #tpu.memory_space<hbm>>
        tpu.wait_dma2 semaphore(%run_scoped3A : memref<!tpu.dma_semaphore, #tpu.memory_space<semaphore_mem>>) src(%dma_wait3A_211 : memref<400xi32, #tpu.memory_space<hbm>>) dst(%arg5 : memref<400xi32, #tpu.memory_space<vmem>>)
        tpu.yield
      }) : () -> ()
      %dma_start3A_155 = arith.constant 0 : i32
      %dma_start3A_156 = arith.constant 0 : i32
      %dma_start3A_157 = tpu.memref_slice %arg2[%dma_start3A_155, %dma_start3A_156] : memref<50000x64xf32, #tpu.memory_space<hbm>> -> memref<50000x64xf32, #tpu.memory_space<hbm>>
      tpu.enqueue_indirect_dma source(%dma_start3A_157 : memref<50000x64xf32, #tpu.memory_space<hbm>>) target(%arg7 : memref<400x64xf32, #tpu.memory_space<vmem>>) offsets(%arg5 : memref<400xi32, #tpu.memory_space<vmem>>) semaphore(%arg9 : memref<!tpu.dma_semaphore, #tpu.memory_space<semaphore_mem>>)
      %dma_wait3A_158 = arith.constant 0 : i32
      %dma_wait3A_159 = arith.constant 0 : i32
      %dma_wait3A_160 = tpu.memref_slice %arg2[%dma_wait3A_158, %dma_wait3A_159] : memref<50000x64xf32, #tpu.memory_space<hbm>> -> memref<50000x64xf32, #tpu.memory_space<hbm>>
      tpu.wait_indirect_dma semaphore(%arg10 : memref<!tpu.dma_semaphore, #tpu.memory_space<semaphore_mem>>) src(%dma_wait3A_160 : memref<50000x64xf32, #tpu.memory_space<hbm>>) dst(%arg8 : memref<400x64xf32, #tpu.memory_space<vmem>>)
      %add3A_161 = arith.constant 1 : i32
      %add3A_162 = arith.addi %mul3A_92, %add3A_161 : i32
      %mul3A_163 = arith.constant 400 : i32
      %mul3A_164 = arith.muli %add3A_162, %mul3A_163 : i32
      %add3A_165 = arith.addi %mul3A_32, %mul3A_164 : i32
      %jit3A_166 = arith.constant 2 : i32
      %div3A_167 = arith.divsi %select_n3A, %jit3A_166 : i32
      %sign3A_168 = arith.constant 0 : i32
      %sign3A_169 = arith.cmpi sgt, %select_n3A, %sign3A_168 : i32
      %sign3A_170 = arith.extui %sign3A_169 : i1 to i32
      %sign3A_171 = arith.constant 0 : i32
      %sign3A_172 = arith.cmpi slt, %select_n3A, %sign3A_171 : i32
      %sign3A_173 = arith.extui %sign3A_172 : i1 to i32
      %sign3A_174 = arith.subi %sign3A_170, %sign3A_173 : i32
      %sign3A_175 = arith.constant 0 : i32
      %sign3A_176 = arith.cmpi sgt, %jit3A_166, %sign3A_175 : i32
      %sign3A_177 = arith.extui %sign3A_176 : i1 to i32
      %sign3A_178 = arith.constant 0 : i32
      %sign3A_179 = arith.cmpi slt, %jit3A_166, %sign3A_178 : i32
      %sign3A_180 = arith.extui %sign3A_179 : i1 to i32
      %sign3A_181 = arith.subi %sign3A_177, %sign3A_180 : i32
      %ne3A_182 = arith.cmpi ne, %sign3A_174, %sign3A_181 : i32
      %rem3A_183 = arith.remsi %select_n3A, %jit3A_166 : i32
      %ne3A_184 = arith.constant 0 : i32
      %ne3A_185 = arith.cmpi ne, %rem3A_183, %ne3A_184 : i32
      %and3A_186 = arith.andi %ne3A_182, %ne3A_185 : i1
      %sub3A_187 = arith.constant 1 : i32
      %sub3A_188 = arith.subi %div3A_167, %sub3A_187 : i32
      %select_n3A_189 = arith.select %and3A_186, %sub3A_188, %div3A_167 : i32
      %jit3A_190 = arith.constant 2 : i32
      %eq3A_191 = arith.constant 0 : i32
      %eq3A_192 = arith.cmpi eq, %jit3A_190, %eq3A_191 : i32
      %jit3A_193 = arith.constant 1 : i32
      %select_n3A_194 = arith.select %eq3A_192, %jit3A_193, %jit3A_190 : i32
      %rem3A_195 = arith.remsi %select_n3A, %select_n3A_194 : i32
      %ne3A_196 = arith.constant 0 : i32
      %ne3A_197 = arith.cmpi ne, %rem3A_195, %ne3A_196 : i32
      %lt3A_198 = arith.constant 0 : i32
      %lt3A_199 = arith.cmpi slt, %rem3A_195, %lt3A_198 : i32
      %lt3A_200 = arith.constant 0 : i32
      %lt3A_201 = arith.cmpi slt, %select_n3A_194, %lt3A_200 : i32
      %ne3A_202 = arith.xori %lt3A_199, %lt3A_201 : i1
      %and3A_203 = arith.andi %ne3A_202, %ne3A_197 : i1
      %add3A_204 = arith.addi %rem3A_195, %select_n3A_194 : i32
      %select_n3A_205 = arith.select %and3A_203, %add3A_204, %rem3A_195 : i32
      %mul3A_206 = arith.constant 64 : i32
      %mul3A_207 = arith.muli %select_n3A_205, %mul3A_206 : i32
      "tpu.region"() ({
        %run_scoped3A = tpu.sem_alloc : memref<!tpu.dma_semaphore, #tpu.memory_space<semaphore_mem>>
        %dma_start3A_208 = tpu.memref_slice %arg4[%select_n3A_189, %add3A_165, %mul3A_207] : memref<2x400000x128xf32, #tpu.memory_space<hbm>> -> memref<1x400x64xf32, #tpu.memory_space<hbm>>
        %dma_start3A_209 = tpu.memref_squeeze %dma_start3A_208 : memref<1x400x64xf32, #tpu.memory_space<hbm>> -> memref<400x64xf32, #tpu.memory_space<hbm>>
        %dma_start3A_210 = tpu.memref_slice %arg4[%select_n3A_189, %add3A_165, %mul3A_207] : memref<2x400000x128xf32, #tpu.memory_space<hbm>> -> memref<1x400x64xf32, #tpu.memory_space<hbm>>
        %dma_start3A_211 = tpu.memref_squeeze %dma_start3A_210 : memref<1x400x64xf32, #tpu.memory_space<hbm>> -> memref<400x64xf32, #tpu.memory_space<hbm>>
        tpu.enqueue_dma source(%arg8 : memref<400x64xf32, #tpu.memory_space<vmem>>) target(%dma_start3A_211 : memref<400x64xf32, #tpu.memory_space<hbm>>) target_semaphore(%run_scoped3A : memref<!tpu.dma_semaphore, #tpu.memory_space<semaphore_mem>>)
        %dma_wait3A_212 = tpu.memref_slice %arg4[%select_n3A_189, %add3A_165, %mul3A_207] : memref<2x400000x128xf32, #tpu.memory_space<hbm>> -> memref<1x400x64xf32, #tpu.memory_space<hbm>>
        %dma_wait3A_213 = tpu.memref_squeeze %dma_wait3A_212 : memref<1x400x64xf32, #tpu.memory_space<hbm>> -> memref<400x64xf32, #tpu.memory_space<hbm>>
        %dma_wait3A_214 = tpu.memref_slice %arg4[%select_n3A_189, %add3A_165, %mul3A_207] : memref<2x400000x128xf32, #tpu.memory_space<hbm>> -> memref<1x400x64xf32, #tpu.memory_space<hbm>>
        %dma_wait3A_215 = tpu.memref_squeeze %dma_wait3A_214 : memref<1x400x64xf32, #tpu.memory_space<hbm>> -> memref<400x64xf32, #tpu.memory_space<hbm>>
        tpu.wait_dma2 semaphore(%run_scoped3A : memref<!tpu.dma_semaphore, #tpu.memory_space<semaphore_mem>>) src(%arg8 : memref<400x64xf32, #tpu.memory_space<vmem>>) dst(%dma_wait3A_215 : memref<400x64xf32, #tpu.memory_space<hbm>>)
        tpu.yield
      }) : () -> ()
    }
    %scan3A_43 = arith.constant 62 : i32
    %dma_wait3A = arith.constant 0 : i32
    %dma_wait3A_44 = arith.constant 0 : i32
    %dma_wait3A_45 = tpu.memref_slice %arg2[%dma_wait3A, %dma_wait3A_44] : memref<50000x64xf32, #tpu.memory_space<hbm>> -> memref<50000x64xf32, #tpu.memory_space<hbm>>
    tpu.wait_indirect_dma semaphore(%arg9 : memref<!tpu.dma_semaphore, #tpu.memory_space<semaphore_mem>>) src(%dma_wait3A_45 : memref<50000x64xf32, #tpu.memory_space<hbm>>) dst(%arg7 : memref<400x64xf32, #tpu.memory_space<vmem>>)
    %add3A_46 = arith.constant 49600 : i32
    %add3A_47 = arith.addi %mul3A_32, %add3A_46 : i32
    %jit3A_48 = arith.constant 2 : i32
    %div3A_49 = arith.divsi %select_n3A, %jit3A_48 : i32
    %sign3A_50 = arith.constant 0 : i32
    %sign3A_51 = arith.cmpi sgt, %select_n3A, %sign3A_50 : i32
    %sign3A_52 = arith.extui %sign3A_51 : i1 to i32
    %sign3A_53 = arith.constant 0 : i32
    %sign3A_54 = arith.cmpi slt, %select_n3A, %sign3A_53 : i32
    %sign3A_55 = arith.extui %sign3A_54 : i1 to i32
    %sign3A_56 = arith.subi %sign3A_52, %sign3A_55 : i32
    %sign3A_57 = arith.constant 0 : i32
    %sign3A_58 = arith.cmpi sgt, %jit3A_48, %sign3A_57 : i32
    %sign3A_59 = arith.extui %sign3A_58 : i1 to i32
    %sign3A_60 = arith.constant 0 : i32
    %sign3A_61 = arith.cmpi slt, %jit3A_48, %sign3A_60 : i32
    %sign3A_62 = arith.extui %sign3A_61 : i1 to i32
    %sign3A_63 = arith.subi %sign3A_59, %sign3A_62 : i32
    %ne3A_64 = arith.cmpi ne, %sign3A_56, %sign3A_63 : i32
    %rem3A_65 = arith.remsi %select_n3A, %jit3A_48 : i32
    %ne3A_66 = arith.constant 0 : i32
    %ne3A_67 = arith.cmpi ne, %rem3A_65, %ne3A_66 : i32
    %and3A_68 = arith.andi %ne3A_64, %ne3A_67 : i1
    %sub3A_69 = arith.constant 1 : i32
    %sub3A_70 = arith.subi %div3A_49, %sub3A_69 : i32
    %select_n3A_71 = arith.select %and3A_68, %sub3A_70, %div3A_49 : i32
    %jit3A_72 = arith.constant 2 : i32
    %eq3A_73 = arith.constant 0 : i32
    %eq3A_74 = arith.cmpi eq, %jit3A_72, %eq3A_73 : i32
    %jit3A_75 = arith.constant 1 : i32
    %select_n3A_76 = arith.select %eq3A_74, %jit3A_75, %jit3A_72 : i32
    %rem3A_77 = arith.remsi %select_n3A, %select_n3A_76 : i32
    %ne3A_78 = arith.constant 0 : i32
    %ne3A_79 = arith.cmpi ne, %rem3A_77, %ne3A_78 : i32
    %lt3A_80 = arith.constant 0 : i32
    %lt3A_81 = arith.cmpi slt, %rem3A_77, %lt3A_80 : i32
    %lt3A_82 = arith.constant 0 : i32
    %lt3A_83 = arith.cmpi slt, %select_n3A_76, %lt3A_82 : i32
    %ne3A_84 = arith.xori %lt3A_81, %lt3A_83 : i1
    %and3A_85 = arith.andi %ne3A_84, %ne3A_79 : i1
    %add3A_86 = arith.addi %rem3A_77, %select_n3A_76 : i32
    %select_n3A_87 = arith.select %and3A_85, %add3A_86, %rem3A_77 : i32
    %mul3A_88 = arith.constant 64 : i32
    %mul3A_89 = arith.muli %select_n3A_87, %mul3A_88 : i32
    "tpu.region"() ({
      %run_scoped3A = tpu.sem_alloc : memref<!tpu.dma_semaphore, #tpu.memory_space<semaphore_mem>>
      %dma_start3A_90 = tpu.memref_slice %arg4[%select_n3A_71, %add3A_47, %mul3A_89] : memref<2x400000x128xf32, #tpu.memory_space<hbm>> -> memref<1x400x64xf32, #tpu.memory_space<hbm>>
      %dma_start3A_91 = tpu.memref_squeeze %dma_start3A_90 : memref<1x400x64xf32, #tpu.memory_space<hbm>> -> memref<400x64xf32, #tpu.memory_space<hbm>>
      %dma_start3A_92 = tpu.memref_slice %arg4[%select_n3A_71, %add3A_47, %mul3A_89] : memref<2x400000x128xf32, #tpu.memory_space<hbm>> -> memref<1x400x64xf32, #tpu.memory_space<hbm>>
      %dma_start3A_93 = tpu.memref_squeeze %dma_start3A_92 : memref<1x400x64xf32, #tpu.memory_space<hbm>> -> memref<400x64xf32, #tpu.memory_space<hbm>>
      tpu.enqueue_dma source(%arg7 : memref<400x64xf32, #tpu.memory_space<vmem>>) target(%dma_start3A_93 : memref<400x64xf32, #tpu.memory_space<hbm>>) target_semaphore(%run_scoped3A : memref<!tpu.dma_semaphore, #tpu.memory_space<semaphore_mem>>)
      %dma_wait3A_94 = tpu.memref_slice %arg4[%select_n3A_71, %add3A_47, %mul3A_89] : memref<2x400000x128xf32, #tpu.memory_space<hbm>> -> memref<1x400x64xf32, #tpu.memory_space<hbm>>
      %dma_wait3A_95 = tpu.memref_squeeze %dma_wait3A_94 : memref<1x400x64xf32, #tpu.memory_space<hbm>> -> memref<400x64xf32, #tpu.memory_space<hbm>>
      %dma_wait3A_96 = tpu.memref_slice %arg4[%select_n3A_71, %add3A_47, %mul3A_89] : memref<2x400000x128xf32, #tpu.memory_space<hbm>> -> memref<1x400x64xf32, #tpu.memory_space<hbm>>
      %dma_wait3A_97 = tpu.memref_squeeze %dma_wait3A_96 : memref<1x400x64xf32, #tpu.memory_space<hbm>> -> memref<400x64xf32, #tpu.memory_space<hbm>>
      tpu.wait_dma2 semaphore(%run_scoped3A : memref<!tpu.dma_semaphore, #tpu.memory_space<semaphore_mem>>) src(%arg7 : memref<400x64xf32, #tpu.memory_space<vmem>>) dst(%dma_wait3A_97 : memref<400x64xf32, #tpu.memory_space<hbm>>)
      tpu.yield
    }) : () -> ()
    return
  }
}

#map = affine_map<(d0, d1) -> (0, 0, 0)>
#map1 = affine_map<(d0, d1) -> (0)>
#map2 = affine_map<(d0, d1) -> (0, 0)>
module attributes {stable_mosaic.version = 14 : i64} {
  func.func @k(%arg0: i32, %arg1: i32, %arg2: memref<2x400000x128xf32, #tpu.memory_space<hbm>>, %arg3: memref<1600000xi32, #tpu.memory_space<hbm>>, %arg4: memref<50000x32xf32, #tpu.memory_space<hbm>>, %arg5: memref<2x50000x32xf32, #tpu.memory_space<hbm>>, %arg6: memref<400xi32, #tpu.memory_space<vmem>>, %arg7: memref<400xi32, #tpu.memory_space<vmem>>, %arg8: memref<400x32xf32, #tpu.memory_space<vmem>>, %arg9: memref<400x32xf32, #tpu.memory_space<vmem>>, %arg10: memref<!tpu.dma_semaphore, #tpu.memory_space<semaphore_mem>>, %arg11: memref<!tpu.dma_semaphore, #tpu.memory_space<semaphore_mem>>, %arg12: memref<50000x32xf32, #tpu.memory_space<vmem_shared>>) attributes {dimension_semantics = [#tpu.dimension_semantics<core_parallel>, #tpu.dimension_semantics<subcore_parallel>], iteration_bounds = array<i64: 2, 16>, scalar_prefetch = 0 : i64, scratch_operands = 7 : i64, tpu.core_type = #tpu.core_type<sc_vector_subcore>, window_params = [{transform_indices = #map}, {transform_indices = #map1}, {transform_indices = #map2}, {transform_indices = #map}]} {
    %mul3A = arith.constant 3125 : i32
    %mul3A_0 = arith.muli %arg1, %mul3A : i32
    %mul3A_1 = arith.constant 3125 : i32
    %mul3A_2 = arith.muli %arg1, %mul3A_1 : i32
    "tpu.region"() ({
      %run_scoped3A = tpu.sem_alloc : memref<!tpu.dma_semaphore, #tpu.memory_space<semaphore_mem>>
      %dma_start3A_68 = arith.constant 0 : i32
      %dma_start3A_69 = tpu.memref_slice %arg12[%mul3A_2, %dma_start3A_68] : memref<50000x32xf32, #tpu.memory_space<vmem_shared>> -> memref<3125x32xf32, #tpu.memory_space<vmem_shared>>
      %dma_start3A_70 = arith.constant 0 : i32
      %dma_start3A_71 = tpu.memref_slice %arg4[%mul3A_0, %dma_start3A_70] : memref<50000x32xf32, #tpu.memory_space<hbm>> -> memref<3125x32xf32, #tpu.memory_space<hbm>>
      tpu.enqueue_dma source(%dma_start3A_71 : memref<3125x32xf32, #tpu.memory_space<hbm>>) target(%dma_start3A_69 : memref<3125x32xf32, #tpu.memory_space<vmem_shared>>) target_semaphore(%run_scoped3A : memref<!tpu.dma_semaphore, #tpu.memory_space<semaphore_mem>>)
      %dma_wait3A_72 = arith.constant 0 : i32
      %dma_wait3A_73 = tpu.memref_slice %arg12[%mul3A_2, %dma_wait3A_72] : memref<50000x32xf32, #tpu.memory_space<vmem_shared>> -> memref<3125x32xf32, #tpu.memory_space<vmem_shared>>
      %dma_wait3A_74 = arith.constant 0 : i32
      %dma_wait3A_75 = tpu.memref_slice %arg4[%mul3A_0, %dma_wait3A_74] : memref<50000x32xf32, #tpu.memory_space<hbm>> -> memref<3125x32xf32, #tpu.memory_space<hbm>>
      tpu.wait_dma2 semaphore(%run_scoped3A : memref<!tpu.dma_semaphore, #tpu.memory_space<semaphore_mem>>) src(%dma_wait3A_75 : memref<3125x32xf32, #tpu.memory_space<hbm>>) dst(%dma_wait3A_73 : memref<3125x32xf32, #tpu.memory_space<vmem_shared>>)
      tpu.yield
    }) : () -> ()
    %barrier3A = arith.constant 0 : index
    tpu.barrier barrier_id(%barrier3A)
    %mul3A_3 = arith.constant 100000 : i32
    %mul3A_4 = arith.muli %arg1, %mul3A_3 : i32
    %jit3A = arith.constant 4 : i32
    %div3A = arith.divsi %arg1, %jit3A : i32
    %sign3A = arith.constant 0 : i32
    %sign3A_5 = arith.cmpi sgt, %arg1, %sign3A : i32
    %sign3A_6 = arith.extui %sign3A_5 : i1 to i32
    %sign3A_7 = arith.constant 0 : i32
    %sign3A_8 = arith.cmpi slt, %arg1, %sign3A_7 : i32
    %sign3A_9 = arith.extui %sign3A_8 : i1 to i32
    %sign3A_10 = arith.subi %sign3A_6, %sign3A_9 : i32
    %sign3A_11 = arith.constant 0 : i32
    %sign3A_12 = arith.cmpi sgt, %jit3A, %sign3A_11 : i32
    %sign3A_13 = arith.extui %sign3A_12 : i1 to i32
    %sign3A_14 = arith.constant 0 : i32
    %sign3A_15 = arith.cmpi slt, %jit3A, %sign3A_14 : i32
    %sign3A_16 = arith.extui %sign3A_15 : i1 to i32
    %sign3A_17 = arith.subi %sign3A_13, %sign3A_16 : i32
    %ne3A = arith.cmpi ne, %sign3A_10, %sign3A_17 : i32
    %rem3A = arith.remsi %arg1, %jit3A : i32
    %ne3A_18 = arith.constant 0 : i32
    %ne3A_19 = arith.cmpi ne, %rem3A, %ne3A_18 : i32
    %and3A = arith.andi %ne3A, %ne3A_19 : i1
    %sub3A = arith.constant 1 : i32
    %sub3A_20 = arith.subi %div3A, %sub3A : i32
    %select_n3A = arith.select %and3A, %sub3A_20, %div3A : i32
    %jit3A_21 = arith.constant 4 : i32
    %eq3A = arith.constant 0 : i32
    %eq3A_22 = arith.cmpi eq, %jit3A_21, %eq3A : i32
    %jit3A_23 = arith.constant 1 : i32
    %select_n3A_24 = arith.select %eq3A_22, %jit3A_23, %jit3A_21 : i32
    %rem3A_25 = arith.remsi %arg1, %select_n3A_24 : i32
    %ne3A_26 = arith.constant 0 : i32
    %ne3A_27 = arith.cmpi ne, %rem3A_25, %ne3A_26 : i32
    %lt3A = arith.constant 0 : i32
    %lt3A_28 = arith.cmpi slt, %rem3A_25, %lt3A : i32
    %lt3A_29 = arith.constant 0 : i32
    %lt3A_30 = arith.cmpi slt, %select_n3A_24, %lt3A_29 : i32
    %ne3A_31 = arith.xori %lt3A_28, %lt3A_30 : i1
    %and3A_32 = arith.andi %ne3A_31, %ne3A_27 : i1
    %add3A = arith.addi %rem3A_25, %select_n3A_24 : i32
    %select_n3A_33 = arith.select %and3A_32, %add3A, %rem3A_25 : i32
    %mul3A_34 = arith.constant 100000 : i32
    %mul3A_35 = arith.muli %select_n3A_33, %mul3A_34 : i32
    %add3A_36 = arith.constant 0 : i32
    %add3A_37 = arith.addi %mul3A_4, %add3A_36 : i32
    %dma_start3A = tpu.memref_slice %arg3[%add3A_37] : memref<1600000xi32, #tpu.memory_space<hbm>> -> memref<400xi32, #tpu.memory_space<hbm>>
    %dma_start3A_38 = tpu.memref_slice %arg3[%add3A_37] : memref<1600000xi32, #tpu.memory_space<hbm>> -> memref<400xi32, #tpu.memory_space<hbm>>
    tpu.enqueue_dma source(%dma_start3A_38 : memref<400xi32, #tpu.memory_space<hbm>>) target(%arg6 : memref<400xi32, #tpu.memory_space<vmem>>) target_semaphore(%arg10 : memref<!tpu.dma_semaphore, #tpu.memory_space<semaphore_mem>>)
    %add3A_39 = arith.constant 0 : i32
    %add3A_40 = arith.addi %mul3A_35, %add3A_39 : i32
    %mul3A_41 = arith.constant 32 : i32
    %mul3A_42 = arith.muli %select_n3A, %mul3A_41 : i32
    %dma_start3A_43 = tpu.memref_slice %arg2[%arg0, %add3A_40, %mul3A_42] : memref<2x400000x128xf32, #tpu.memory_space<hbm>> -> memref<1x400x32xf32, #tpu.memory_space<hbm>>
    %dma_start3A_44 = tpu.memref_squeeze %dma_start3A_43 : memref<1x400x32xf32, #tpu.memory_space<hbm>> -> memref<400x32xf32, #tpu.memory_space<hbm>>
    %dma_start3A_45 = tpu.memref_slice %arg2[%arg0, %add3A_40, %mul3A_42] : memref<2x400000x128xf32, #tpu.memory_space<hbm>> -> memref<1x400x32xf32, #tpu.memory_space<hbm>>
    %dma_start3A_46 = tpu.memref_squeeze %dma_start3A_45 : memref<1x400x32xf32, #tpu.memory_space<hbm>> -> memref<400x32xf32, #tpu.memory_space<hbm>>
    tpu.enqueue_dma source(%dma_start3A_46 : memref<400x32xf32, #tpu.memory_space<hbm>>) target(%arg8 : memref<400x32xf32, #tpu.memory_space<vmem>>) target_semaphore(%arg10 : memref<!tpu.dma_semaphore, #tpu.memory_space<semaphore_mem>>)
    %scan3A = arith.constant 0 : i32
    %scan3A_47 = arith.constant 0 : i32
    %scan3A_48 = arith.constant 125 : i32
    %scan3A_49 = arith.addi %scan3A_47, %scan3A_48 : i32
    %scan3A_50 = arith.constant 1 : i32
    scf.for %scan3A_68 = %scan3A_47 to %scan3A_49 step %scan3A_50  : i32 {
      %mul3A_69 = arith.constant 2 : i32
      %mul3A_70 = arith.muli %mul3A_69, %scan3A_68 : i32
      %add3A_71 = arith.constant 1 : i32
      %add3A_72 = arith.addi %mul3A_70, %add3A_71 : i32
      %mul3A_73 = arith.constant 400 : i32
      %mul3A_74 = arith.muli %add3A_72, %mul3A_73 : i32
      %add3A_75 = arith.addi %mul3A_4, %mul3A_74 : i32
      %dma_start3A_76 = tpu.memref_slice %arg3[%add3A_75] : memref<1600000xi32, #tpu.memory_space<hbm>> -> memref<400xi32, #tpu.memory_space<hbm>>
      %dma_start3A_77 = tpu.memref_slice %arg3[%add3A_75] : memref<1600000xi32, #tpu.memory_space<hbm>> -> memref<400xi32, #tpu.memory_space<hbm>>
      tpu.enqueue_dma source(%dma_start3A_77 : memref<400xi32, #tpu.memory_space<hbm>>) target(%arg7 : memref<400xi32, #tpu.memory_space<vmem>>) target_semaphore(%arg11 : memref<!tpu.dma_semaphore, #tpu.memory_space<semaphore_mem>>)
      %mul3A_78 = arith.constant 400 : i32
      %mul3A_79 = arith.muli %add3A_72, %mul3A_78 : i32
      %add3A_80 = arith.addi %mul3A_35, %mul3A_79 : i32
      %mul3A_81 = arith.constant 32 : i32
      %mul3A_82 = arith.muli %select_n3A, %mul3A_81 : i32
      %dma_start3A_83 = tpu.memref_slice %arg2[%arg0, %add3A_80, %mul3A_82] : memref<2x400000x128xf32, #tpu.memory_space<hbm>> -> memref<1x400x32xf32, #tpu.memory_space<hbm>>
      %dma_start3A_84 = tpu.memref_squeeze %dma_start3A_83 : memref<1x400x32xf32, #tpu.memory_space<hbm>> -> memref<400x32xf32, #tpu.memory_space<hbm>>
      %dma_start3A_85 = tpu.memref_slice %arg2[%arg0, %add3A_80, %mul3A_82] : memref<2x400000x128xf32, #tpu.memory_space<hbm>> -> memref<1x400x32xf32, #tpu.memory_space<hbm>>
      %dma_start3A_86 = tpu.memref_squeeze %dma_start3A_85 : memref<1x400x32xf32, #tpu.memory_space<hbm>> -> memref<400x32xf32, #tpu.memory_space<hbm>>
      tpu.enqueue_dma source(%dma_start3A_86 : memref<400x32xf32, #tpu.memory_space<hbm>>) target(%arg9 : memref<400x32xf32, #tpu.memory_space<vmem>>) target_semaphore(%arg11 : memref<!tpu.dma_semaphore, #tpu.memory_space<semaphore_mem>>)
      %mul3A_87 = arith.constant 400 : i32
      %mul3A_88 = arith.muli %mul3A_70, %mul3A_87 : i32
      %add3A_89 = arith.addi %mul3A_4, %mul3A_88 : i32
      %dma_wait3A_90 = tpu.memref_slice %arg3[%add3A_89] : memref<1600000xi32, #tpu.memory_space<hbm>> -> memref<400xi32, #tpu.memory_space<hbm>>
      %dma_wait3A_91 = tpu.memref_slice %arg3[%add3A_89] : memref<1600000xi32, #tpu.memory_space<hbm>> -> memref<400xi32, #tpu.memory_space<hbm>>
      tpu.wait_dma2 semaphore(%arg10 : memref<!tpu.dma_semaphore, #tpu.memory_space<semaphore_mem>>) src(%dma_wait3A_91 : memref<400xi32, #tpu.memory_space<hbm>>) dst(%arg6 : memref<400xi32, #tpu.memory_space<vmem>>)
      %mul3A_92 = arith.constant 400 : i32
      %mul3A_93 = arith.muli %mul3A_70, %mul3A_92 : i32
      %add3A_94 = arith.addi %mul3A_35, %mul3A_93 : i32
      %mul3A_95 = arith.constant 32 : i32
      %mul3A_96 = arith.muli %select_n3A, %mul3A_95 : i32
      %dma_wait3A_97 = tpu.memref_slice %arg2[%arg0, %add3A_94, %mul3A_96] : memref<2x400000x128xf32, #tpu.memory_space<hbm>> -> memref<1x400x32xf32, #tpu.memory_space<hbm>>
      %dma_wait3A_98 = tpu.memref_squeeze %dma_wait3A_97 : memref<1x400x32xf32, #tpu.memory_space<hbm>> -> memref<400x32xf32, #tpu.memory_space<hbm>>
      %dma_wait3A_99 = tpu.memref_slice %arg2[%arg0, %add3A_94, %mul3A_96] : memref<2x400000x128xf32, #tpu.memory_space<hbm>> -> memref<1x400x32xf32, #tpu.memory_space<hbm>>
      %dma_wait3A_100 = tpu.memref_squeeze %dma_wait3A_99 : memref<1x400x32xf32, #tpu.memory_space<hbm>> -> memref<400x32xf32, #tpu.memory_space<hbm>>
      tpu.wait_dma2 semaphore(%arg10 : memref<!tpu.dma_semaphore, #tpu.memory_space<semaphore_mem>>) src(%dma_wait3A_100 : memref<400x32xf32, #tpu.memory_space<hbm>>) dst(%arg8 : memref<400x32xf32, #tpu.memory_space<vmem>>)
      "tpu.region"() ({
        %run_scoped3A = tpu.sem_alloc : memref<!tpu.dma_semaphore, #tpu.memory_space<semaphore_mem>>
        %dma_start3A_134 = arith.constant 0 : i32
        %dma_start3A_135 = arith.constant 0 : i32
        %dma_start3A_136 = tpu.memref_slice %arg12[%dma_start3A_134, %dma_start3A_135] : memref<50000x32xf32, #tpu.memory_space<vmem_shared>> -> memref<50000x32xf32, #tpu.memory_space<vmem_shared>>
        tpu.enqueue_indirect_dma source(%arg8 : memref<400x32xf32, #tpu.memory_space<vmem>>) target(%dma_start3A_136 : memref<50000x32xf32, #tpu.memory_space<vmem_shared>>) offsets(%arg6 : memref<400xi32, #tpu.memory_space<vmem>>) semaphore(%run_scoped3A : memref<!tpu.dma_semaphore, #tpu.memory_space<semaphore_mem>>) {add = true}
        %dma_wait3A_137 = arith.constant 0 : i32
        %dma_wait3A_138 = arith.constant 0 : i32
        %dma_wait3A_139 = tpu.memref_slice %arg12[%dma_wait3A_137, %dma_wait3A_138] : memref<50000x32xf32, #tpu.memory_space<vmem_shared>> -> memref<50000x32xf32, #tpu.memory_space<vmem_shared>>
        tpu.wait_indirect_dma semaphore(%run_scoped3A : memref<!tpu.dma_semaphore, #tpu.memory_space<semaphore_mem>>) src(%arg8 : memref<400x32xf32, #tpu.memory_space<vmem>>) dst(%dma_wait3A_139 : memref<50000x32xf32, #tpu.memory_space<vmem_shared>>)
        tpu.yield
      }) : () -> ()
      %add3A_101 = arith.constant 2 : i32
      %add3A_102 = arith.addi %mul3A_70, %add3A_101 : i32
      %min3A = arith.constant 248 : i32
      %min3A_103 = arith.minsi %add3A_102, %min3A : i32
      %mul3A_104 = arith.constant 400 : i32
      %mul3A_105 = arith.muli %min3A_103, %mul3A_104 : i32
      %add3A_106 = arith.addi %mul3A_4, %mul3A_105 : i32
      %dma_start3A_107 = tpu.memref_slice %arg3[%add3A_106] : memref<1600000xi32, #tpu.memory_space<hbm>> -> memref<400xi32, #tpu.memory_space<hbm>>
      %dma_start3A_108 = tpu.memref_slice %arg3[%add3A_106] : memref<1600000xi32, #tpu.memory_space<hbm>> -> memref<400xi32, #tpu.memory_space<hbm>>
      tpu.enqueue_dma source(%dma_start3A_108 : memref<400xi32, #tpu.memory_space<hbm>>) target(%arg6 : memref<400xi32, #tpu.memory_space<vmem>>) target_semaphore(%arg10 : memref<!tpu.dma_semaphore, #tpu.memory_space<semaphore_mem>>)
      %mul3A_109 = arith.constant 400 : i32
      %mul3A_110 = arith.muli %min3A_103, %mul3A_109 : i32
      %add3A_111 = arith.addi %mul3A_35, %mul3A_110 : i32
      %mul3A_112 = arith.constant 32 : i32
      %mul3A_113 = arith.muli %select_n3A, %mul3A_112 : i32
      %dma_start3A_114 = tpu.memref_slice %arg2[%arg0, %add3A_111, %mul3A_113] : memref<2x400000x128xf32, #tpu.memory_space<hbm>> -> memref<1x400x32xf32, #tpu.memory_space<hbm>>
      %dma_start3A_115 = tpu.memref_squeeze %dma_start3A_114 : memref<1x400x32xf32, #tpu.memory_space<hbm>> -> memref<400x32xf32, #tpu.memory_space<hbm>>
      %dma_start3A_116 = tpu.memref_slice %arg2[%arg0, %add3A_111, %mul3A_113] : memref<2x400000x128xf32, #tpu.memory_space<hbm>> -> memref<1x400x32xf32, #tpu.memory_space<hbm>>
      %dma_start3A_117 = tpu.memref_squeeze %dma_start3A_116 : memref<1x400x32xf32, #tpu.memory_space<hbm>> -> memref<400x32xf32, #tpu.memory_space<hbm>>
      tpu.enqueue_dma source(%dma_start3A_117 : memref<400x32xf32, #tpu.memory_space<hbm>>) target(%arg8 : memref<400x32xf32, #tpu.memory_space<vmem>>) target_semaphore(%arg10 : memref<!tpu.dma_semaphore, #tpu.memory_space<semaphore_mem>>)
      %add3A_118 = arith.constant 1 : i32
      %add3A_119 = arith.addi %mul3A_70, %add3A_118 : i32
      %mul3A_120 = arith.constant 400 : i32
      %mul3A_121 = arith.muli %add3A_119, %mul3A_120 : i32
      %add3A_122 = arith.addi %mul3A_4, %mul3A_121 : i32
      %dma_wait3A_123 = tpu.memref_slice %arg3[%add3A_122] : memref<1600000xi32, #tpu.memory_space<hbm>> -> memref<400xi32, #tpu.memory_space<hbm>>
      %dma_wait3A_124 = tpu.memref_slice %arg3[%add3A_122] : memref<1600000xi32, #tpu.memory_space<hbm>> -> memref<400xi32, #tpu.memory_space<hbm>>
      tpu.wait_dma2 semaphore(%arg11 : memref<!tpu.dma_semaphore, #tpu.memory_space<semaphore_mem>>) src(%dma_wait3A_124 : memref<400xi32, #tpu.memory_space<hbm>>) dst(%arg7 : memref<400xi32, #tpu.memory_space<vmem>>)
      %mul3A_125 = arith.constant 400 : i32
      %mul3A_126 = arith.muli %add3A_119, %mul3A_125 : i32
      %add3A_127 = arith.addi %mul3A_35, %mul3A_126 : i32
      %mul3A_128 = arith.constant 32 : i32
      %mul3A_129 = arith.muli %select_n3A, %mul3A_128 : i32
      %dma_wait3A_130 = tpu.memref_slice %arg2[%arg0, %add3A_127, %mul3A_129] : memref<2x400000x128xf32, #tpu.memory_space<hbm>> -> memref<1x400x32xf32, #tpu.memory_space<hbm>>
      %dma_wait3A_131 = tpu.memref_squeeze %dma_wait3A_130 : memref<1x400x32xf32, #tpu.memory_space<hbm>> -> memref<400x32xf32, #tpu.memory_space<hbm>>
      %dma_wait3A_132 = tpu.memref_slice %arg2[%arg0, %add3A_127, %mul3A_129] : memref<2x400000x128xf32, #tpu.memory_space<hbm>> -> memref<1x400x32xf32, #tpu.memory_space<hbm>>
      %dma_wait3A_133 = tpu.memref_squeeze %dma_wait3A_132 : memref<1x400x32xf32, #tpu.memory_space<hbm>> -> memref<400x32xf32, #tpu.memory_space<hbm>>
      tpu.wait_dma2 semaphore(%arg11 : memref<!tpu.dma_semaphore, #tpu.memory_space<semaphore_mem>>) src(%dma_wait3A_133 : memref<400x32xf32, #tpu.memory_space<hbm>>) dst(%arg9 : memref<400x32xf32, #tpu.memory_space<vmem>>)
      "tpu.region"() ({
        %run_scoped3A = tpu.sem_alloc : memref<!tpu.dma_semaphore, #tpu.memory_space<semaphore_mem>>
        %dma_start3A_134 = arith.constant 0 : i32
        %dma_start3A_135 = arith.constant 0 : i32
        %dma_start3A_136 = tpu.memref_slice %arg12[%dma_start3A_134, %dma_start3A_135] : memref<50000x32xf32, #tpu.memory_space<vmem_shared>> -> memref<50000x32xf32, #tpu.memory_space<vmem_shared>>
        tpu.enqueue_indirect_dma source(%arg9 : memref<400x32xf32, #tpu.memory_space<vmem>>) target(%dma_start3A_136 : memref<50000x32xf32, #tpu.memory_space<vmem_shared>>) offsets(%arg7 : memref<400xi32, #tpu.memory_space<vmem>>) semaphore(%run_scoped3A : memref<!tpu.dma_semaphore, #tpu.memory_space<semaphore_mem>>) {add = true}
        %dma_wait3A_137 = arith.constant 0 : i32
        %dma_wait3A_138 = arith.constant 0 : i32
        %dma_wait3A_139 = tpu.memref_slice %arg12[%dma_wait3A_137, %dma_wait3A_138] : memref<50000x32xf32, #tpu.memory_space<vmem_shared>> -> memref<50000x32xf32, #tpu.memory_space<vmem_shared>>
        tpu.wait_indirect_dma semaphore(%run_scoped3A : memref<!tpu.dma_semaphore, #tpu.memory_space<semaphore_mem>>) src(%arg9 : memref<400x32xf32, #tpu.memory_space<vmem>>) dst(%dma_wait3A_139 : memref<50000x32xf32, #tpu.memory_space<vmem_shared>>)
        tpu.yield
      }) : () -> ()
    }
    %scan3A_51 = arith.constant 125 : i32
    %add3A_52 = arith.constant 99200 : i32
    %add3A_53 = arith.addi %mul3A_4, %add3A_52 : i32
    %dma_wait3A = tpu.memref_slice %arg3[%add3A_53] : memref<1600000xi32, #tpu.memory_space<hbm>> -> memref<400xi32, #tpu.memory_space<hbm>>
    %dma_wait3A_54 = tpu.memref_slice %arg3[%add3A_53] : memref<1600000xi32, #tpu.memory_space<hbm>> -> memref<400xi32, #tpu.memory_space<hbm>>
    tpu.wait_dma2 semaphore(%arg10 : memref<!tpu.dma_semaphore, #tpu.memory_space<semaphore_mem>>) src(%dma_wait3A_54 : memref<400xi32, #tpu.memory_space<hbm>>) dst(%arg6 : memref<400xi32, #tpu.memory_space<vmem>>)
    %add3A_55 = arith.constant 99200 : i32
    %add3A_56 = arith.addi %mul3A_35, %add3A_55 : i32
    %mul3A_57 = arith.constant 32 : i32
    %mul3A_58 = arith.muli %select_n3A, %mul3A_57 : i32
    %dma_wait3A_59 = tpu.memref_slice %arg2[%arg0, %add3A_56, %mul3A_58] : memref<2x400000x128xf32, #tpu.memory_space<hbm>> -> memref<1x400x32xf32, #tpu.memory_space<hbm>>
    %dma_wait3A_60 = tpu.memref_squeeze %dma_wait3A_59 : memref<1x400x32xf32, #tpu.memory_space<hbm>> -> memref<400x32xf32, #tpu.memory_space<hbm>>
    %dma_wait3A_61 = tpu.memref_slice %arg2[%arg0, %add3A_56, %mul3A_58] : memref<2x400000x128xf32, #tpu.memory_space<hbm>> -> memref<1x400x32xf32, #tpu.memory_space<hbm>>
    %dma_wait3A_62 = tpu.memref_squeeze %dma_wait3A_61 : memref<1x400x32xf32, #tpu.memory_space<hbm>> -> memref<400x32xf32, #tpu.memory_space<hbm>>
    tpu.wait_dma2 semaphore(%arg10 : memref<!tpu.dma_semaphore, #tpu.memory_space<semaphore_mem>>) src(%dma_wait3A_62 : memref<400x32xf32, #tpu.memory_space<hbm>>) dst(%arg8 : memref<400x32xf32, #tpu.memory_space<vmem>>)
    %barrier3A_63 = arith.constant 0 : index
    tpu.barrier barrier_id(%barrier3A_63)
    %mul3A_64 = arith.constant 3125 : i32
    %mul3A_65 = arith.muli %arg1, %mul3A_64 : i32
    %mul3A_66 = arith.constant 3125 : i32
    %mul3A_67 = arith.muli %arg1, %mul3A_66 : i32
    "tpu.region"() ({
      %run_scoped3A = tpu.sem_alloc : memref<!tpu.dma_semaphore, #tpu.memory_space<semaphore_mem>>
      %dma_start3A_68 = arith.constant 0 : i32
      %dma_start3A_69 = tpu.memref_slice %arg5[%arg0, %mul3A_67, %dma_start3A_68] : memref<2x50000x32xf32, #tpu.memory_space<hbm>> -> memref<1x3125x32xf32, #tpu.memory_space<hbm>>
      %dma_start3A_70 = tpu.memref_squeeze %dma_start3A_69 : memref<1x3125x32xf32, #tpu.memory_space<hbm>> -> memref<3125x32xf32, #tpu.memory_space<hbm>>
      %dma_start3A_71 = arith.constant 0 : i32
      %dma_start3A_72 = tpu.memref_slice %arg12[%mul3A_65, %dma_start3A_71] : memref<50000x32xf32, #tpu.memory_space<vmem_shared>> -> memref<3125x32xf32, #tpu.memory_space<vmem_shared>>
      tpu.enqueue_dma source(%dma_start3A_72 : memref<3125x32xf32, #tpu.memory_space<vmem_shared>>) target(%dma_start3A_70 : memref<3125x32xf32, #tpu.memory_space<hbm>>) target_semaphore(%run_scoped3A : memref<!tpu.dma_semaphore, #tpu.memory_space<semaphore_mem>>)
      %dma_wait3A_73 = arith.constant 0 : i32
      %dma_wait3A_74 = tpu.memref_slice %arg5[%arg0, %mul3A_67, %dma_wait3A_73] : memref<2x50000x32xf32, #tpu.memory_space<hbm>> -> memref<1x3125x32xf32, #tpu.memory_space<hbm>>
      %dma_wait3A_75 = tpu.memref_squeeze %dma_wait3A_74 : memref<1x3125x32xf32, #tpu.memory_space<hbm>> -> memref<3125x32xf32, #tpu.memory_space<hbm>>
      %dma_wait3A_76 = arith.constant 0 : i32
      %dma_wait3A_77 = tpu.memref_slice %arg12[%mul3A_65, %dma_wait3A_76] : memref<50000x32xf32, #tpu.memory_space<vmem_shared>> -> memref<3125x32xf32, #tpu.memory_space<vmem_shared>>
      tpu.wait_dma2 semaphore(%run_scoped3A : memref<!tpu.dma_semaphore, #tpu.memory_space<semaphore_mem>>) src(%dma_wait3A_77 : memref<3125x32xf32, #tpu.memory_space<vmem_shared>>) dst(%dma_wait3A_75 : memref<3125x32xf32, #tpu.memory_space<hbm>>)
      tpu.yield
    }) : () -> ()
    return
  }
}

#map = affine_map<(d0, d1) -> (0, 0)>
#map1 = affine_map<(d0, d1) -> (0)>
module attributes {stable_mosaic.version = 14 : i64} {
  func.func @k(%arg0: i32, %arg1: i32, %arg2: memref<50000x32xf32, #tpu.memory_space<hbm>>, %arg3: memref<1600000xi32, #tpu.memory_space<hbm>>, %arg4: memref<400000x128xf32, #tpu.memory_space<hbm>>, %arg5: memref<1000xi32, #tpu.memory_space<vmem>>, %arg6: memref<1000xi32, #tpu.memory_space<vmem>>, %arg7: memref<1000x32xf32, #tpu.memory_space<vmem>>, %arg8: memref<1000x32xf32, #tpu.memory_space<vmem>>, %arg9: memref<!tpu.dma_semaphore, #tpu.memory_space<semaphore_mem>>, %arg10: memref<!tpu.dma_semaphore, #tpu.memory_space<semaphore_mem>>) attributes {dimension_semantics = [#tpu.dimension_semantics<core_parallel>, #tpu.dimension_semantics<subcore_parallel>], iteration_bounds = array<i64: 2, 16>, scalar_prefetch = 0 : i64, scratch_operands = 6 : i64, tpu.core_type = #tpu.core_type<sc_vector_subcore>, window_params = [{transform_indices = #map}, {transform_indices = #map1}, {transform_indices = #map}]} {
    %mul3A = arith.constant 2 : i32
    %mul3A_0 = arith.muli %arg1, %mul3A : i32
    %add3A = arith.addi %mul3A_0, %arg0 : i32
    %jit3A = arith.constant 8 : i32
    %div3A = arith.divsi %add3A, %jit3A : i32
    %sign3A = arith.constant 0 : i32
    %sign3A_1 = arith.cmpi sgt, %add3A, %sign3A : i32
    %sign3A_2 = arith.extui %sign3A_1 : i1 to i32
    %sign3A_3 = arith.constant 0 : i32
    %sign3A_4 = arith.cmpi slt, %add3A, %sign3A_3 : i32
    %sign3A_5 = arith.extui %sign3A_4 : i1 to i32
    %sign3A_6 = arith.subi %sign3A_2, %sign3A_5 : i32
    %sign3A_7 = arith.constant 0 : i32
    %sign3A_8 = arith.cmpi sgt, %jit3A, %sign3A_7 : i32
    %sign3A_9 = arith.extui %sign3A_8 : i1 to i32
    %sign3A_10 = arith.constant 0 : i32
    %sign3A_11 = arith.cmpi slt, %jit3A, %sign3A_10 : i32
    %sign3A_12 = arith.extui %sign3A_11 : i1 to i32
    %sign3A_13 = arith.subi %sign3A_9, %sign3A_12 : i32
    %ne3A = arith.cmpi ne, %sign3A_6, %sign3A_13 : i32
    %rem3A = arith.remsi %add3A, %jit3A : i32
    %ne3A_14 = arith.constant 0 : i32
    %ne3A_15 = arith.cmpi ne, %rem3A, %ne3A_14 : i32
    %and3A = arith.andi %ne3A, %ne3A_15 : i1
    %sub3A = arith.constant 1 : i32
    %sub3A_16 = arith.subi %div3A, %sub3A : i32
    %select_n3A = arith.select %and3A, %sub3A_16, %div3A : i32
    %jit3A_17 = arith.constant 8 : i32
    %eq3A = arith.constant 0 : i32
    %eq3A_18 = arith.cmpi eq, %jit3A_17, %eq3A : i32
    %jit3A_19 = arith.constant 1 : i32
    %select_n3A_20 = arith.select %eq3A_18, %jit3A_19, %jit3A_17 : i32
    %rem3A_21 = arith.remsi %add3A, %select_n3A_20 : i32
    %ne3A_22 = arith.constant 0 : i32
    %ne3A_23 = arith.cmpi ne, %rem3A_21, %ne3A_22 : i32
    %lt3A = arith.constant 0 : i32
    %lt3A_24 = arith.cmpi slt, %rem3A_21, %lt3A : i32
    %lt3A_25 = arith.constant 0 : i32
    %lt3A_26 = arith.cmpi slt, %select_n3A_20, %lt3A_25 : i32
    %ne3A_27 = arith.xori %lt3A_24, %lt3A_26 : i1
    %and3A_28 = arith.andi %ne3A_27, %ne3A_23 : i1
    %add3A_29 = arith.addi %rem3A_21, %select_n3A_20 : i32
    %select_n3A_30 = arith.select %and3A_28, %add3A_29, %rem3A_21 : i32
    %mul3A_31 = arith.constant 50000 : i32
    %mul3A_32 = arith.muli %select_n3A_30, %mul3A_31 : i32
    %mul3A_33 = arith.constant 50000 : i32
    %mul3A_34 = arith.muli %add3A, %mul3A_33 : i32
    %add3A_35 = arith.constant 0 : i32
    %add3A_36 = arith.addi %mul3A_34, %add3A_35 : i32
    "tpu.region"() ({
      %run_scoped3A = tpu.sem_alloc : memref<!tpu.dma_semaphore, #tpu.memory_space<semaphore_mem>>
      %dma_start3A_46 = tpu.memref_slice %arg3[%add3A_36] : memref<1600000xi32, #tpu.memory_space<hbm>> -> memref<1000xi32, #tpu.memory_space<hbm>>
      %dma_start3A_47 = tpu.memref_slice %arg3[%add3A_36] : memref<1600000xi32, #tpu.memory_space<hbm>> -> memref<1000xi32, #tpu.memory_space<hbm>>
      tpu.enqueue_dma source(%dma_start3A_47 : memref<1000xi32, #tpu.memory_space<hbm>>) target(%arg5 : memref<1000xi32, #tpu.memory_space<vmem>>) target_semaphore(%run_scoped3A : memref<!tpu.dma_semaphore, #tpu.memory_space<semaphore_mem>>)
      %dma_wait3A_48 = tpu.memref_slice %arg3[%add3A_36] : memref<1600000xi32, #tpu.memory_space<hbm>> -> memref<1000xi32, #tpu.memory_space<hbm>>
      %dma_wait3A_49 = tpu.memref_slice %arg3[%add3A_36] : memref<1600000xi32, #tpu.memory_space<hbm>> -> memref<1000xi32, #tpu.memory_space<hbm>>
      tpu.wait_dma2 semaphore(%run_scoped3A : memref<!tpu.dma_semaphore, #tpu.memory_space<semaphore_mem>>) src(%dma_wait3A_49 : memref<1000xi32, #tpu.memory_space<hbm>>) dst(%arg5 : memref<1000xi32, #tpu.memory_space<vmem>>)
      tpu.yield
    }) : () -> ()
    %dma_start3A = arith.constant 0 : i32
    %dma_start3A_37 = arith.constant 0 : i32
    %dma_start3A_38 = tpu.memref_slice %arg2[%dma_start3A, %dma_start3A_37] : memref<50000x32xf32, #tpu.memory_space<hbm>> -> memref<50000x32xf32, #tpu.memory_space<hbm>>
    tpu.enqueue_indirect_dma source(%dma_start3A_38 : memref<50000x32xf32, #tpu.memory_space<hbm>>) target(%arg7 : memref<1000x32xf32, #tpu.memory_space<vmem>>) offsets(%arg5 : memref<1000xi32, #tpu.memory_space<vmem>>) semaphore(%arg9 : memref<!tpu.dma_semaphore, #tpu.memory_space<semaphore_mem>>)
    %scan3A = arith.constant 0 : i32
    %scan3A_39 = arith.constant 0 : i32
    %scan3A_40 = arith.constant 25 : i32
    %scan3A_41 = arith.addi %scan3A_39, %scan3A_40 : i32
    %scan3A_42 = arith.constant 1 : i32
    scf.for %scan3A_46 = %scan3A_39 to %scan3A_41 step %scan3A_42  : i32 {
      %mul3A_47 = arith.constant 2 : i32
      %mul3A_48 = arith.muli %mul3A_47, %scan3A_46 : i32
      %add3A_49 = arith.constant 1 : i32
      %add3A_50 = arith.addi %mul3A_48, %add3A_49 : i32
      %mul3A_51 = arith.constant 1000 : i32
      %mul3A_52 = arith.muli %add3A_50, %mul3A_51 : i32
      %add3A_53 = arith.addi %mul3A_34, %mul3A_52 : i32
      "tpu.region"() ({
        %run_scoped3A = tpu.sem_alloc : memref<!tpu.dma_semaphore, #tpu.memory_space<semaphore_mem>>
        %dma_start3A_84 = tpu.memref_slice %arg3[%add3A_53] : memref<1600000xi32, #tpu.memory_space<hbm>> -> memref<1000xi32, #tpu.memory_space<hbm>>
        %dma_start3A_85 = tpu.memref_slice %arg3[%add3A_53] : memref<1600000xi32, #tpu.memory_space<hbm>> -> memref<1000xi32, #tpu.memory_space<hbm>>
        tpu.enqueue_dma source(%dma_start3A_85 : memref<1000xi32, #tpu.memory_space<hbm>>) target(%arg6 : memref<1000xi32, #tpu.memory_space<vmem>>) target_semaphore(%run_scoped3A : memref<!tpu.dma_semaphore, #tpu.memory_space<semaphore_mem>>)
        %dma_wait3A_86 = tpu.memref_slice %arg3[%add3A_53] : memref<1600000xi32, #tpu.memory_space<hbm>> -> memref<1000xi32, #tpu.memory_space<hbm>>
        %dma_wait3A_87 = tpu.memref_slice %arg3[%add3A_53] : memref<1600000xi32, #tpu.memory_space<hbm>> -> memref<1000xi32, #tpu.memory_space<hbm>>
        tpu.wait_dma2 semaphore(%run_scoped3A : memref<!tpu.dma_semaphore, #tpu.memory_space<semaphore_mem>>) src(%dma_wait3A_87 : memref<1000xi32, #tpu.memory_space<hbm>>) dst(%arg6 : memref<1000xi32, #tpu.memory_space<vmem>>)
        tpu.yield
      }) : () -> ()
      %dma_start3A_54 = arith.constant 0 : i32
      %dma_start3A_55 = arith.constant 0 : i32
      %dma_start3A_56 = tpu.memref_slice %arg2[%dma_start3A_54, %dma_start3A_55] : memref<50000x32xf32, #tpu.memory_space<hbm>> -> memref<50000x32xf32, #tpu.memory_space<hbm>>
      tpu.enqueue_indirect_dma source(%dma_start3A_56 : memref<50000x32xf32, #tpu.memory_space<hbm>>) target(%arg8 : memref<1000x32xf32, #tpu.memory_space<vmem>>) offsets(%arg6 : memref<1000xi32, #tpu.memory_space<vmem>>) semaphore(%arg10 : memref<!tpu.dma_semaphore, #tpu.memory_space<semaphore_mem>>)
      %dma_wait3A_57 = arith.constant 0 : i32
      %dma_wait3A_58 = arith.constant 0 : i32
      %dma_wait3A_59 = tpu.memref_slice %arg2[%dma_wait3A_57, %dma_wait3A_58] : memref<50000x32xf32, #tpu.memory_space<hbm>> -> memref<50000x32xf32, #tpu.memory_space<hbm>>
      tpu.wait_indirect_dma semaphore(%arg9 : memref<!tpu.dma_semaphore, #tpu.memory_space<semaphore_mem>>) src(%dma_wait3A_59 : memref<50000x32xf32, #tpu.memory_space<hbm>>) dst(%arg7 : memref<1000x32xf32, #tpu.memory_space<vmem>>)
      %mul3A_60 = arith.constant 1000 : i32
      %mul3A_61 = arith.muli %mul3A_48, %mul3A_60 : i32
      %add3A_62 = arith.addi %mul3A_32, %mul3A_61 : i32
      %mul3A_63 = arith.constant 32 : i32
      %mul3A_64 = arith.muli %select_n3A, %mul3A_63 : i32
      "tpu.region"() ({
        %run_scoped3A = tpu.sem_alloc : memref<!tpu.dma_semaphore, #tpu.memory_space<semaphore_mem>>
        %dma_start3A_84 = tpu.memref_slice %arg4[%add3A_62, %mul3A_64] : memref<400000x128xf32, #tpu.memory_space<hbm>> -> memref<1000x32xf32, #tpu.memory_space<hbm>>
        %dma_start3A_85 = tpu.memref_slice %arg4[%add3A_62, %mul3A_64] : memref<400000x128xf32, #tpu.memory_space<hbm>> -> memref<1000x32xf32, #tpu.memory_space<hbm>>
        tpu.enqueue_dma source(%arg7 : memref<1000x32xf32, #tpu.memory_space<vmem>>) target(%dma_start3A_85 : memref<1000x32xf32, #tpu.memory_space<hbm>>) target_semaphore(%run_scoped3A : memref<!tpu.dma_semaphore, #tpu.memory_space<semaphore_mem>>)
        %dma_wait3A_86 = tpu.memref_slice %arg4[%add3A_62, %mul3A_64] : memref<400000x128xf32, #tpu.memory_space<hbm>> -> memref<1000x32xf32, #tpu.memory_space<hbm>>
        %dma_wait3A_87 = tpu.memref_slice %arg4[%add3A_62, %mul3A_64] : memref<400000x128xf32, #tpu.memory_space<hbm>> -> memref<1000x32xf32, #tpu.memory_space<hbm>>
        tpu.wait_dma2 semaphore(%run_scoped3A : memref<!tpu.dma_semaphore, #tpu.memory_space<semaphore_mem>>) src(%arg7 : memref<1000x32xf32, #tpu.memory_space<vmem>>) dst(%dma_wait3A_87 : memref<1000x32xf32, #tpu.memory_space<hbm>>)
        tpu.yield
      }) : () -> ()
      %add3A_65 = arith.constant 2 : i32
      %add3A_66 = arith.addi %mul3A_48, %add3A_65 : i32
      %min3A = arith.constant 48 : i32
      %min3A_67 = arith.minsi %add3A_66, %min3A : i32
      %mul3A_68 = arith.constant 1000 : i32
      %mul3A_69 = arith.muli %min3A_67, %mul3A_68 : i32
      %add3A_70 = arith.addi %mul3A_34, %mul3A_69 : i32
      "tpu.region"() ({
        %run_scoped3A = tpu.sem_alloc : memref<!tpu.dma_semaphore, #tpu.memory_space<semaphore_mem>>
        %dma_start3A_84 = tpu.memref_slice %arg3[%add3A_70] : memref<1600000xi32, #tpu.memory_space<hbm>> -> memref<1000xi32, #tpu.memory_space<hbm>>
        %dma_start3A_85 = tpu.memref_slice %arg3[%add3A_70] : memref<1600000xi32, #tpu.memory_space<hbm>> -> memref<1000xi32, #tpu.memory_space<hbm>>
        tpu.enqueue_dma source(%dma_start3A_85 : memref<1000xi32, #tpu.memory_space<hbm>>) target(%arg5 : memref<1000xi32, #tpu.memory_space<vmem>>) target_semaphore(%run_scoped3A : memref<!tpu.dma_semaphore, #tpu.memory_space<semaphore_mem>>)
        %dma_wait3A_86 = tpu.memref_slice %arg3[%add3A_70] : memref<1600000xi32, #tpu.memory_space<hbm>> -> memref<1000xi32, #tpu.memory_space<hbm>>
        %dma_wait3A_87 = tpu.memref_slice %arg3[%add3A_70] : memref<1600000xi32, #tpu.memory_space<hbm>> -> memref<1000xi32, #tpu.memory_space<hbm>>
        tpu.wait_dma2 semaphore(%run_scoped3A : memref<!tpu.dma_semaphore, #tpu.memory_space<semaphore_mem>>) src(%dma_wait3A_87 : memref<1000xi32, #tpu.memory_space<hbm>>) dst(%arg5 : memref<1000xi32, #tpu.memory_space<vmem>>)
        tpu.yield
      }) : () -> ()
      %dma_start3A_71 = arith.constant 0 : i32
      %dma_start3A_72 = arith.constant 0 : i32
      %dma_start3A_73 = tpu.memref_slice %arg2[%dma_start3A_71, %dma_start3A_72] : memref<50000x32xf32, #tpu.memory_space<hbm>> -> memref<50000x32xf32, #tpu.memory_space<hbm>>
      tpu.enqueue_indirect_dma source(%dma_start3A_73 : memref<50000x32xf32, #tpu.memory_space<hbm>>) target(%arg7 : memref<1000x32xf32, #tpu.memory_space<vmem>>) offsets(%arg5 : memref<1000xi32, #tpu.memory_space<vmem>>) semaphore(%arg9 : memref<!tpu.dma_semaphore, #tpu.memory_space<semaphore_mem>>)
      %dma_wait3A_74 = arith.constant 0 : i32
      %dma_wait3A_75 = arith.constant 0 : i32
      %dma_wait3A_76 = tpu.memref_slice %arg2[%dma_wait3A_74, %dma_wait3A_75] : memref<50000x32xf32, #tpu.memory_space<hbm>> -> memref<50000x32xf32, #tpu.memory_space<hbm>>
      tpu.wait_indirect_dma semaphore(%arg10 : memref<!tpu.dma_semaphore, #tpu.memory_space<semaphore_mem>>) src(%dma_wait3A_76 : memref<50000x32xf32, #tpu.memory_space<hbm>>) dst(%arg8 : memref<1000x32xf32, #tpu.memory_space<vmem>>)
      %add3A_77 = arith.constant 1 : i32
      %add3A_78 = arith.addi %mul3A_48, %add3A_77 : i32
      %mul3A_79 = arith.constant 1000 : i32
      %mul3A_80 = arith.muli %add3A_78, %mul3A_79 : i32
      %add3A_81 = arith.addi %mul3A_32, %mul3A_80 : i32
      %mul3A_82 = arith.constant 32 : i32
      %mul3A_83 = arith.muli %select_n3A, %mul3A_82 : i32
      "tpu.region"() ({
        %run_scoped3A = tpu.sem_alloc : memref<!tpu.dma_semaphore, #tpu.memory_space<semaphore_mem>>
        %dma_start3A_84 = tpu.memref_slice %arg4[%add3A_81, %mul3A_83] : memref<400000x128xf32, #tpu.memory_space<hbm>> -> memref<1000x32xf32, #tpu.memory_space<hbm>>
        %dma_start3A_85 = tpu.memref_slice %arg4[%add3A_81, %mul3A_83] : memref<400000x128xf32, #tpu.memory_space<hbm>> -> memref<1000x32xf32, #tpu.memory_space<hbm>>
        tpu.enqueue_dma source(%arg8 : memref<1000x32xf32, #tpu.memory_space<vmem>>) target(%dma_start3A_85 : memref<1000x32xf32, #tpu.memory_space<hbm>>) target_semaphore(%run_scoped3A : memref<!tpu.dma_semaphore, #tpu.memory_space<semaphore_mem>>)
        %dma_wait3A_86 = tpu.memref_slice %arg4[%add3A_81, %mul3A_83] : memref<400000x128xf32, #tpu.memory_space<hbm>> -> memref<1000x32xf32, #tpu.memory_space<hbm>>
        %dma_wait3A_87 = tpu.memref_slice %arg4[%add3A_81, %mul3A_83] : memref<400000x128xf32, #tpu.memory_space<hbm>> -> memref<1000x32xf32, #tpu.memory_space<hbm>>
        tpu.wait_dma2 semaphore(%run_scoped3A : memref<!tpu.dma_semaphore, #tpu.memory_space<semaphore_mem>>) src(%arg8 : memref<1000x32xf32, #tpu.memory_space<vmem>>) dst(%dma_wait3A_87 : memref<1000x32xf32, #tpu.memory_space<hbm>>)
        tpu.yield
      }) : () -> ()
    }
    %scan3A_43 = arith.constant 25 : i32
    %dma_wait3A = arith.constant 0 : i32
    %dma_wait3A_44 = arith.constant 0 : i32
    %dma_wait3A_45 = tpu.memref_slice %arg2[%dma_wait3A, %dma_wait3A_44] : memref<50000x32xf32, #tpu.memory_space<hbm>> -> memref<50000x32xf32, #tpu.memory_space<hbm>>
    tpu.wait_indirect_dma semaphore(%arg9 : memref<!tpu.dma_semaphore, #tpu.memory_space<semaphore_mem>>) src(%dma_wait3A_45 : memref<50000x32xf32, #tpu.memory_space<hbm>>) dst(%arg7 : memref<1000x32xf32, #tpu.memory_space<vmem>>)
    return
  }
}

#map = affine_map<(d0, d1) -> (0, 0, 0)>
#map1 = affine_map<(d0, d1) -> (0)>
#map2 = affine_map<(d0, d1) -> (0, 0)>
module attributes {stable_mosaic.version = 14 : i64} {
  func.func @k(%arg0: i32, %arg1: i32, %arg2: memref<2x400000x128xf32, #tpu.memory_space<hbm>>, %arg3: memref<1600000xi32, #tpu.memory_space<hbm>>, %arg4: memref<50000x32xf32, #tpu.memory_space<hbm>>, %arg5: memref<2x50000x32xf32, #tpu.memory_space<hbm>>, %arg6: memref<400xi32, #tpu.memory_space<vmem>>, %arg7: memref<400xi32, #tpu.memory_space<vmem>>, %arg8: memref<400x32xf32, #tpu.memory_space<vmem>>, %arg9: memref<400x32xf32, #tpu.memory_space<vmem>>, %arg10: memref<!tpu.dma_semaphore, #tpu.memory_space<semaphore_mem>>, %arg11: memref<!tpu.dma_semaphore, #tpu.memory_space<semaphore_mem>>, %arg12: memref<50000x32xf32, #tpu.memory_space<vmem_shared>>) attributes {dimension_semantics = [#tpu.dimension_semantics<core_parallel>, #tpu.dimension_semantics<subcore_parallel>], iteration_bounds = array<i64: 2, 16>, scalar_prefetch = 0 : i64, scratch_operands = 7 : i64, tpu.core_type = #tpu.core_type<sc_vector_subcore>, window_params = [{transform_indices = #map}, {transform_indices = #map1}, {transform_indices = #map2}, {transform_indices = #map}]} {
    %mul3A = arith.constant 3125 : i32
    %mul3A_0 = arith.muli %arg1, %mul3A : i32
    %mul3A_1 = arith.constant 3125 : i32
    %mul3A_2 = arith.muli %arg1, %mul3A_1 : i32
    "tpu.region"() ({
      %run_scoped3A = tpu.sem_alloc : memref<!tpu.dma_semaphore, #tpu.memory_space<semaphore_mem>>
      %dma_start3A_68 = arith.constant 0 : i32
      %dma_start3A_69 = tpu.memref_slice %arg12[%mul3A_2, %dma_start3A_68] : memref<50000x32xf32, #tpu.memory_space<vmem_shared>> -> memref<3125x32xf32, #tpu.memory_space<vmem_shared>>
      %dma_start3A_70 = arith.constant 0 : i32
      %dma_start3A_71 = tpu.memref_slice %arg4[%mul3A_0, %dma_start3A_70] : memref<50000x32xf32, #tpu.memory_space<hbm>> -> memref<3125x32xf32, #tpu.memory_space<hbm>>
      tpu.enqueue_dma source(%dma_start3A_71 : memref<3125x32xf32, #tpu.memory_space<hbm>>) target(%dma_start3A_69 : memref<3125x32xf32, #tpu.memory_space<vmem_shared>>) target_semaphore(%run_scoped3A : memref<!tpu.dma_semaphore, #tpu.memory_space<semaphore_mem>>)
      %dma_wait3A_72 = arith.constant 0 : i32
      %dma_wait3A_73 = tpu.memref_slice %arg12[%mul3A_2, %dma_wait3A_72] : memref<50000x32xf32, #tpu.memory_space<vmem_shared>> -> memref<3125x32xf32, #tpu.memory_space<vmem_shared>>
      %dma_wait3A_74 = arith.constant 0 : i32
      %dma_wait3A_75 = tpu.memref_slice %arg4[%mul3A_0, %dma_wait3A_74] : memref<50000x32xf32, #tpu.memory_space<hbm>> -> memref<3125x32xf32, #tpu.memory_space<hbm>>
      tpu.wait_dma2 semaphore(%run_scoped3A : memref<!tpu.dma_semaphore, #tpu.memory_space<semaphore_mem>>) src(%dma_wait3A_75 : memref<3125x32xf32, #tpu.memory_space<hbm>>) dst(%dma_wait3A_73 : memref<3125x32xf32, #tpu.memory_space<vmem_shared>>)
      tpu.yield
    }) : () -> ()
    %barrier3A = arith.constant 0 : index
    tpu.barrier barrier_id(%barrier3A)
    %mul3A_3 = arith.constant 100000 : i32
    %mul3A_4 = arith.muli %arg1, %mul3A_3 : i32
    %jit3A = arith.constant 4 : i32
    %div3A = arith.divsi %arg1, %jit3A : i32
    %sign3A = arith.constant 0 : i32
    %sign3A_5 = arith.cmpi sgt, %arg1, %sign3A : i32
    %sign3A_6 = arith.extui %sign3A_5 : i1 to i32
    %sign3A_7 = arith.constant 0 : i32
    %sign3A_8 = arith.cmpi slt, %arg1, %sign3A_7 : i32
    %sign3A_9 = arith.extui %sign3A_8 : i1 to i32
    %sign3A_10 = arith.subi %sign3A_6, %sign3A_9 : i32
    %sign3A_11 = arith.constant 0 : i32
    %sign3A_12 = arith.cmpi sgt, %jit3A, %sign3A_11 : i32
    %sign3A_13 = arith.extui %sign3A_12 : i1 to i32
    %sign3A_14 = arith.constant 0 : i32
    %sign3A_15 = arith.cmpi slt, %jit3A, %sign3A_14 : i32
    %sign3A_16 = arith.extui %sign3A_15 : i1 to i32
    %sign3A_17 = arith.subi %sign3A_13, %sign3A_16 : i32
    %ne3A = arith.cmpi ne, %sign3A_10, %sign3A_17 : i32
    %rem3A = arith.remsi %arg1, %jit3A : i32
    %ne3A_18 = arith.constant 0 : i32
    %ne3A_19 = arith.cmpi ne, %rem3A, %ne3A_18 : i32
    %and3A = arith.andi %ne3A, %ne3A_19 : i1
    %sub3A = arith.constant 1 : i32
    %sub3A_20 = arith.subi %div3A, %sub3A : i32
    %select_n3A = arith.select %and3A, %sub3A_20, %div3A : i32
    %jit3A_21 = arith.constant 4 : i32
    %eq3A = arith.constant 0 : i32
    %eq3A_22 = arith.cmpi eq, %jit3A_21, %eq3A : i32
    %jit3A_23 = arith.constant 1 : i32
    %select_n3A_24 = arith.select %eq3A_22, %jit3A_23, %jit3A_21 : i32
    %rem3A_25 = arith.remsi %arg1, %select_n3A_24 : i32
    %ne3A_26 = arith.constant 0 : i32
    %ne3A_27 = arith.cmpi ne, %rem3A_25, %ne3A_26 : i32
    %lt3A = arith.constant 0 : i32
    %lt3A_28 = arith.cmpi slt, %rem3A_25, %lt3A : i32
    %lt3A_29 = arith.constant 0 : i32
    %lt3A_30 = arith.cmpi slt, %select_n3A_24, %lt3A_29 : i32
    %ne3A_31 = arith.xori %lt3A_28, %lt3A_30 : i1
    %and3A_32 = arith.andi %ne3A_31, %ne3A_27 : i1
    %add3A = arith.addi %rem3A_25, %select_n3A_24 : i32
    %select_n3A_33 = arith.select %and3A_32, %add3A, %rem3A_25 : i32
    %mul3A_34 = arith.constant 100000 : i32
    %mul3A_35 = arith.muli %select_n3A_33, %mul3A_34 : i32
    %add3A_36 = arith.constant 0 : i32
    %add3A_37 = arith.addi %mul3A_4, %add3A_36 : i32
    %dma_start3A = tpu.memref_slice %arg3[%add3A_37] : memref<1600000xi32, #tpu.memory_space<hbm>> -> memref<400xi32, #tpu.memory_space<hbm>>
    %dma_start3A_38 = tpu.memref_slice %arg3[%add3A_37] : memref<1600000xi32, #tpu.memory_space<hbm>> -> memref<400xi32, #tpu.memory_space<hbm>>
    tpu.enqueue_dma source(%dma_start3A_38 : memref<400xi32, #tpu.memory_space<hbm>>) target(%arg6 : memref<400xi32, #tpu.memory_space<vmem>>) target_semaphore(%arg10 : memref<!tpu.dma_semaphore, #tpu.memory_space<semaphore_mem>>)
    %add3A_39 = arith.constant 0 : i32
    %add3A_40 = arith.addi %mul3A_35, %add3A_39 : i32
    %mul3A_41 = arith.constant 32 : i32
    %mul3A_42 = arith.muli %select_n3A, %mul3A_41 : i32
    %dma_start3A_43 = tpu.memref_slice %arg2[%arg0, %add3A_40, %mul3A_42] : memref<2x400000x128xf32, #tpu.memory_space<hbm>> -> memref<1x400x32xf32, #tpu.memory_space<hbm>>
    %dma_start3A_44 = tpu.memref_squeeze %dma_start3A_43 : memref<1x400x32xf32, #tpu.memory_space<hbm>> -> memref<400x32xf32, #tpu.memory_space<hbm>>
    %dma_start3A_45 = tpu.memref_slice %arg2[%arg0, %add3A_40, %mul3A_42] : memref<2x400000x128xf32, #tpu.memory_space<hbm>> -> memref<1x400x32xf32, #tpu.memory_space<hbm>>
    %dma_start3A_46 = tpu.memref_squeeze %dma_start3A_45 : memref<1x400x32xf32, #tpu.memory_space<hbm>> -> memref<400x32xf32, #tpu.memory_space<hbm>>
    tpu.enqueue_dma source(%dma_start3A_46 : memref<400x32xf32, #tpu.memory_space<hbm>>) target(%arg8 : memref<400x32xf32, #tpu.memory_space<vmem>>) target_semaphore(%arg10 : memref<!tpu.dma_semaphore, #tpu.memory_space<semaphore_mem>>)
    %scan3A = arith.constant 0 : i32
    %scan3A_47 = arith.constant 0 : i32
    %scan3A_48 = arith.constant 125 : i32
    %scan3A_49 = arith.addi %scan3A_47, %scan3A_48 : i32
    %scan3A_50 = arith.constant 1 : i32
    scf.for %scan3A_68 = %scan3A_47 to %scan3A_49 step %scan3A_50  : i32 {
      %mul3A_69 = arith.constant 2 : i32
      %mul3A_70 = arith.muli %mul3A_69, %scan3A_68 : i32
      %add3A_71 = arith.constant 1 : i32
      %add3A_72 = arith.addi %mul3A_70, %add3A_71 : i32
      %mul3A_73 = arith.constant 400 : i32
      %mul3A_74 = arith.muli %add3A_72, %mul3A_73 : i32
      %add3A_75 = arith.addi %mul3A_4, %mul3A_74 : i32
      %dma_start3A_76 = tpu.memref_slice %arg3[%add3A_75] : memref<1600000xi32, #tpu.memory_space<hbm>> -> memref<400xi32, #tpu.memory_space<hbm>>
      %dma_start3A_77 = tpu.memref_slice %arg3[%add3A_75] : memref<1600000xi32, #tpu.memory_space<hbm>> -> memref<400xi32, #tpu.memory_space<hbm>>
      tpu.enqueue_dma source(%dma_start3A_77 : memref<400xi32, #tpu.memory_space<hbm>>) target(%arg7 : memref<400xi32, #tpu.memory_space<vmem>>) target_semaphore(%arg11 : memref<!tpu.dma_semaphore, #tpu.memory_space<semaphore_mem>>)
      %mul3A_78 = arith.constant 400 : i32
      %mul3A_79 = arith.muli %add3A_72, %mul3A_78 : i32
      %add3A_80 = arith.addi %mul3A_35, %mul3A_79 : i32
      %mul3A_81 = arith.constant 32 : i32
      %mul3A_82 = arith.muli %select_n3A, %mul3A_81 : i32
      %dma_start3A_83 = tpu.memref_slice %arg2[%arg0, %add3A_80, %mul3A_82] : memref<2x400000x128xf32, #tpu.memory_space<hbm>> -> memref<1x400x32xf32, #tpu.memory_space<hbm>>
      %dma_start3A_84 = tpu.memref_squeeze %dma_start3A_83 : memref<1x400x32xf32, #tpu.memory_space<hbm>> -> memref<400x32xf32, #tpu.memory_space<hbm>>
      %dma_start3A_85 = tpu.memref_slice %arg2[%arg0, %add3A_80, %mul3A_82] : memref<2x400000x128xf32, #tpu.memory_space<hbm>> -> memref<1x400x32xf32, #tpu.memory_space<hbm>>
      %dma_start3A_86 = tpu.memref_squeeze %dma_start3A_85 : memref<1x400x32xf32, #tpu.memory_space<hbm>> -> memref<400x32xf32, #tpu.memory_space<hbm>>
      tpu.enqueue_dma source(%dma_start3A_86 : memref<400x32xf32, #tpu.memory_space<hbm>>) target(%arg9 : memref<400x32xf32, #tpu.memory_space<vmem>>) target_semaphore(%arg11 : memref<!tpu.dma_semaphore, #tpu.memory_space<semaphore_mem>>)
      %mul3A_87 = arith.constant 400 : i32
      %mul3A_88 = arith.muli %mul3A_70, %mul3A_87 : i32
      %add3A_89 = arith.addi %mul3A_4, %mul3A_88 : i32
      %dma_wait3A_90 = tpu.memref_slice %arg3[%add3A_89] : memref<1600000xi32, #tpu.memory_space<hbm>> -> memref<400xi32, #tpu.memory_space<hbm>>
      %dma_wait3A_91 = tpu.memref_slice %arg3[%add3A_89] : memref<1600000xi32, #tpu.memory_space<hbm>> -> memref<400xi32, #tpu.memory_space<hbm>>
      tpu.wait_dma2 semaphore(%arg10 : memref<!tpu.dma_semaphore, #tpu.memory_space<semaphore_mem>>) src(%dma_wait3A_91 : memref<400xi32, #tpu.memory_space<hbm>>) dst(%arg6 : memref<400xi32, #tpu.memory_space<vmem>>)
      %mul3A_92 = arith.constant 400 : i32
      %mul3A_93 = arith.muli %mul3A_70, %mul3A_92 : i32
      %add3A_94 = arith.addi %mul3A_35, %mul3A_93 : i32
      %mul3A_95 = arith.constant 32 : i32
      %mul3A_96 = arith.muli %select_n3A, %mul3A_95 : i32
      %dma_wait3A_97 = tpu.memref_slice %arg2[%arg0, %add3A_94, %mul3A_96] : memref<2x400000x128xf32, #tpu.memory_space<hbm>> -> memref<1x400x32xf32, #tpu.memory_space<hbm>>
      %dma_wait3A_98 = tpu.memref_squeeze %dma_wait3A_97 : memref<1x400x32xf32, #tpu.memory_space<hbm>> -> memref<400x32xf32, #tpu.memory_space<hbm>>
      %dma_wait3A_99 = tpu.memref_slice %arg2[%arg0, %add3A_94, %mul3A_96] : memref<2x400000x128xf32, #tpu.memory_space<hbm>> -> memref<1x400x32xf32, #tpu.memory_space<hbm>>
      %dma_wait3A_100 = tpu.memref_squeeze %dma_wait3A_99 : memref<1x400x32xf32, #tpu.memory_space<hbm>> -> memref<400x32xf32, #tpu.memory_space<hbm>>
      tpu.wait_dma2 semaphore(%arg10 : memref<!tpu.dma_semaphore, #tpu.memory_space<semaphore_mem>>) src(%dma_wait3A_100 : memref<400x32xf32, #tpu.memory_space<hbm>>) dst(%arg8 : memref<400x32xf32, #tpu.memory_space<vmem>>)
      "tpu.region"() ({
        %run_scoped3A = tpu.sem_alloc : memref<!tpu.dma_semaphore, #tpu.memory_space<semaphore_mem>>
        %dma_start3A_134 = arith.constant 0 : i32
        %dma_start3A_135 = arith.constant 0 : i32
        %dma_start3A_136 = tpu.memref_slice %arg12[%dma_start3A_134, %dma_start3A_135] : memref<50000x32xf32, #tpu.memory_space<vmem_shared>> -> memref<50000x32xf32, #tpu.memory_space<vmem_shared>>
        tpu.enqueue_indirect_dma source(%arg8 : memref<400x32xf32, #tpu.memory_space<vmem>>) target(%dma_start3A_136 : memref<50000x32xf32, #tpu.memory_space<vmem_shared>>) offsets(%arg6 : memref<400xi32, #tpu.memory_space<vmem>>) semaphore(%run_scoped3A : memref<!tpu.dma_semaphore, #tpu.memory_space<semaphore_mem>>) {add = true}
        %dma_wait3A_137 = arith.constant 0 : i32
        %dma_wait3A_138 = arith.constant 0 : i32
        %dma_wait3A_139 = tpu.memref_slice %arg12[%dma_wait3A_137, %dma_wait3A_138] : memref<50000x32xf32, #tpu.memory_space<vmem_shared>> -> memref<50000x32xf32, #tpu.memory_space<vmem_shared>>
        tpu.wait_indirect_dma semaphore(%run_scoped3A : memref<!tpu.dma_semaphore, #tpu.memory_space<semaphore_mem>>) src(%arg8 : memref<400x32xf32, #tpu.memory_space<vmem>>) dst(%dma_wait3A_139 : memref<50000x32xf32, #tpu.memory_space<vmem_shared>>)
        tpu.yield
      }) : () -> ()
      %add3A_101 = arith.constant 2 : i32
      %add3A_102 = arith.addi %mul3A_70, %add3A_101 : i32
      %min3A = arith.constant 248 : i32
      %min3A_103 = arith.minsi %add3A_102, %min3A : i32
      %mul3A_104 = arith.constant 400 : i32
      %mul3A_105 = arith.muli %min3A_103, %mul3A_104 : i32
      %add3A_106 = arith.addi %mul3A_4, %mul3A_105 : i32
      %dma_start3A_107 = tpu.memref_slice %arg3[%add3A_106] : memref<1600000xi32, #tpu.memory_space<hbm>> -> memref<400xi32, #tpu.memory_space<hbm>>
      %dma_start3A_108 = tpu.memref_slice %arg3[%add3A_106] : memref<1600000xi32, #tpu.memory_space<hbm>> -> memref<400xi32, #tpu.memory_space<hbm>>
      tpu.enqueue_dma source(%dma_start3A_108 : memref<400xi32, #tpu.memory_space<hbm>>) target(%arg6 : memref<400xi32, #tpu.memory_space<vmem>>) target_semaphore(%arg10 : memref<!tpu.dma_semaphore, #tpu.memory_space<semaphore_mem>>)
      %mul3A_109 = arith.constant 400 : i32
      %mul3A_110 = arith.muli %min3A_103, %mul3A_109 : i32
      %add3A_111 = arith.addi %mul3A_35, %mul3A_110 : i32
      %mul3A_112 = arith.constant 32 : i32
      %mul3A_113 = arith.muli %select_n3A, %mul3A_112 : i32
      %dma_start3A_114 = tpu.memref_slice %arg2[%arg0, %add3A_111, %mul3A_113] : memref<2x400000x128xf32, #tpu.memory_space<hbm>> -> memref<1x400x32xf32, #tpu.memory_space<hbm>>
      %dma_start3A_115 = tpu.memref_squeeze %dma_start3A_114 : memref<1x400x32xf32, #tpu.memory_space<hbm>> -> memref<400x32xf32, #tpu.memory_space<hbm>>
      %dma_start3A_116 = tpu.memref_slice %arg2[%arg0, %add3A_111, %mul3A_113] : memref<2x400000x128xf32, #tpu.memory_space<hbm>> -> memref<1x400x32xf32, #tpu.memory_space<hbm>>
      %dma_start3A_117 = tpu.memref_squeeze %dma_start3A_116 : memref<1x400x32xf32, #tpu.memory_space<hbm>> -> memref<400x32xf32, #tpu.memory_space<hbm>>
      tpu.enqueue_dma source(%dma_start3A_117 : memref<400x32xf32, #tpu.memory_space<hbm>>) target(%arg8 : memref<400x32xf32, #tpu.memory_space<vmem>>) target_semaphore(%arg10 : memref<!tpu.dma_semaphore, #tpu.memory_space<semaphore_mem>>)
      %add3A_118 = arith.constant 1 : i32
      %add3A_119 = arith.addi %mul3A_70, %add3A_118 : i32
      %mul3A_120 = arith.constant 400 : i32
      %mul3A_121 = arith.muli %add3A_119, %mul3A_120 : i32
      %add3A_122 = arith.addi %mul3A_4, %mul3A_121 : i32
      %dma_wait3A_123 = tpu.memref_slice %arg3[%add3A_122] : memref<1600000xi32, #tpu.memory_space<hbm>> -> memref<400xi32, #tpu.memory_space<hbm>>
      %dma_wait3A_124 = tpu.memref_slice %arg3[%add3A_122] : memref<1600000xi32, #tpu.memory_space<hbm>> -> memref<400xi32, #tpu.memory_space<hbm>>
      tpu.wait_dma2 semaphore(%arg11 : memref<!tpu.dma_semaphore, #tpu.memory_space<semaphore_mem>>) src(%dma_wait3A_124 : memref<400xi32, #tpu.memory_space<hbm>>) dst(%arg7 : memref<400xi32, #tpu.memory_space<vmem>>)
      %mul3A_125 = arith.constant 400 : i32
      %mul3A_126 = arith.muli %add3A_119, %mul3A_125 : i32
      %add3A_127 = arith.addi %mul3A_35, %mul3A_126 : i32
      %mul3A_128 = arith.constant 32 : i32
      %mul3A_129 = arith.muli %select_n3A, %mul3A_128 : i32
      %dma_wait3A_130 = tpu.memref_slice %arg2[%arg0, %add3A_127, %mul3A_129] : memref<2x400000x128xf32, #tpu.memory_space<hbm>> -> memref<1x400x32xf32, #tpu.memory_space<hbm>>
      %dma_wait3A_131 = tpu.memref_squeeze %dma_wait3A_130 : memref<1x400x32xf32, #tpu.memory_space<hbm>> -> memref<400x32xf32, #tpu.memory_space<hbm>>
      %dma_wait3A_132 = tpu.memref_slice %arg2[%arg0, %add3A_127, %mul3A_129] : memref<2x400000x128xf32, #tpu.memory_space<hbm>> -> memref<1x400x32xf32, #tpu.memory_space<hbm>>
      %dma_wait3A_133 = tpu.memref_squeeze %dma_wait3A_132 : memref<1x400x32xf32, #tpu.memory_space<hbm>> -> memref<400x32xf32, #tpu.memory_space<hbm>>
      tpu.wait_dma2 semaphore(%arg11 : memref<!tpu.dma_semaphore, #tpu.memory_space<semaphore_mem>>) src(%dma_wait3A_133 : memref<400x32xf32, #tpu.memory_space<hbm>>) dst(%arg9 : memref<400x32xf32, #tpu.memory_space<vmem>>)
      "tpu.region"() ({
        %run_scoped3A = tpu.sem_alloc : memref<!tpu.dma_semaphore, #tpu.memory_space<semaphore_mem>>
        %dma_start3A_134 = arith.constant 0 : i32
        %dma_start3A_135 = arith.constant 0 : i32
        %dma_start3A_136 = tpu.memref_slice %arg12[%dma_start3A_134, %dma_start3A_135] : memref<50000x32xf32, #tpu.memory_space<vmem_shared>> -> memref<50000x32xf32, #tpu.memory_space<vmem_shared>>
        tpu.enqueue_indirect_dma source(%arg9 : memref<400x32xf32, #tpu.memory_space<vmem>>) target(%dma_start3A_136 : memref<50000x32xf32, #tpu.memory_space<vmem_shared>>) offsets(%arg7 : memref<400xi32, #tpu.memory_space<vmem>>) semaphore(%run_scoped3A : memref<!tpu.dma_semaphore, #tpu.memory_space<semaphore_mem>>) {add = true}
        %dma_wait3A_137 = arith.constant 0 : i32
        %dma_wait3A_138 = arith.constant 0 : i32
        %dma_wait3A_139 = tpu.memref_slice %arg12[%dma_wait3A_137, %dma_wait3A_138] : memref<50000x32xf32, #tpu.memory_space<vmem_shared>> -> memref<50000x32xf32, #tpu.memory_space<vmem_shared>>
        tpu.wait_indirect_dma semaphore(%run_scoped3A : memref<!tpu.dma_semaphore, #tpu.memory_space<semaphore_mem>>) src(%arg9 : memref<400x32xf32, #tpu.memory_space<vmem>>) dst(%dma_wait3A_139 : memref<50000x32xf32, #tpu.memory_space<vmem_shared>>)
        tpu.yield
      }) : () -> ()
    }
    %scan3A_51 = arith.constant 125 : i32
    %add3A_52 = arith.constant 99200 : i32
    %add3A_53 = arith.addi %mul3A_4, %add3A_52 : i32
    %dma_wait3A = tpu.memref_slice %arg3[%add3A_53] : memref<1600000xi32, #tpu.memory_space<hbm>> -> memref<400xi32, #tpu.memory_space<hbm>>
    %dma_wait3A_54 = tpu.memref_slice %arg3[%add3A_53] : memref<1600000xi32, #tpu.memory_space<hbm>> -> memref<400xi32, #tpu.memory_space<hbm>>
    tpu.wait_dma2 semaphore(%arg10 : memref<!tpu.dma_semaphore, #tpu.memory_space<semaphore_mem>>) src(%dma_wait3A_54 : memref<400xi32, #tpu.memory_space<hbm>>) dst(%arg6 : memref<400xi32, #tpu.memory_space<vmem>>)
    %add3A_55 = arith.constant 99200 : i32
    %add3A_56 = arith.addi %mul3A_35, %add3A_55 : i32
    %mul3A_57 = arith.constant 32 : i32
    %mul3A_58 = arith.muli %select_n3A, %mul3A_57 : i32
    %dma_wait3A_59 = tpu.memref_slice %arg2[%arg0, %add3A_56, %mul3A_58] : memref<2x400000x128xf32, #tpu.memory_space<hbm>> -> memref<1x400x32xf32, #tpu.memory_space<hbm>>
    %dma_wait3A_60 = tpu.memref_squeeze %dma_wait3A_59 : memref<1x400x32xf32, #tpu.memory_space<hbm>> -> memref<400x32xf32, #tpu.memory_space<hbm>>
    %dma_wait3A_61 = tpu.memref_slice %arg2[%arg0, %add3A_56, %mul3A_58] : memref<2x400000x128xf32, #tpu.memory_space<hbm>> -> memref<1x400x32xf32, #tpu.memory_space<hbm>>
    %dma_wait3A_62 = tpu.memref_squeeze %dma_wait3A_61 : memref<1x400x32xf32, #tpu.memory_space<hbm>> -> memref<400x32xf32, #tpu.memory_space<hbm>>
    tpu.wait_dma2 semaphore(%arg10 : memref<!tpu.dma_semaphore, #tpu.memory_space<semaphore_mem>>) src(%dma_wait3A_62 : memref<400x32xf32, #tpu.memory_space<hbm>>) dst(%arg8 : memref<400x32xf32, #tpu.memory_space<vmem>>)
    %barrier3A_63 = arith.constant 0 : index
    tpu.barrier barrier_id(%barrier3A_63)
    %mul3A_64 = arith.constant 3125 : i32
    %mul3A_65 = arith.muli %arg1, %mul3A_64 : i32
    %mul3A_66 = arith.constant 3125 : i32
    %mul3A_67 = arith.muli %arg1, %mul3A_66 : i32
    "tpu.region"() ({
      %run_scoped3A = tpu.sem_alloc : memref<!tpu.dma_semaphore, #tpu.memory_space<semaphore_mem>>
      %dma_start3A_68 = arith.constant 0 : i32
      %dma_start3A_69 = tpu.memref_slice %arg5[%arg0, %mul3A_67, %dma_start3A_68] : memref<2x50000x32xf32, #tpu.memory_space<hbm>> -> memref<1x3125x32xf32, #tpu.memory_space<hbm>>
      %dma_start3A_70 = tpu.memref_squeeze %dma_start3A_69 : memref<1x3125x32xf32, #tpu.memory_space<hbm>> -> memref<3125x32xf32, #tpu.memory_space<hbm>>
      %dma_start3A_71 = arith.constant 0 : i32
      %dma_start3A_72 = tpu.memref_slice %arg12[%mul3A_65, %dma_start3A_71] : memref<50000x32xf32, #tpu.memory_space<vmem_shared>> -> memref<3125x32xf32, #tpu.memory_space<vmem_shared>>
      tpu.enqueue_dma source(%dma_start3A_72 : memref<3125x32xf32, #tpu.memory_space<vmem_shared>>) target(%dma_start3A_70 : memref<3125x32xf32, #tpu.memory_space<hbm>>) target_semaphore(%run_scoped3A : memref<!tpu.dma_semaphore, #tpu.memory_space<semaphore_mem>>)
      %dma_wait3A_73 = arith.constant 0 : i32
      %dma_wait3A_74 = tpu.memref_slice %arg5[%arg0, %mul3A_67, %dma_wait3A_73] : memref<2x50000x32xf32, #tpu.memory_space<hbm>> -> memref<1x3125x32xf32, #tpu.memory_space<hbm>>
      %dma_wait3A_75 = tpu.memref_squeeze %dma_wait3A_74 : memref<1x3125x32xf32, #tpu.memory_space<hbm>> -> memref<3125x32xf32, #tpu.memory_space<hbm>>
      %dma_wait3A_76 = arith.constant 0 : i32
      %dma_wait3A_77 = tpu.memref_slice %arg12[%mul3A_65, %dma_wait3A_76] : memref<50000x32xf32, #tpu.memory_space<vmem_shared>> -> memref<3125x32xf32, #tpu.memory_space<vmem_shared>>
      tpu.wait_dma2 semaphore(%run_scoped3A : memref<!tpu.dma_semaphore, #tpu.memory_space<semaphore_mem>>) src(%dma_wait3A_77 : memref<3125x32xf32, #tpu.memory_space<vmem_shared>>) dst(%dma_wait3A_75 : memref<3125x32xf32, #tpu.memory_space<hbm>>)
      tpu.yield
    }) : () -> ()
    return
  }
}

module attributes {stable_mosaic.version = 14 : i64} {
  func.func @body(%arg0: i32, %arg1: memref<2000x28xf32, #tpu.memory_space<vmem>>, %arg2: memref<2000x8xf32, #tpu.memory_space<vmem>>, %arg3: memref<28x32xf32, #tpu.memory_space<vmem>>, %arg4: memref<8x32xf32, #tpu.memory_space<vmem>>, %arg5: memref<1x32xf32, #tpu.memory_space<vmem>>, %arg6: memref<32x32xf32, #tpu.memory_space<vmem>>, %arg7: memref<1x32xf32, #tpu.memory_space<vmem>>, %arg8: memref<32x32xf32, #tpu.memory_space<vmem>>, %arg9: memref<8x32xf32, #tpu.memory_space<vmem>>, %arg10: memref<1x32xf32, #tpu.memory_space<vmem>>, %arg11: memref<2000x32xf32, #tpu.memory_space<vmem>>, %arg12: memref<2000x32xf32, #tpu.memory_space<vmem>>) attributes {dimension_semantics = [#tpu.dimension_semantics<arbitrary>], iteration_bounds = array<i64: 25>, scalar_prefetch = 0 : i64, scratch_operands = 0 : i64, tpu.core_type = #tpu.core_type<tc>, window_params = [{transform_indices = @transform_0, window_bounds = array<i64: 2000, 28>}, {transform_indices = @transform_1, window_bounds = array<i64: 2000, 8>}, {pipeline_mode = #tpu.pipeline_mode<synchronous>, transform_indices = @transform_2, window_bounds = array<i64: 28, 32>}, {pipeline_mode = #tpu.pipeline_mode<synchronous>, transform_indices = @transform_3, window_bounds = array<i64: 8, 32>}, {pipeline_mode = #tpu.pipeline_mode<synchronous>, transform_indices = @transform_4, window_bounds = array<i64: 1, 32>}, {pipeline_mode = #tpu.pipeline_mode<synchronous>, transform_indices = @transform_5, window_bounds = array<i64: 32, 32>}, {pipeline_mode = #tpu.pipeline_mode<synchronous>, transform_indices = @transform_6, window_bounds = array<i64: 1, 32>}, {pipeline_mode = #tpu.pipeline_mode<synchronous>, transform_indices = @transform_7, window_bounds = array<i64: 32, 32>}, {pipeline_mode = #tpu.pipeline_mode<synchronous>, transform_indices = @transform_8, window_bounds = array<i64: 8, 32>}, {pipeline_mode = #tpu.pipeline_mode<synchronous>, transform_indices = @transform_9, window_bounds = array<i64: 1, 32>}, {transform_indices = @transform_10, window_bounds = array<i64: 2000, 32>}, {transform_indices = @transform_11, window_bounds = array<i64: 2000, 32>}]} {
    %get3A = arith.constant 0 : index
    %get3A_0 = arith.constant 0 : index
    %get3A_1 = vector.load %arg1[%get3A, %get3A_0] : memref<2000x28xf32, #tpu.memory_space<vmem>>, vector<2000x28xf32>
    %get3A_2 = arith.constant 0 : index
    %get3A_3 = arith.constant 0 : index
    %get3A_4 = vector.load %arg2[%get3A_2, %get3A_3] : memref<2000x8xf32, #tpu.memory_space<vmem>>, vector<2000x8xf32>
    %get3A_5 = arith.constant 0 : index
    %get3A_6 = arith.constant 0 : index
    %get3A_7 = vector.load %arg3[%get3A_5, %get3A_6] : memref<28x32xf32, #tpu.memory_space<vmem>>, vector<28x32xf32>
    %dot_general3A = arith.constant dense<0.000000e+00> : vector<2000x32xf32>
    %dot_general3A_8 = tpu.matmul %get3A_1, %get3A_7, %dot_general3A {dimension_numbers = #tpu.dot_dimension_numbers<[1], [0], [0], [1], [0, 0, 1, 1], [], []>, transpose_lhs_hint = false} : vector<2000x28xf32>, vector<28x32xf32>, vector<2000x32xf32> -> vector<2000x32xf32>
    %get3A_9 = arith.constant 0 : index
    %get3A_10 = arith.constant 0 : index
    %get3A_11 = vector.load %arg4[%get3A_9, %get3A_10] : memref<8x32xf32, #tpu.memory_space<vmem>>, vector<8x32xf32>
    %dot_general3A_12 = arith.constant dense<0.000000e+00> : vector<2000x32xf32>
    %dot_general3A_13 = tpu.matmul %get3A_4, %get3A_11, %dot_general3A_12 {dimension_numbers = #tpu.dot_dimension_numbers<[1], [0], [0], [1], [0, 0, 1, 1], [], []>, transpose_lhs_hint = false} : vector<2000x8xf32>, vector<8x32xf32>, vector<2000x32xf32> -> vector<2000x32xf32>
    %add3A = arith.addf %dot_general3A_8, %dot_general3A_13 : vector<2000x32xf32>
    %get3A_14 = arith.constant 0 : index
    %get3A_15 = arith.constant 0 : index
    %get3A_16 = vector.load %arg5[%get3A_14, %get3A_15] : memref<1x32xf32, #tpu.memory_space<vmem>>, vector<1x32xf32>
    %add3A_17 = vector.broadcast %get3A_16 : vector<1x32xf32> to vector<2000x32xf32>
    %add3A_18 = arith.addf %add3A, %add3A_17 : vector<2000x32xf32>
    %max3A = arith.constant 0.000000e+00 : f32
    %max3A_19 = vector.broadcast %max3A : f32 to vector<2000x32xf32>
    %max3A_20 = arith.maximumf %add3A_18, %max3A_19 : vector<2000x32xf32>
    %get3A_21 = arith.constant 0 : index
    %get3A_22 = arith.constant 0 : index
    %get3A_23 = vector.load %arg6[%get3A_21, %get3A_22] : memref<32x32xf32, #tpu.memory_space<vmem>>, vector<32x32xf32>
    %dot_general3A_24 = arith.constant dense<0.000000e+00> : vector<2000x32xf32>
    %dot_general3A_25 = tpu.matmul %max3A_20, %get3A_23, %dot_general3A_24 {dimension_numbers = #tpu.dot_dimension_numbers<[1], [0], [0], [1], [0, 0, 1, 1], [], []>, transpose_lhs_hint = false} : vector<2000x32xf32>, vector<32x32xf32>, vector<2000x32xf32> -> vector<2000x32xf32>
    %get3A_26 = arith.constant 0 : index
    %get3A_27 = arith.constant 0 : index
    %get3A_28 = vector.load %arg7[%get3A_26, %get3A_27] : memref<1x32xf32, #tpu.memory_space<vmem>>, vector<1x32xf32>
    %add3A_29 = vector.broadcast %get3A_28 : vector<1x32xf32> to vector<2000x32xf32>
    %add3A_30 = arith.addf %dot_general3A_25, %add3A_29 : vector<2000x32xf32>
    %max3A_31 = arith.constant 0.000000e+00 : f32
    %max3A_32 = vector.broadcast %max3A_31 : f32 to vector<2000x32xf32>
    %max3A_33 = arith.maximumf %add3A_30, %max3A_32 : vector<2000x32xf32>
    %get3A_34 = arith.constant 0 : index
    %get3A_35 = arith.constant 0 : index
    %get3A_36 = vector.load %arg8[%get3A_34, %get3A_35] : memref<32x32xf32, #tpu.memory_space<vmem>>, vector<32x32xf32>
    %dot_general3A_37 = arith.constant dense<0.000000e+00> : vector<2000x32xf32>
    %dot_general3A_38 = tpu.matmul %max3A_33, %get3A_36, %dot_general3A_37 {dimension_numbers = #tpu.dot_dimension_numbers<[1], [0], [0], [1], [0, 0, 1, 1], [], []>, transpose_lhs_hint = false} : vector<2000x32xf32>, vector<32x32xf32>, vector<2000x32xf32> -> vector<2000x32xf32>
    %get3A_39 = arith.constant 0 : index
    %get3A_40 = arith.constant 0 : index
    %get3A_41 = vector.load %arg9[%get3A_39, %get3A_40] : memref<8x32xf32, #tpu.memory_space<vmem>>, vector<8x32xf32>
    %dot_general3A_42 = arith.constant dense<0.000000e+00> : vector<2000x32xf32>
    %dot_general3A_43 = tpu.matmul %get3A_4, %get3A_41, %dot_general3A_42 {dimension_numbers = #tpu.dot_dimension_numbers<[1], [0], [0], [1], [0, 0, 1, 1], [], []>, transpose_lhs_hint = false} : vector<2000x8xf32>, vector<8x32xf32>, vector<2000x32xf32> -> vector<2000x32xf32>
    %add3A_44 = arith.addf %dot_general3A_38, %dot_general3A_43 : vector<2000x32xf32>
    %get3A_45 = arith.constant 0 : index
    %get3A_46 = arith.constant 0 : index
    %get3A_47 = vector.load %arg10[%get3A_45, %get3A_46] : memref<1x32xf32, #tpu.memory_space<vmem>>, vector<1x32xf32>
    %add3A_48 = vector.broadcast %get3A_47 : vector<1x32xf32> to vector<2000x32xf32>
    %add3A_49 = arith.addf %add3A_44, %add3A_48 : vector<2000x32xf32>
    %swap3A = arith.constant 0 : index
    %swap3A_50 = arith.constant 0 : index
    %swap3A_51 = vector.load %arg11[%swap3A, %swap3A_50] : memref<2000x32xf32, #tpu.memory_space<vmem>>, vector<2000x32xf32>
    tpu.vector_store %arg11[%swap3A, %swap3A_50], %max3A_33 {strides = array<i32>} : memref<2000x32xf32, #tpu.memory_space<vmem>>, vector<2000x32xf32>,
    %swap3A_52 = arith.constant 0 : index
    %swap3A_53 = arith.constant 0 : index
    %swap3A_54 = vector.load %arg12[%swap3A_52, %swap3A_53] : memref<2000x32xf32, #tpu.memory_space<vmem>>, vector<2000x32xf32>
    tpu.vector_store %arg12[%swap3A_52, %swap3A_53], %add3A_49 {strides = array<i32>} : memref<2000x32xf32, #tpu.memory_space<vmem>>, vector<2000x32xf32>,
    return
  }
  func.func @transform_0(%arg0: i32) -> (i32, i32) {
    %c0_i32 = arith.constant 0 : i32
    %c0_i32_0 = arith.constant 0 : i32
    return %arg0, %c0_i32 : i32, i32
  }
  func.func @transform_1(%arg0: i32) -> (i32, i32) {
    %c0_i32 = arith.constant 0 : i32
    %c0_i32_0 = arith.constant 0 : i32
    return %arg0, %c0_i32 : i32, i32
  }
  func.func @transform_2(%arg0: i32) -> (i32, i32) {
    %c0_i32 = arith.constant 0 : i32
    %c0_i32_0 = arith.constant 0 : i32
    %c0_i32_1 = arith.constant 0 : i32
    return %c0_i32, %c0_i32_0 : i32, i32
  }
  func.func @transform_3(%arg0: i32) -> (i32, i32) {
    %c0_i32 = arith.constant 0 : i32
    %c0_i32_0 = arith.constant 0 : i32
    %c0_i32_1 = arith.constant 0 : i32
    return %c0_i32, %c0_i32_0 : i32, i32
  }
  func.func @transform_4(%arg0: i32) -> (i32, i32) {
    %c0_i32 = arith.constant 0 : i32
    %c0_i32_0 = arith.constant 0 : i32
    %c0_i32_1 = arith.constant 0 : i32
    return %c0_i32, %c0_i32_0 : i32, i32
  }
  func.func @transform_5(%arg0: i32) -> (i32, i32) {
    %c0_i32 = arith.constant 0 : i32
    %c0_i32_0 = arith.constant 0 : i32
    %c0_i32_1 = arith.constant 0 : i32
    return %c0_i32, %c0_i32_0 : i32, i32
  }
  func.func @transform_6(%arg0: i32) -> (i32, i32) {
    %c0_i32 = arith.constant 0 : i32
    %c0_i32_0 = arith.constant 0 : i32
    %c0_i32_1 = arith.constant 0 : i32
    return %c0_i32, %c0_i32_0 : i32, i32
  }
  func.func @transform_7(%arg0: i32) -> (i32, i32) {
    %c0_i32 = arith.constant 0 : i32
    %c0_i32_0 = arith.constant 0 : i32
    %c0_i32_1 = arith.constant 0 : i32
    return %c0_i32, %c0_i32_0 : i32, i32
  }
  func.func @transform_8(%arg0: i32) -> (i32, i32) {
    %c0_i32 = arith.constant 0 : i32
    %c0_i32_0 = arith.constant 0 : i32
    %c0_i32_1 = arith.constant 0 : i32
    return %c0_i32, %c0_i32_0 : i32, i32
  }
  func.func @transform_9(%arg0: i32) -> (i32, i32) {
    %c0_i32 = arith.constant 0 : i32
    %c0_i32_0 = arith.constant 0 : i32
    %c0_i32_1 = arith.constant 0 : i32
    return %c0_i32, %c0_i32_0 : i32, i32
  }
  func.func @transform_10(%arg0: i32) -> (i32, i32) {
    %c0_i32 = arith.constant 0 : i32
    %c0_i32_0 = arith.constant 0 : i32
    return %arg0, %c0_i32 : i32, i32
  }
  func.func @transform_11(%arg0: i32) -> (i32, i32) {
    %c0_i32 = arith.constant 0 : i32
    %c0_i32_0 = arith.constant 0 : i32
    return %arg0, %c0_i32 : i32, i32
  }
}

module attributes {stable_mosaic.version = 14 : i64} {
  func.func @body(%arg0: i32, %arg1: memref<3200x128xf32, #tpu.memory_space<vmem>>, %arg2: memref<16x3200xf32, #tpu.memory_space<vmem>>, %arg3: memref<16x128xf32, #tpu.memory_space<vmem>>, %arg4: memref<128x128xf32, #tpu.memory_space<vmem>>, %arg5: memref<128x128xf32, #tpu.memory_space<vmem>>, %arg6: memref<1x128xf32, #tpu.memory_space<vmem>>, %arg7: memref<1x128xf32, #tpu.memory_space<vmem>>, %arg8: memref<2x3200x128xf32, #tpu.memory_space<vmem>>) attributes {dimension_semantics = [#tpu.dimension_semantics<arbitrary>], iteration_bounds = array<i64: 125>, scalar_prefetch = 0 : i64, scratch_operands = 0 : i64, tpu.core_type = #tpu.core_type<tc>, window_params = [{transform_indices = @transform_0, window_bounds = array<i64: 3200, 128>}, {transform_indices = @transform_1, window_bounds = array<i64: 16, 3200>}, {pipeline_mode = #tpu.pipeline_mode<synchronous>, transform_indices = @transform_2, window_bounds = array<i64: 16, 128>}, {pipeline_mode = #tpu.pipeline_mode<synchronous>, transform_indices = @transform_3, window_bounds = array<i64: 128, 128>}, {pipeline_mode = #tpu.pipeline_mode<synchronous>, transform_indices = @transform_4, window_bounds = array<i64: 128, 128>}, {pipeline_mode = #tpu.pipeline_mode<synchronous>, transform_indices = @transform_5, window_bounds = array<i64: 1, 128>}, {pipeline_mode = #tpu.pipeline_mode<synchronous>, transform_indices = @transform_6, window_bounds = array<i64: 1, 128>}, {transform_indices = @transform_7, window_bounds = array<i64: 2, 3200, 128>}]} {
    %get3A = arith.constant 0 : index
    %get3A_0 = arith.constant 0 : index
    %get3A_1 = vector.load %arg1[%get3A, %get3A_0] : memref<3200x128xf32, #tpu.memory_space<vmem>>, vector<3200x128xf32>
    %get3A_2 = arith.constant 0 : index
    %get3A_3 = arith.constant 0 : index
    %get3A_4 = vector.load %arg2[%get3A_2, %get3A_3] : memref<16x3200xf32, #tpu.memory_space<vmem>>, vector<16x3200xf32>
    %get3A_5 = arith.constant 0 : index
    %get3A_6 = arith.constant 0 : index
    %get3A_7 = vector.load %arg3[%get3A_5, %get3A_6] : memref<16x128xf32, #tpu.memory_space<vmem>>, vector<16x128xf32>
    %dot_general3A = arith.constant dense<0.000000e+00> : vector<3200x128xf32>
    %dot_general3A_8 = tpu.matmul %get3A_4, %get3A_7, %dot_general3A {dimension_numbers = #tpu.dot_dimension_numbers<[0], [0], [1], [1], [0, 1, 1, 1], [], []>, transpose_lhs_hint = false} : vector<16x3200xf32>, vector<16x128xf32>, vector<3200x128xf32> -> vector<3200x128xf32>
    %add3A = arith.addf %get3A_1, %dot_general3A_8 : vector<3200x128xf32>
    %max3A = arith.constant 0.000000e+00 : f32
    %max3A_9 = vector.broadcast %max3A : f32 to vector<3200x128xf32>
    %max3A_10 = arith.maximumf %add3A, %max3A_9 : vector<3200x128xf32>
    %get3A_11 = arith.constant 0 : index
    %get3A_12 = arith.constant 0 : index
    %get3A_13 = vector.load %arg4[%get3A_11, %get3A_12] : memref<128x128xf32, #tpu.memory_space<vmem>>, vector<128x128xf32>
    %dot_general3A_14 = arith.constant dense<0.000000e+00> : vector<3200x128xf32>
    %dot_general3A_15 = tpu.matmul %max3A_10, %get3A_13, %dot_general3A_14 {dimension_numbers = #tpu.dot_dimension_numbers<[1], [0], [0], [1], [0, 0, 1, 1], [], []>, transpose_lhs_hint = false} : vector<3200x128xf32>, vector<128x128xf32>, vector<3200x128xf32> -> vector<3200x128xf32>
    %get3A_16 = arith.constant 0 : index
    %get3A_17 = arith.constant 0 : index
    %get3A_18 = vector.load %arg6[%get3A_16, %get3A_17] : memref<1x128xf32, #tpu.memory_space<vmem>>, vector<1x128xf32>
    %add3A_19 = vector.broadcast %get3A_18 : vector<1x128xf32> to vector<3200x128xf32>
    %add3A_20 = arith.addf %dot_general3A_15, %add3A_19 : vector<3200x128xf32>
    %max3A_21 = arith.constant 0.000000e+00 : f32
    %max3A_22 = vector.broadcast %max3A_21 : f32 to vector<3200x128xf32>
    %max3A_23 = arith.maximumf %add3A_20, %max3A_22 : vector<3200x128xf32>
    %swap3A = arith.constant 0 : index
    %swap3A_24 = arith.constant 0 : index
    %swap3A_25 = arith.constant 0 : index
    %swap3A_26 = vector.load %arg8[%swap3A, %swap3A_24, %swap3A_25] : memref<2x3200x128xf32, #tpu.memory_space<vmem>>, vector<1x3200x128xf32>
    %swap3A_27 = vector.shape_cast %swap3A_26 : vector<1x3200x128xf32> to vector<3200x128xf32>
    %swap3A_28 = vector.shape_cast %max3A_23 : vector<3200x128xf32> to vector<1x3200x128xf32>
    tpu.vector_store %arg8[%swap3A, %swap3A_24, %swap3A_25], %swap3A_28 {strides = array<i32>} : memref<2x3200x128xf32, #tpu.memory_space<vmem>>, vector<1x3200x128xf32>,
    %get3A_29 = arith.constant 0 : index
    %get3A_30 = arith.constant 0 : index
    %get3A_31 = vector.load %arg5[%get3A_29, %get3A_30] : memref<128x128xf32, #tpu.memory_space<vmem>>, vector<128x128xf32>
    %dot_general3A_32 = arith.constant dense<0.000000e+00> : vector<3200x128xf32>
    %dot_general3A_33 = tpu.matmul %max3A_10, %get3A_31, %dot_general3A_32 {dimension_numbers = #tpu.dot_dimension_numbers<[1], [0], [0], [1], [0, 0, 1, 1], [], []>, transpose_lhs_hint = false} : vector<3200x128xf32>, vector<128x128xf32>, vector<3200x128xf32> -> vector<3200x128xf32>
    %get3A_34 = arith.constant 0 : index
    %get3A_35 = arith.constant 0 : index
    %get3A_36 = vector.load %arg7[%get3A_34, %get3A_35] : memref<1x128xf32, #tpu.memory_space<vmem>>, vector<1x128xf32>
    %add3A_37 = vector.broadcast %get3A_36 : vector<1x128xf32> to vector<3200x128xf32>
    %add3A_38 = arith.addf %dot_general3A_33, %add3A_37 : vector<3200x128xf32>
    %max3A_39 = arith.constant 0.000000e+00 : f32
    %max3A_40 = vector.broadcast %max3A_39 : f32 to vector<3200x128xf32>
    %max3A_41 = arith.maximumf %add3A_38, %max3A_40 : vector<3200x128xf32>
    %swap3A_42 = arith.constant 1 : index
    %swap3A_43 = arith.constant 0 : index
    %swap3A_44 = arith.constant 0 : index
    %swap3A_45 = vector.load %arg8[%swap3A_42, %swap3A_43, %swap3A_44] : memref<2x3200x128xf32, #tpu.memory_space<vmem>>, vector<1x3200x128xf32>
    %swap3A_46 = vector.shape_cast %swap3A_45 : vector<1x3200x128xf32> to vector<3200x128xf32>
    %swap3A_47 = vector.shape_cast %max3A_41 : vector<3200x128xf32> to vector<1x3200x128xf32>
    tpu.vector_store %arg8[%swap3A_42, %swap3A_43, %swap3A_44], %swap3A_47 {strides = array<i32>} : memref<2x3200x128xf32, #tpu.memory_space<vmem>>, vector<1x3200x128xf32>,
    return
  }
  func.func @transform_0(%arg0: i32) -> (i32, i32) {
    %c0_i32 = arith.constant 0 : i32
    %c0_i32_0 = arith.constant 0 : i32
    return %arg0, %c0_i32 : i32, i32
  }
  func.func @transform_1(%arg0: i32) -> (i32, i32) {
    %c0_i32 = arith.constant 0 : i32
    %c0_i32_0 = arith.constant 0 : i32
    return %c0_i32, %arg0 : i32, i32
  }
  func.func @transform_2(%arg0: i32) -> (i32, i32) {
    %c0_i32 = arith.constant 0 : i32
    %c0_i32_0 = arith.constant 0 : i32
    %c0_i32_1 = arith.constant 0 : i32
    return %c0_i32, %c0_i32_0 : i32, i32
  }
  func.func @transform_3(%arg0: i32) -> (i32, i32) {
    %c0_i32 = arith.constant 0 : i32
    %c0_i32_0 = arith.constant 0 : i32
    %c0_i32_1 = arith.constant 0 : i32
    return %c0_i32, %c0_i32_0 : i32, i32
  }
  func.func @transform_4(%arg0: i32) -> (i32, i32) {
    %c0_i32 = arith.constant 0 : i32
    %c0_i32_0 = arith.constant 0 : i32
    %c0_i32_1 = arith.constant 0 : i32
    return %c0_i32, %c0_i32_0 : i32, i32
  }
  func.func @transform_5(%arg0: i32) -> (i32, i32) {
    %c0_i32 = arith.constant 0 : i32
    %c0_i32_0 = arith.constant 0 : i32
    %c0_i32_1 = arith.constant 0 : i32
    return %c0_i32, %c0_i32_0 : i32, i32
  }
  func.func @transform_6(%arg0: i32) -> (i32, i32) {
    %c0_i32 = arith.constant 0 : i32
    %c0_i32_0 = arith.constant 0 : i32
    %c0_i32_1 = arith.constant 0 : i32
    return %c0_i32, %c0_i32_0 : i32, i32
  }
  func.func @transform_7(%arg0: i32) -> (i32, i32, i32) {
    %c0_i32 = arith.constant 0 : i32
    %c0_i32_0 = arith.constant 0 : i32
    %c0_i32_1 = arith.constant 0 : i32
    return %c0_i32, %arg0, %c0_i32_0 : i32, i32, i32
  }
}

module attributes {stable_mosaic.version = 14 : i64} {
  func.func @body(%arg0: i32, %arg1: memref<2000x32xf32, #tpu.memory_space<vmem>>, %arg2: memref<2000x32xf32, #tpu.memory_space<vmem>>, %arg3: memref<2000x1xf32, #tpu.memory_space<vmem>>, %arg4: memref<2000x32xf32, #tpu.memory_space<vmem>>, %arg5: memref<2000x8xf32, #tpu.memory_space<vmem>>, %arg6: memref<32x64xf32, #tpu.memory_space<vmem>>, %arg7: memref<32x64xf32, #tpu.memory_space<vmem>>, %arg8: memref<32x64xf32, #tpu.memory_space<vmem>>, %arg9: memref<8x64xf32, #tpu.memory_space<vmem>>, %arg10: memref<1x64xf32, #tpu.memory_space<vmem>>, %arg11: memref<2000x64xf32, #tpu.memory_space<vmem>>) attributes {dimension_semantics = [#tpu.dimension_semantics<arbitrary>], iteration_bounds = array<i64: 25>, scalar_prefetch = 0 : i64, scratch_operands = 0 : i64, tpu.core_type = #tpu.core_type<tc>, window_params = [{transform_indices = @transform_0, window_bounds = array<i64: 2000, 32>}, {transform_indices = @transform_1, window_bounds = array<i64: 2000, 32>}, {transform_indices = @transform_2, window_bounds = array<i64: 2000, 1>}, {transform_indices = @transform_3, window_bounds = array<i64: 2000, 32>}, {transform_indices = @transform_4, window_bounds = array<i64: 2000, 8>}, {pipeline_mode = #tpu.pipeline_mode<synchronous>, transform_indices = @transform_5, window_bounds = array<i64: 32, 64>}, {pipeline_mode = #tpu.pipeline_mode<synchronous>, transform_indices = @transform_6, window_bounds = array<i64: 32, 64>}, {pipeline_mode = #tpu.pipeline_mode<synchronous>, transform_indices = @transform_7, window_bounds = array<i64: 32, 64>}, {pipeline_mode = #tpu.pipeline_mode<synchronous>, transform_indices = @transform_8, window_bounds = array<i64: 8, 64>}, {pipeline_mode = #tpu.pipeline_mode<synchronous>, transform_indices = @transform_9, window_bounds = array<i64: 1, 64>}, {transform_indices = @transform_10, window_bounds = array<i64: 2000, 64>}]} {
    %get3A = arith.constant 0 : index
    %get3A_0 = arith.constant 0 : index
    %get3A_1 = vector.load %arg3[%get3A, %get3A_0] : memref<2000x1xf32, #tpu.memory_space<vmem>>, vector<2000x1xf32>
    %max3A = arith.constant 1.000000e+00 : f32
    %max3A_2 = vector.broadcast %max3A : f32 to vector<2000x1xf32>
    %max3A_3 = arith.maximumf %get3A_1, %max3A_2 : vector<2000x1xf32>
    %div3A = arith.constant 1.000000e+00 : f32
    %div3A_4 = vector.broadcast %div3A : f32 to vector<2000x1xf32>
    %div3A_5 = arith.divf %div3A_4, %max3A_3 : vector<2000x1xf32>
    %get3A_6 = arith.constant 0 : index
    %get3A_7 = arith.constant 0 : index
    %get3A_8 = vector.load %arg1[%get3A_6, %get3A_7] : memref<2000x32xf32, #tpu.memory_space<vmem>>, vector<2000x32xf32>
    %mul3A = vector.broadcast %div3A_5 : vector<2000x1xf32> to vector<2000x32xf32>
    %mul3A_9 = arith.mulf %get3A_8, %mul3A : vector<2000x32xf32>
    %get3A_10 = arith.constant 0 : index
    %get3A_11 = arith.constant 0 : index
    %get3A_12 = vector.load %arg2[%get3A_10, %get3A_11] : memref<2000x32xf32, #tpu.memory_space<vmem>>, vector<2000x32xf32>
    %mul3A_13 = vector.broadcast %div3A_5 : vector<2000x1xf32> to vector<2000x32xf32>
    %mul3A_14 = arith.mulf %get3A_12, %mul3A_13 : vector<2000x32xf32>
    %get3A_15 = arith.constant 0 : index
    %get3A_16 = arith.constant 0 : index
    %get3A_17 = vector.load %arg6[%get3A_15, %get3A_16] : memref<32x64xf32, #tpu.memory_space<vmem>>, vector<32x64xf32>
    %dot_general3A = arith.constant dense<0.000000e+00> : vector<2000x64xf32>
    %dot_general3A_18 = tpu.matmul %mul3A_9, %get3A_17, %dot_general3A {dimension_numbers = #tpu.dot_dimension_numbers<[1], [0], [0], [1], [0, 0, 1, 1], [], []>, transpose_lhs_hint = false} : vector<2000x32xf32>, vector<32x64xf32>, vector<2000x64xf32> -> vector<2000x64xf32>
    %get3A_19 = arith.constant 0 : index
    %get3A_20 = arith.constant 0 : index
    %get3A_21 = vector.load %arg7[%get3A_19, %get3A_20] : memref<32x64xf32, #tpu.memory_space<vmem>>, vector<32x64xf32>
    %dot_general3A_22 = arith.constant dense<0.000000e+00> : vector<2000x64xf32>
    %dot_general3A_23 = tpu.matmul %mul3A_14, %get3A_21, %dot_general3A_22 {dimension_numbers = #tpu.dot_dimension_numbers<[1], [0], [0], [1], [0, 0, 1, 1], [], []>, transpose_lhs_hint = false} : vector<2000x32xf32>, vector<32x64xf32>, vector<2000x64xf32> -> vector<2000x64xf32>
    %add3A = arith.addf %dot_general3A_18, %dot_general3A_23 : vector<2000x64xf32>
    %get3A_24 = arith.constant 0 : index
    %get3A_25 = arith.constant 0 : index
    %get3A_26 = vector.load %arg4[%get3A_24, %get3A_25] : memref<2000x32xf32, #tpu.memory_space<vmem>>, vector<2000x32xf32>
    %get3A_27 = arith.constant 0 : index
    %get3A_28 = arith.constant 0 : index
    %get3A_29 = vector.load %arg8[%get3A_27, %get3A_28] : memref<32x64xf32, #tpu.memory_space<vmem>>, vector<32x64xf32>
    %dot_general3A_30 = arith.constant dense<0.000000e+00> : vector<2000x64xf32>
    %dot_general3A_31 = tpu.matmul %get3A_26, %get3A_29, %dot_general3A_30 {dimension_numbers = #tpu.dot_dimension_numbers<[1], [0], [0], [1], [0, 0, 1, 1], [], []>, transpose_lhs_hint = false} : vector<2000x32xf32>, vector<32x64xf32>, vector<2000x64xf32> -> vector<2000x64xf32>
    %add3A_32 = arith.addf %add3A, %dot_general3A_31 : vector<2000x64xf32>
    %get3A_33 = arith.constant 0 : index
    %get3A_34 = arith.constant 0 : index
    %get3A_35 = vector.load %arg5[%get3A_33, %get3A_34] : memref<2000x8xf32, #tpu.memory_space<vmem>>, vector<2000x8xf32>
    %get3A_36 = arith.constant 0 : index
    %get3A_37 = arith.constant 0 : index
    %get3A_38 = vector.load %arg9[%get3A_36, %get3A_37] : memref<8x64xf32, #tpu.memory_space<vmem>>, vector<8x64xf32>
    %dot_general3A_39 = arith.constant dense<0.000000e+00> : vector<2000x64xf32>
    %dot_general3A_40 = tpu.matmul %get3A_35, %get3A_38, %dot_general3A_39 {dimension_numbers = #tpu.dot_dimension_numbers<[1], [0], [0], [1], [0, 0, 1, 1], [], []>, transpose_lhs_hint = false} : vector<2000x8xf32>, vector<8x64xf32>, vector<2000x64xf32> -> vector<2000x64xf32>
    %add3A_41 = arith.addf %add3A_32, %dot_general3A_40 : vector<2000x64xf32>
    %get3A_42 = arith.constant 0 : index
    %get3A_43 = arith.constant 0 : index
    %get3A_44 = vector.load %arg10[%get3A_42, %get3A_43] : memref<1x64xf32, #tpu.memory_space<vmem>>, vector<1x64xf32>
    %add3A_45 = vector.broadcast %get3A_44 : vector<1x64xf32> to vector<2000x64xf32>
    %add3A_46 = arith.addf %add3A_41, %add3A_45 : vector<2000x64xf32>
    %swap3A = arith.constant 0 : index
    %swap3A_47 = arith.constant 0 : index
    %swap3A_48 = vector.load %arg11[%swap3A, %swap3A_47] : memref<2000x64xf32, #tpu.memory_space<vmem>>, vector<2000x64xf32>
    tpu.vector_store %arg11[%swap3A, %swap3A_47], %add3A_46 {strides = array<i32>} : memref<2000x64xf32, #tpu.memory_space<vmem>>, vector<2000x64xf32>,
    return
  }
  func.func @transform_0(%arg0: i32) -> (i32, i32) {
    %c0_i32 = arith.constant 0 : i32
    %c0_i32_0 = arith.constant 0 : i32
    return %arg0, %c0_i32 : i32, i32
  }
  func.func @transform_1(%arg0: i32) -> (i32, i32) {
    %c0_i32 = arith.constant 0 : i32
    %c0_i32_0 = arith.constant 0 : i32
    return %arg0, %c0_i32 : i32, i32
  }
  func.func @transform_2(%arg0: i32) -> (i32, i32) {
    %c0_i32 = arith.constant 0 : i32
    %c0_i32_0 = arith.constant 0 : i32
    return %arg0, %c0_i32 : i32, i32
  }
  func.func @transform_3(%arg0: i32) -> (i32, i32) {
    %c0_i32 = arith.constant 0 : i32
    %c0_i32_0 = arith.constant 0 : i32
    return %arg0, %c0_i32 : i32, i32
  }
  func.func @transform_4(%arg0: i32) -> (i32, i32) {
    %c0_i32 = arith.constant 0 : i32
    %c0_i32_0 = arith.constant 0 : i32
    return %arg0, %c0_i32 : i32, i32
  }
  func.func @transform_5(%arg0: i32) -> (i32, i32) {
    %c0_i32 = arith.constant 0 : i32
    %c0_i32_0 = arith.constant 0 : i32
    %c0_i32_1 = arith.constant 0 : i32
    return %c0_i32, %c0_i32_0 : i32, i32
  }
  func.func @transform_6(%arg0: i32) -> (i32, i32) {
    %c0_i32 = arith.constant 0 : i32
    %c0_i32_0 = arith.constant 0 : i32
    %c0_i32_1 = arith.constant 0 : i32
    return %c0_i32, %c0_i32_0 : i32, i32
  }
  func.func @transform_7(%arg0: i32) -> (i32, i32) {
    %c0_i32 = arith.constant 0 : i32
    %c0_i32_0 = arith.constant 0 : i32
    %c0_i32_1 = arith.constant 0 : i32
    return %c0_i32, %c0_i32_0 : i32, i32
  }
  func.func @transform_8(%arg0: i32) -> (i32, i32) {
    %c0_i32 = arith.constant 0 : i32
    %c0_i32_0 = arith.constant 0 : i32
    %c0_i32_1 = arith.constant 0 : i32
    return %c0_i32, %c0_i32_0 : i32, i32
  }
  func.func @transform_9(%arg0: i32) -> (i32, i32) {
    %c0_i32 = arith.constant 0 : i32
    %c0_i32_0 = arith.constant 0 : i32
    %c0_i32_1 = arith.constant 0 : i32
    return %c0_i32, %c0_i32_0 : i32, i32
  }
  func.func @transform_10(%arg0: i32) -> (i32, i32) {
    %c0_i32 = arith.constant 0 : i32
    %c0_i32_0 = arith.constant 0 : i32
    return %arg0, %c0_i32 : i32, i32
  }
}

module attributes {stable_mosaic.version = 14 : i64} {
  func.func @body(%arg0: i32, %arg1: memref<2x3200x128xf32, #tpu.memory_space<vmem>>, %arg2: memref<16x3200xf32, #tpu.memory_space<vmem>>, %arg3: memref<16x256xf32, #tpu.memory_space<vmem>>, %arg4: memref<256x128xf32, #tpu.memory_space<vmem>>, %arg5: memref<256x128xf32, #tpu.memory_space<vmem>>, %arg6: memref<1x128xf32, #tpu.memory_space<vmem>>, %arg7: memref<1x128xf32, #tpu.memory_space<vmem>>, %arg8: memref<2x3200x128xf32, #tpu.memory_space<vmem>>) attributes {dimension_semantics = [#tpu.dimension_semantics<arbitrary>], iteration_bounds = array<i64: 125>, scalar_prefetch = 0 : i64, scratch_operands = 0 : i64, tpu.core_type = #tpu.core_type<tc>, window_params = [{transform_indices = @transform_0, window_bounds = array<i64: 2, 3200, 128>}, {transform_indices = @transform_1, window_bounds = array<i64: 16, 3200>}, {pipeline_mode = #tpu.pipeline_mode<synchronous>, transform_indices = @transform_2, window_bounds = array<i64: 16, 256>}, {pipeline_mode = #tpu.pipeline_mode<synchronous>, transform_indices = @transform_3, window_bounds = array<i64: 256, 128>}, {pipeline_mode = #tpu.pipeline_mode<synchronous>, transform_indices = @transform_4, window_bounds = array<i64: 256, 128>}, {pipeline_mode = #tpu.pipeline_mode<synchronous>, transform_indices = @transform_5, window_bounds = array<i64: 1, 128>}, {pipeline_mode = #tpu.pipeline_mode<synchronous>, transform_indices = @transform_6, window_bounds = array<i64: 1, 128>}, {transform_indices = @transform_7, window_bounds = array<i64: 2, 3200, 128>}]} {
    %get3A = arith.constant 0 : index
    %get3A_0 = arith.constant 0 : index
    %get3A_1 = arith.constant 0 : index
    %get3A_2 = vector.load %arg1[%get3A, %get3A_0, %get3A_1] : memref<2x3200x128xf32, #tpu.memory_space<vmem>>, vector<1x3200x128xf32>
    %get3A_3 = vector.shape_cast %get3A_2 : vector<1x3200x128xf32> to vector<3200x128xf32>
    %get3A_4 = arith.constant 1 : index
    %get3A_5 = arith.constant 0 : index
    %get3A_6 = arith.constant 0 : index
    %get3A_7 = vector.load %arg1[%get3A_4, %get3A_5, %get3A_6] : memref<2x3200x128xf32, #tpu.memory_space<vmem>>, vector<1x3200x128xf32>
    %get3A_8 = vector.shape_cast %get3A_7 : vector<1x3200x128xf32> to vector<3200x128xf32>
    %concatenate3A = tpu.concatenate %get3A_3, %get3A_8 in 1 : vector<3200x128xf32>, vector<3200x128xf32> -> vector<3200x256xf32>
    %get3A_9 = arith.constant 0 : index
    %get3A_10 = arith.constant 0 : index
    %get3A_11 = vector.load %arg2[%get3A_9, %get3A_10] : memref<16x3200xf32, #tpu.memory_space<vmem>>, vector<16x3200xf32>
    %get3A_12 = arith.constant 0 : index
    %get3A_13 = arith.constant 0 : index
    %get3A_14 = vector.load %arg3[%get3A_12, %get3A_13] : memref<16x256xf32, #tpu.memory_space<vmem>>, vector<16x256xf32>
    %dot_general3A = arith.constant dense<0.000000e+00> : vector<3200x256xf32>
    %dot_general3A_15 = tpu.matmul %get3A_11, %get3A_14, %dot_general3A {dimension_numbers = #tpu.dot_dimension_numbers<[0], [0], [1], [1], [0, 1, 1, 1], [], []>, transpose_lhs_hint = false} : vector<16x3200xf32>, vector<16x256xf32>, vector<3200x256xf32> -> vector<3200x256xf32>
    %add3A = arith.addf %concatenate3A, %dot_general3A_15 : vector<3200x256xf32>
    %max3A = arith.constant 0.000000e+00 : f32
    %max3A_16 = vector.broadcast %max3A : f32 to vector<3200x256xf32>
    %max3A_17 = arith.maximumf %add3A, %max3A_16 : vector<3200x256xf32>
    %get3A_18 = arith.constant 0 : index
    %get3A_19 = arith.constant 0 : index
    %get3A_20 = vector.load %arg4[%get3A_18, %get3A_19] : memref<256x128xf32, #tpu.memory_space<vmem>>, vector<256x128xf32>
    %dot_general3A_21 = arith.constant dense<0.000000e+00> : vector<3200x128xf32>
    %dot_general3A_22 = tpu.matmul %max3A_17, %get3A_20, %dot_general3A_21 {dimension_numbers = #tpu.dot_dimension_numbers<[1], [0], [0], [1], [0, 0, 1, 1], [], []>, transpose_lhs_hint = false} : vector<3200x256xf32>, vector<256x128xf32>, vector<3200x128xf32> -> vector<3200x128xf32>
    %get3A_23 = arith.constant 0 : index
    %get3A_24 = arith.constant 0 : index
    %get3A_25 = vector.load %arg6[%get3A_23, %get3A_24] : memref<1x128xf32, #tpu.memory_space<vmem>>, vector<1x128xf32>
    %add3A_26 = vector.broadcast %get3A_25 : vector<1x128xf32> to vector<3200x128xf32>
    %add3A_27 = arith.addf %dot_general3A_22, %add3A_26 : vector<3200x128xf32>
    %max3A_28 = arith.constant 0.000000e+00 : f32
    %max3A_29 = vector.broadcast %max3A_28 : f32 to vector<3200x128xf32>
    %max3A_30 = arith.maximumf %add3A_27, %max3A_29 : vector<3200x128xf32>
    %swap3A = arith.constant 0 : index
    %swap3A_31 = arith.constant 0 : index
    %swap3A_32 = arith.constant 0 : index
    %swap3A_33 = vector.load %arg8[%swap3A, %swap3A_31, %swap3A_32] : memref<2x3200x128xf32, #tpu.memory_space<vmem>>, vector<1x3200x128xf32>
    %swap3A_34 = vector.shape_cast %swap3A_33 : vector<1x3200x128xf32> to vector<3200x128xf32>
    %swap3A_35 = vector.shape_cast %max3A_30 : vector<3200x128xf32> to vector<1x3200x128xf32>
    tpu.vector_store %arg8[%swap3A, %swap3A_31, %swap3A_32], %swap3A_35 {strides = array<i32>} : memref<2x3200x128xf32, #tpu.memory_space<vmem>>, vector<1x3200x128xf32>,
    %get3A_36 = arith.constant 0 : index
    %get3A_37 = arith.constant 0 : index
    %get3A_38 = vector.load %arg5[%get3A_36, %get3A_37] : memref<256x128xf32, #tpu.memory_space<vmem>>, vector<256x128xf32>
    %dot_general3A_39 = arith.constant dense<0.000000e+00> : vector<3200x128xf32>
    %dot_general3A_40 = tpu.matmul %max3A_17, %get3A_38, %dot_general3A_39 {dimension_numbers = #tpu.dot_dimension_numbers<[1], [0], [0], [1], [0, 0, 1, 1], [], []>, transpose_lhs_hint = false} : vector<3200x256xf32>, vector<256x128xf32>, vector<3200x128xf32> -> vector<3200x128xf32>
    %get3A_41 = arith.constant 0 : index
    %get3A_42 = arith.constant 0 : index
    %get3A_43 = vector.load %arg7[%get3A_41, %get3A_42] : memref<1x128xf32, #tpu.memory_space<vmem>>, vector<1x128xf32>
    %add3A_44 = vector.broadcast %get3A_43 : vector<1x128xf32> to vector<3200x128xf32>
    %add3A_45 = arith.addf %dot_general3A_40, %add3A_44 : vector<3200x128xf32>
    %max3A_46 = arith.constant 0.000000e+00 : f32
    %max3A_47 = vector.broadcast %max3A_46 : f32 to vector<3200x128xf32>
    %max3A_48 = arith.maximumf %add3A_45, %max3A_47 : vector<3200x128xf32>
    %swap3A_49 = arith.constant 1 : index
    %swap3A_50 = arith.constant 0 : index
    %swap3A_51 = arith.constant 0 : index
    %swap3A_52 = vector.load %arg8[%swap3A_49, %swap3A_50, %swap3A_51] : memref<2x3200x128xf32, #tpu.memory_space<vmem>>, vector<1x3200x128xf32>
    %swap3A_53 = vector.shape_cast %swap3A_52 : vector<1x3200x128xf32> to vector<3200x128xf32>
    %swap3A_54 = vector.shape_cast %max3A_48 : vector<3200x128xf32> to vector<1x3200x128xf32>
    tpu.vector_store %arg8[%swap3A_49, %swap3A_50, %swap3A_51], %swap3A_54 {strides = array<i32>} : memref<2x3200x128xf32, #tpu.memory_space<vmem>>, vector<1x3200x128xf32>,
    return
  }
  func.func @transform_0(%arg0: i32) -> (i32, i32, i32) {
    %c0_i32 = arith.constant 0 : i32
    %c0_i32_0 = arith.constant 0 : i32
    %c0_i32_1 = arith.constant 0 : i32
    return %c0_i32, %arg0, %c0_i32_0 : i32, i32, i32
  }
  func.func @transform_1(%arg0: i32) -> (i32, i32) {
    %c0_i32 = arith.constant 0 : i32
    %c0_i32_0 = arith.constant 0 : i32
    return %c0_i32, %arg0 : i32, i32
  }
  func.func @transform_2(%arg0: i32) -> (i32, i32) {
    %c0_i32 = arith.constant 0 : i32
    %c0_i32_0 = arith.constant 0 : i32
    %c0_i32_1 = arith.constant 0 : i32
    return %c0_i32, %c0_i32_0 : i32, i32
  }
  func.func @transform_3(%arg0: i32) -> (i32, i32) {
    %c0_i32 = arith.constant 0 : i32
    %c0_i32_0 = arith.constant 0 : i32
    %c0_i32_1 = arith.constant 0 : i32
    return %c0_i32, %c0_i32_0 : i32, i32
  }
  func.func @transform_4(%arg0: i32) -> (i32, i32) {
    %c0_i32 = arith.constant 0 : i32
    %c0_i32_0 = arith.constant 0 : i32
    %c0_i32_1 = arith.constant 0 : i32
    return %c0_i32, %c0_i32_0 : i32, i32
  }
  func.func @transform_5(%arg0: i32) -> (i32, i32) {
    %c0_i32 = arith.constant 0 : i32
    %c0_i32_0 = arith.constant 0 : i32
    %c0_i32_1 = arith.constant 0 : i32
    return %c0_i32, %c0_i32_0 : i32, i32
  }
  func.func @transform_6(%arg0: i32) -> (i32, i32) {
    %c0_i32 = arith.constant 0 : i32
    %c0_i32_0 = arith.constant 0 : i32
    %c0_i32_1 = arith.constant 0 : i32
    return %c0_i32, %c0_i32_0 : i32, i32
  }
  func.func @transform_7(%arg0: i32) -> (i32, i32, i32) {
    %c0_i32 = arith.constant 0 : i32
    %c0_i32_0 = arith.constant 0 : i32
    %c0_i32_1 = arith.constant 0 : i32
    return %c0_i32, %arg0, %c0_i32_0 : i32, i32, i32
  }
}

module attributes {stable_mosaic.version = 14 : i64} {
  func.func @body(%arg0: i32, %arg1: memref<2000x32xf32, #tpu.memory_space<vmem>>, %arg2: memref<2000x32xf32, #tpu.memory_space<vmem>>, %arg3: memref<2000x1xf32, #tpu.memory_space<vmem>>, %arg4: memref<2000x32xf32, #tpu.memory_space<vmem>>, %arg5: memref<2000x8xf32, #tpu.memory_space<vmem>>, %arg6: memref<32x16xf32, #tpu.memory_space<vmem>>, %arg7: memref<32x16xf32, #tpu.memory_space<vmem>>, %arg8: memref<32x16xf32, #tpu.memory_space<vmem>>, %arg9: memref<8x16xf32, #tpu.memory_space<vmem>>, %arg10: memref<1x16xf32, #tpu.memory_space<vmem>>, %arg11: memref<16x1xf32, #tpu.memory_space<vmem>>, %arg12: memref<1x1xf32, #tpu.memory_space<vmem>>, %arg13: memref<2000x1xf32, #tpu.memory_space<vmem>>) attributes {dimension_semantics = [#tpu.dimension_semantics<arbitrary>], iteration_bounds = array<i64: 25>, scalar_prefetch = 0 : i64, scratch_operands = 0 : i64, tpu.core_type = #tpu.core_type<tc>, window_params = [{transform_indices = @transform_0, window_bounds = array<i64: 2000, 32>}, {transform_indices = @transform_1, window_bounds = array<i64: 2000, 32>}, {transform_indices = @transform_2, window_bounds = array<i64: 2000, 1>}, {transform_indices = @transform_3, window_bounds = array<i64: 2000, 32>}, {transform_indices = @transform_4, window_bounds = array<i64: 2000, 8>}, {pipeline_mode = #tpu.pipeline_mode<synchronous>, transform_indices = @transform_5, window_bounds = array<i64: 32, 16>}, {pipeline_mode = #tpu.pipeline_mode<synchronous>, transform_indices = @transform_6, window_bounds = array<i64: 32, 16>}, {pipeline_mode = #tpu.pipeline_mode<synchronous>, transform_indices = @transform_7, window_bounds = array<i64: 32, 16>}, {pipeline_mode = #tpu.pipeline_mode<synchronous>, transform_indices = @transform_8, window_bounds = array<i64: 8, 16>}, {pipeline_mode = #tpu.pipeline_mode<synchronous>, transform_indices = @transform_9, window_bounds = array<i64: 1, 16>}, {pipeline_mode = #tpu.pipeline_mode<synchronous>, transform_indices = @transform_10, window_bounds = array<i64: 16, 1>}, {pipeline_mode = #tpu.pipeline_mode<synchronous>, transform_indices = @transform_11, window_bounds = array<i64: 1, 1>}, {transform_indices = @transform_12, window_bounds = array<i64: 2000, 1>}]} {
    %get3A = arith.constant 0 : index
    %get3A_0 = arith.constant 0 : index
    %get3A_1 = vector.load %arg3[%get3A, %get3A_0] : memref<2000x1xf32, #tpu.memory_space<vmem>>, vector<2000x1xf32>
    %max3A = arith.constant 1.000000e+00 : f32
    %max3A_2 = vector.broadcast %max3A : f32 to vector<2000x1xf32>
    %max3A_3 = arith.maximumf %get3A_1, %max3A_2 : vector<2000x1xf32>
    %div3A = arith.constant 1.000000e+00 : f32
    %div3A_4 = vector.broadcast %div3A : f32 to vector<2000x1xf32>
    %div3A_5 = arith.divf %div3A_4, %max3A_3 : vector<2000x1xf32>
    %get3A_6 = arith.constant 0 : index
    %get3A_7 = arith.constant 0 : index
    %get3A_8 = vector.load %arg1[%get3A_6, %get3A_7] : memref<2000x32xf32, #tpu.memory_space<vmem>>, vector<2000x32xf32>
    %mul3A = vector.broadcast %div3A_5 : vector<2000x1xf32> to vector<2000x32xf32>
    %mul3A_9 = arith.mulf %get3A_8, %mul3A : vector<2000x32xf32>
    %get3A_10 = arith.constant 0 : index
    %get3A_11 = arith.constant 0 : index
    %get3A_12 = vector.load %arg2[%get3A_10, %get3A_11] : memref<2000x32xf32, #tpu.memory_space<vmem>>, vector<2000x32xf32>
    %mul3A_13 = vector.broadcast %div3A_5 : vector<2000x1xf32> to vector<2000x32xf32>
    %mul3A_14 = arith.mulf %get3A_12, %mul3A_13 : vector<2000x32xf32>
    %get3A_15 = arith.constant 0 : index
    %get3A_16 = arith.constant 0 : index
    %get3A_17 = vector.load %arg6[%get3A_15, %get3A_16] : memref<32x16xf32, #tpu.memory_space<vmem>>, vector<32x16xf32>
    %dot_general3A = arith.constant dense<0.000000e+00> : vector<2000x16xf32>
    %dot_general3A_18 = tpu.matmul %mul3A_9, %get3A_17, %dot_general3A {dimension_numbers = #tpu.dot_dimension_numbers<[1], [0], [0], [1], [0, 0, 1, 1], [], []>, transpose_lhs_hint = false} : vector<2000x32xf32>, vector<32x16xf32>, vector<2000x16xf32> -> vector<2000x16xf32>
    %get3A_19 = arith.constant 0 : index
    %get3A_20 = arith.constant 0 : index
    %get3A_21 = vector.load %arg7[%get3A_19, %get3A_20] : memref<32x16xf32, #tpu.memory_space<vmem>>, vector<32x16xf32>
    %dot_general3A_22 = arith.constant dense<0.000000e+00> : vector<2000x16xf32>
    %dot_general3A_23 = tpu.matmul %mul3A_14, %get3A_21, %dot_general3A_22 {dimension_numbers = #tpu.dot_dimension_numbers<[1], [0], [0], [1], [0, 0, 1, 1], [], []>, transpose_lhs_hint = false} : vector<2000x32xf32>, vector<32x16xf32>, vector<2000x16xf32> -> vector<2000x16xf32>
    %add3A = arith.addf %dot_general3A_18, %dot_general3A_23 : vector<2000x16xf32>
    %get3A_24 = arith.constant 0 : index
    %get3A_25 = arith.constant 0 : index
    %get3A_26 = vector.load %arg4[%get3A_24, %get3A_25] : memref<2000x32xf32, #tpu.memory_space<vmem>>, vector<2000x32xf32>
    %get3A_27 = arith.constant 0 : index
    %get3A_28 = arith.constant 0 : index
    %get3A_29 = vector.load %arg8[%get3A_27, %get3A_28] : memref<32x16xf32, #tpu.memory_space<vmem>>, vector<32x16xf32>
    %dot_general3A_30 = arith.constant dense<0.000000e+00> : vector<2000x16xf32>
    %dot_general3A_31 = tpu.matmul %get3A_26, %get3A_29, %dot_general3A_30 {dimension_numbers = #tpu.dot_dimension_numbers<[1], [0], [0], [1], [0, 0, 1, 1], [], []>, transpose_lhs_hint = false} : vector<2000x32xf32>, vector<32x16xf32>, vector<2000x16xf32> -> vector<2000x16xf32>
    %add3A_32 = arith.addf %add3A, %dot_general3A_31 : vector<2000x16xf32>
    %get3A_33 = arith.constant 0 : index
    %get3A_34 = arith.constant 0 : index
    %get3A_35 = vector.load %arg5[%get3A_33, %get3A_34] : memref<2000x8xf32, #tpu.memory_space<vmem>>, vector<2000x8xf32>
    %get3A_36 = arith.constant 0 : index
    %get3A_37 = arith.constant 0 : index
    %get3A_38 = vector.load %arg9[%get3A_36, %get3A_37] : memref<8x16xf32, #tpu.memory_space<vmem>>, vector<8x16xf32>
    %dot_general3A_39 = arith.constant dense<0.000000e+00> : vector<2000x16xf32>
    %dot_general3A_40 = tpu.matmul %get3A_35, %get3A_38, %dot_general3A_39 {dimension_numbers = #tpu.dot_dimension_numbers<[1], [0], [0], [1], [0, 0, 1, 1], [], []>, transpose_lhs_hint = false} : vector<2000x8xf32>, vector<8x16xf32>, vector<2000x16xf32> -> vector<2000x16xf32>
    %add3A_41 = arith.addf %add3A_32, %dot_general3A_40 : vector<2000x16xf32>
    %get3A_42 = arith.constant 0 : index
    %get3A_43 = arith.constant 0 : index
    %get3A_44 = vector.load %arg10[%get3A_42, %get3A_43] : memref<1x16xf32, #tpu.memory_space<vmem>>, vector<1x16xf32>
    %add3A_45 = vector.broadcast %get3A_44 : vector<1x16xf32> to vector<2000x16xf32>
    %add3A_46 = arith.addf %add3A_41, %add3A_45 : vector<2000x16xf32>
    %max3A_47 = arith.constant 0.000000e+00 : f32
    %max3A_48 = vector.broadcast %max3A_47 : f32 to vector<2000x16xf32>
    %max3A_49 = arith.maximumf %add3A_46, %max3A_48 : vector<2000x16xf32>
    %get3A_50 = arith.constant 0 : index
    %get3A_51 = arith.constant 0 : index
    %get3A_52 = vector.load %arg11[%get3A_50, %get3A_51] : memref<16x1xf32, #tpu.memory_space<vmem>>, vector<16x1xf32>
    %dot_general3A_53 = arith.constant dense<0.000000e+00> : vector<2000x1xf32>
    %dot_general3A_54 = tpu.matmul %max3A_49, %get3A_52, %dot_general3A_53 {dimension_numbers = #tpu.dot_dimension_numbers<[1], [0], [0], [1], [0, 0, 1, 1], [], []>, transpose_lhs_hint = false} : vector<2000x16xf32>, vector<16x1xf32>, vector<2000x1xf32> -> vector<2000x1xf32>
    %get3A_55 = arith.constant 0 : index
    %get3A_56 = arith.constant 0 : index
    %get3A_57 = vector.load %arg12[%get3A_55, %get3A_56] : memref<1x1xf32, #tpu.memory_space<vmem>>, vector<1x1xf32>
    %add3A_58 = vector.broadcast %get3A_57 : vector<1x1xf32> to vector<2000x1xf32>
    %add3A_59 = arith.addf %dot_general3A_54, %add3A_58 : vector<2000x1xf32>
    %swap3A = arith.constant 0 : index
    %swap3A_60 = arith.constant 0 : index
    %swap3A_61 = vector.load %arg13[%swap3A, %swap3A_60] : memref<2000x1xf32, #tpu.memory_space<vmem>>, vector<2000x1xf32>
    tpu.vector_store %arg13[%swap3A, %swap3A_60], %add3A_59 {strides = array<i32>} : memref<2000x1xf32, #tpu.memory_space<vmem>>, vector<2000x1xf32>,
    return
  }
  func.func @transform_0(%arg0: i32) -> (i32, i32) {
    %c0_i32 = arith.constant 0 : i32
    %c0_i32_0 = arith.constant 0 : i32
    return %arg0, %c0_i32 : i32, i32
  }
  func.func @transform_1(%arg0: i32) -> (i32, i32) {
    %c0_i32 = arith.constant 0 : i32
    %c0_i32_0 = arith.constant 0 : i32
    return %arg0, %c0_i32 : i32, i32
  }
  func.func @transform_2(%arg0: i32) -> (i32, i32) {
    %c0_i32 = arith.constant 0 : i32
    %c0_i32_0 = arith.constant 0 : i32
    return %arg0, %c0_i32 : i32, i32
  }
  func.func @transform_3(%arg0: i32) -> (i32, i32) {
    %c0_i32 = arith.constant 0 : i32
    %c0_i32_0 = arith.constant 0 : i32
    return %arg0, %c0_i32 : i32, i32
  }
  func.func @transform_4(%arg0: i32) -> (i32, i32) {
    %c0_i32 = arith.constant 0 : i32
    %c0_i32_0 = arith.constant 0 : i32
    return %arg0, %c0_i32 : i32, i32
  }
  func.func @transform_5(%arg0: i32) -> (i32, i32) {
    %c0_i32 = arith.constant 0 : i32
    %c0_i32_0 = arith.constant 0 : i32
    %c0_i32_1 = arith.constant 0 : i32
    return %c0_i32, %c0_i32_0 : i32, i32
  }
  func.func @transform_6(%arg0: i32) -> (i32, i32) {
    %c0_i32 = arith.constant 0 : i32
    %c0_i32_0 = arith.constant 0 : i32
    %c0_i32_1 = arith.constant 0 : i32
    return %c0_i32, %c0_i32_0 : i32, i32
  }
  func.func @transform_7(%arg0: i32) -> (i32, i32) {
    %c0_i32 = arith.constant 0 : i32
    %c0_i32_0 = arith.constant 0 : i32
    %c0_i32_1 = arith.constant 0 : i32
    return %c0_i32, %c0_i32_0 : i32, i32
  }
  func.func @transform_8(%arg0: i32) -> (i32, i32) {
    %c0_i32 = arith.constant 0 : i32
    %c0_i32_0 = arith.constant 0 : i32
    %c0_i32_1 = arith.constant 0 : i32
    return %c0_i32, %c0_i32_0 : i32, i32
  }
  func.func @transform_9(%arg0: i32) -> (i32, i32) {
    %c0_i32 = arith.constant 0 : i32
    %c0_i32_0 = arith.constant 0 : i32
    %c0_i32_1 = arith.constant 0 : i32
    return %c0_i32, %c0_i32_0 : i32, i32
  }
  func.func @transform_10(%arg0: i32) -> (i32, i32) {
    %c0_i32 = arith.constant 0 : i32
    %c0_i32_0 = arith.constant 0 : i32
    %c0_i32_1 = arith.constant 0 : i32
    return %c0_i32, %c0_i32_0 : i32, i32
  }
  func.func @transform_11(%arg0: i32) -> (i32, i32) {
    %c0_i32 = arith.constant 0 : i32
    %c0_i32_0 = arith.constant 0 : i32
    %c0_i32_1 = arith.constant 0 : i32
    return %c0_i32, %c0_i32_0 : i32, i32
  }
  func.func @transform_12(%arg0: i32) -> (i32, i32) {
    %c0_i32 = arith.constant 0 : i32
    %c0_i32_0 = arith.constant 0 : i32
    return %arg0, %c0_i32 : i32, i32
  }
}

</mosaic_0001>

<sc_bundles>
// kernel: kernel.12.cloned.1.call-start
scs
__scs_entry_jumppad:
0x0: {  	(pc) =	sbr.rel $0x88, $3  }
0x1: {  	(tag) =	ssettag $0x0;
	lr =	simm.s32 $0x1  }
0x2: {  	[smem:$0x3F8D] =	sst lr;
	_ =	strace $0xD0000000  }
0x3: {  	_ = 	snop  }
0x4: {  	_ = 	snop  }
0x5: {  	_ = 	snop  }
0x6: {  	_ = 	snop  }
0x7: {  	_ = 	snop  }
__scs_overlays_trampoline_lowered:
0x8: {  	[smem:$0x3F9C] =	sst s0  }
0x9: {  	[smem:$0x3F9D] =	sst s1  }
0xa: {  	[smem:$0x3F9E] =	sst s2  }
0xb: {  	[smem:$0x3F9F] =	sst s3  }
0xc: {  	[smem:$0x3FA0] =	sst s4  }
0xd: {  	[smem:$0x3FA1] =	sst s5  }
0xe: {  	[smem:$0x3FA2] =	sst s6  }
0xf: {  	[smem:$0x3FA3] =	sst s7  }
0x10: {  	[smem:$0x3FA4] =	sst s8  }
0x11: {  	[smem:$0x3FA5] =	sst s9;
	s0 =	simm.s32 @!p0 $0x0  }
0x12: {  	s1 =	sld [smem:$0x3F8B];
	s0 =	simm.s32 @p0 $0x1  }
0x13: {  	[smem:$0x3FA6] =	sst s0;
	s0 =	simm.s32 @!p1 $0x0  }
0x14: {  	s2 =	sld [smem:$0x3F8A];
	s0 =	simm.s32 @p1 $0x1  }
0x15: {  	[smem:$0x3FA7] =	sst s0;
	s0 =	simm.s32 @!p2 $0x0  }
0x16: {  	s3 =	sld [smem:$0x3FDB];
	s0 =	simm.s32 @p2 $0x1  }
0x17: {  	s4 =	simm.s32 $0x1BF5;
	[smem:$0x3FA9] =	sst s0  }
0x18: {  	s0 =	sld [smem:$0x3F8C];
	_ =	swait.ge [sflag:s4], $0x0  }
0x19: {  	s7 =	sld [smem:$0x3F8D]  }
0x1a: {  	s8 =	sadd.s32 $0xFFFFE003, lr  }
0x1b: {  	s9 =	sadd.s32 $0xFFFFFEF7, lr;
	s5 =	simm.s32 $0xFFFFFFFF;
	p2 =	slt.u32 s8, $0xFFFFF086  }
0x1c: {  	p1 =	slt.u32 s9, $0xF7A;
	s5 =	simm.s32 @!p2 $0x0  }
0x1d: {  	s5 =	simm.s32 @p1 $0x1;
	p0 =	seq.s32 s7, s2  }
0x1e: {  	s7 =	smul.u32 @!p0 $0xF7A, s2;
	p2 =	seq.s32 @!p0 s5, $0x0  }
0x1f: {  	s9 =	smul.u32 $0xF7A, s1;
	s8 =	simm.s32 @!p0 $0x1BF5;
	p2 =	por !p2, p0  }
0x20: {  	[sflag:s8] =	ssyncset.s32 @!p0 $0xFFFFF086;
	s6 =	sadd.s32 @!p0 s3, s7;
	s7 =	simm.s32 @!p0 $0x108  }
0x21: {  	s3 =	sadd.s32 s3, s9;
	s6 =	sadd.s32 @!p0 $0x88, s6;
	s7 =	simm.s32 @p2 $0x1082  }
0x22: {  	[simem:s7], [sflag:s8] =	dma.local @!p0 [hbm:s6], $0xF7A  }
0x23: {  	s9 =	sor.u32 $0xD0000000, s2;
	s6 =	simm.s32 $0x108;
	_ =	swait.ge @!p0 [sflag:s8], $0x0  }
0x24: {  	s3 =	sadd.s32 $0x88, s3;
	s6 =	simm.s32 @!p1 $0x1082;
	[sflag:s4] =	ssyncset.s32 $0xFFFFF086  }
0x25: {  	[simem:s6], [sflag:s4] =	dma.local [hbm:s3], $0xF7A  }
0x26: {  	[smem:$0x3F8D] =	sst s1;
	(tag) =	ssettag s2;
	_ =	strace s9  }
0x27: {  	s1 =	sld [smem:$0x3F9D]  }
0x28: {  	s2 =	sld [smem:$0x3F9E]  }
0x29: {  	s4 =	sld [smem:$0x3FA0]  }
0x2a: {  	p0 =	seq.s32 s5, $0x0;
	s5 =	sld [smem:$0x3FA1]  }
0x2b: {  	s6 =	sld [smem:$0x3FA2]  }
0x2c: {  	s7 =	sld [smem:$0x3FA3]  }
0x2d: {  	s3 =	simm.s32 $0x108;
	s8 =	sld [smem:$0x3FA4]  }
0x2e: {  	s3 =	simm.s32 @!p0 $0x1082;
	s9 =	sld [smem:$0x3FA5]  }
0x2f: {  	lr =	sadd.s32 s0, s3;
	s0 =	sld [smem:$0x3F9C]  }
0x30: {  	s3 =	sld [smem:$0x3F9F]  }
0x31: {  	[smem:$0x3FA8] =	sst s10  }
0x32: {  	s10 =	sld [smem:$0x3FA6];
	_ =	sdelay $0x3  }
0x33: {  	p0 =	seq.s32 s10, $0x1;
	s10 =	sld [smem:$0x3FA8];
	_ =	sdelay $0x3  }
0x34: {  	[smem:$0x3FA8] =	sst s10  }
0x35: {  	s10 =	sld [smem:$0x3FA7];
	_ =	sdelay $0x3  }
0x36: {  	p1 =	seq.s32 s10, $0x1;
	s10 =	sld [smem:$0x3FA8];
	_ =	sdelay $0x3  }
0x37: {  	[smem:$0x3FA8] =	sst s10  }
0x38: {  	s10 =	sld [smem:$0x3FA9]  }
0x39: {  	_ = 	snop;
	(pc) =	sbr.ind lr, $3  }
0x3a: {  	_ = 	snop  }
0x3b: {  	_ = 	snop  }
0x3c: {  	p2 =	seq.s32 s10, $0x1;
	s10 =	sld [smem:$0x3FA8]  }
0x3d: {  	_ =	shalt  }
0x3e: {  	_ =	shalt  }
0x3f: {  	_ =	shalt  }
0x40: {  	_ =	shalt  }
0x41: {  	_ =	shalt  }
0x42: {  	_ =	shalt  }
0x43: {  	_ =	shalt  }
0x44: {  	_ =	shalt  }
0x45: {  	_ =	shalt  }
0x46: {  	_ =	shalt  }
0x47: {  	_ =	shalt  }
0x48: {  	_ =	shalt  }
0x49: {  	_ =	shalt  }
0x4a: {  	_ =	shalt  }
0x4b: {  	_ =	shalt  }
0x4c: {  	_ =	shalt  }
0x4d: {  	_ =	shalt  }
0x4e: {  	_ =	shalt  }
0x4f: {  	_ =	shalt  }
0x50: {  	_ =	shalt  }
0x51: {  	_ =	shalt  }
0x52: {  	_ =	shalt  }
0x53: {  	_ =	shalt  }
0x54: {  	_ =	shalt  }
0x55: {  	_ =	shalt  }
0x56: {  	_ =	shalt  }
0x57: {  	_ =	shalt  }
0x58: {  	_ =	shalt  }
0x59: {  	_ =	shalt  }
0x5a: {  	_ =	shalt  }
0x5b: {  	_ =	shalt  }
0x5c: {  	_ =	shalt  }
0x5d: {  	_ =	shalt  }
0x5e: {  	_ =	shalt  }
0x5f: {  	_ =	shalt  }
0x60: {  	_ =	shalt  }
0x61: {  	_ =	shalt  }
0x62: {  	_ =	shalt  }
0x63: {  	_ =	shalt  }
0x64: {  	_ =	shalt  }
0x65: {  	_ =	shalt  }
0x66: {  	_ =	shalt  }
0x67: {  	_ =	shalt  }
0x68: {  	_ =	shalt  }
0x69: {  	_ =	shalt  }
0x6a: {  	_ =	shalt  }
0x6b: {  	_ =	shalt  }
0x6c: {  	_ =	shalt  }
0x6d: {  	_ =	shalt  }
0x6e: {  	_ =	shalt  }
0x6f: {  	_ =	shalt  }
0x70: {  	_ =	shalt  }
0x71: {  	_ =	shalt  }
0x72: {  	_ =	shalt  }
0x73: {  	_ =	shalt  }
0x74: {  	_ =	shalt  }
0x75: {  	_ =	shalt  }
0x76: {  	_ =	shalt  }
0x77: {  	_ =	shalt  }
0x78: {  	_ =	shalt  }
0x79: {  	_ =	shalt  }
0x7a: {  	_ =	shalt  }
0x7b: {  	_ =	shalt  }
0x7c: {  	_ =	shalt  }
0x7d: {  	_ =	shalt  }
0x7e: {  	_ =	shalt  }
0x7f: {  	_ =	shalt  }
0x80: {  	_ =	shalt  }
0x81: {  	_ =	shalt  }
0x82: {  	_ =	shalt  }
0x83: {  	_ =	shalt  }
0x84: {  	_ =	shalt  }
0x85: {  	_ =	shalt  }
0x86: {  	_ =	shalt  }
0x87: {  	_ =	shalt  }
.Lfunc_end0:
.L_simem_size_0:
called_computation_lowered:
.L_overlay_start_0:
0x88: {  	s2 =	sld [smem:$0x3FD9]  }
0x89: {  	s3 =	sld [smem:$0x3FFE];
	_ =	sdelay $0x1  }
0x8a: {  	s1 =	srdreg.scid  }
0x8b: {  	s0 =	sand.u32 $0x1, s1  }
0x8c: {  	s16 =	sshll.u32 s0, $0xA;
	s2 =	sadd.s32 s3, s2  }
0x8d: {  	s2 =	sadd.s32 s2, s16  }
0x8e: {  	[smem:$0x3FB4] =	sst s2  }
0x8f: {  	_ = 	snop  }
0x90: {  	(tm) =	ssettm $0x1  }
0x91: {  	s17 =	sld [smem:$0x3FFB];
	_ =	sdelay $0x3  }
0x92: {  	_ =	strace s17  }
0x93: {  	s2 =	sld [smem:$0x3FFC];
	_ =	sdelay $0x3  }
0x94: {  	_ =	strace s2  }
0x95: {  	s2 =	sld [smem:$0x3FFD];
	_ =	sdelay $0x3  }
0x96: {  	_ =	strace s2  }
0x97: {  	_ =	strace $0x8FFFFFFF  }
0x98: {  	s18 =	sld [smem:$0x3FDB];
	_ =	sdelay $0x1  }
0x99: {  	s19 =	simm.s32 $_scs_section_size  }
0x9a: {  	s4 =	simm.s32 $_size__tile_overlayer_lowered;
	s5 =	simm.s32 $_tile_overlayer_lowered  }
0x9b: {  	s22 =	simm.s32 $0x1BFF;
	s21 =	sshll.u32 s5, $0x1;
	s2 =	sadd.s32 s19, s18  }
0x9c: {  	s6 =	simm.s32 $0x0;
	s20 =	sshll.u32 s4, $0x1;
	s4 =	sadd.s32 s21, s2  }
0x9d: {  	[timem:s6], [sflag:s22] =	dma.local [hbm:s4], s20  }
0x9e: {  	_ =	swait.ge [sflag:s22], s20  }
0x9f: {  	s3 =	ssub.s32 $0x0, s20;
	[sflag:s22] =	ssyncset.done $0x0  }
0xa0: {  	[sflag:s22] =	ssyncadd.s32 s3;
	_ =	sdelay $0x1  }
0xa1: {  	s23 =	simm.s32 $0x1B8B  }
0xa2: {  	_ =	swait.ge [sflag:s23], $0x1  }
0xa3: {  	[sflag:s23] =	ssyncset.done $0x0  }
0xa4: {  	s25 =	simm.s32 $0x1B8E;
	s24 =	sld [smem:$0x3FFE];
	[sflag:s23] =	ssyncadd.s32 $0xFFFFFFFF  }
0xa5: {  	s26 =	simm.s32 $execute0_lowered;
	[smem:$0x3FD2] =	sst s25  }
0xa6: {  	s4 =	sshll.u32 s26, $0x1;
	_ =	strace $0x80000046;
	[dreg:$0x1] =	wrdreg $0xFFFFFFFF  }
0xa7: {  	s28 =	simm.s32 $_size_execute0_lowered;
	s2 =	sadd.s32 s2, s4;
	[dreg:$0x0] =	wrdreg $0x0  }
0xa8: {  	s4 =	sshll.u32 s28, $0x1;
	[dreg:$0x2] =	wrdreg s2  }
0xa9: {  	[dreg:$0x3] =	wrdreg s4  }
0xaa: {  	[dreg:$0x4] =	wrdreg $0xC0  }
0xab: {  	_ =	task [dreg:s6], $0x5FFFF  }
0xac: {  	[dreg:$0x1] =	wrdreg $0xFFFFFFFF  }
0xad: {  	[dreg:$0x0] =	wrdreg $0x60  }
0xae: {  	[dreg:$0x2] =	wrdreg s24  }
0xaf: {  	[dreg:$0x3] =	wrdreg $0xA  }
0xb0: {  	_ =	task.clear_ibuf [dreg:s6], $0x4FFFF;
	_ =	strace $0x90000046  }
0xb1: {  	s29 =	simm.s32 $0xA;
	_ =	strace $0x80000048  }
0xb2: {  	_ =	swait.ge [sflag:s29], $0x1  }
0xb3: {  	[sflag:s29] =	ssyncadd.s32 $0xFFFFFFFF  }
0xb4: {  	_ =	strace $0x90000048  }
0xb5: {  	_ =	sfence  }
0xb6: {  	s30 =	sld [smem:$0x0];
	_ =	sdelay $0x2  }
0xb7: {  	s31 =	sshll.u32 s1, $0xD;
	s1 =	sshrl.u32 s1, $0x2  }
0xb8: {  	s3 =	sand.u32 $0x4000, s31;
	s1 =	sadd.s32 s1, s30  }
0xb9: {  	s0 =	sor.u32 s3, s0;
	s1 =	sshll.u32 s1, $0x11  }
0xba: {  	s0 =	sor.u32 s1, s0  }
0xbb: {  	s0 =	sadd.s32 $0x8F2B, s0  }
0xbc: {  	[sflag:s0] =	ssyncadd.remote.s32 $0x1  }
0xbd: {  	_ =	sfence.sel $0xFFFF  }
0xbe: {  	[dreg:$0x0] =	wrdreg $0xFFFFFFFF;
	(pc) =	sbr.abs _section_cstart, $3  }
0xbf: {  	[dreg:$0x1] =	wrdreg $0xFFFFFFFF  }
0xc0: {  	_ =	task.clear_ibuf [dreg:s6], $0x2FFFF;
	_ =	strace $0x9FFFFFFF  }
0xc1: {  	(tm) =	ssettm $0x7FFFFFFF  }
tec
execute0_lowered:
.L_overlay_start_1:
0x0: {  	(tag) =	ssettag $0x1  }
0x1: {  	s5 =	rddreg [dreg:$0x0]  }
0x2: {  	s0 =	rddreg [dreg:$0x1];
	s2 =	simm.s32 $0x0;
	s3 =	srdreg.scid  }
0x3: {  	s1 =	stileid.u32;
	s15 =	simm.s32 $0x1;
	s16 =	simm.s32 $0x20  }
0x4: {  	s17 =	simm.s32 $0x80;
	s18 =	simm.s32 $0x2;
	s19 =	simm.s32 $0x0  }
0x5: {  	[smem:$0x7FF] =	sst s2;
	s6 =	sand.u32 $0x1, s3;
	s26 =	sshll.u32 s1, $0x1  }
0x6: {  	s3 =	sadd.s32 $0xC9C00, s5;
	s10 =	sadd.s32 $0x313E00, s5;
	s11 =	smul.u32 $0x186A0, s1  }
0x7: {  	s13 =	sshll.u32 s1, $0x3;
	_ =	strace $0x80000047;
	s4 =	sor.u32 s6, s26  }
0x8: {  	s9 =	ssub.s32 $0x2, s6;
	s14 =	smul.u32 $0xC350, s6;
	s29 =	sand.u32 $0x60, s13  }
0x9: {  	s13 =	simm.s32 $0x7D0;
	s7 =	smul.u32 $0xC350, s4;
	s8 =	sand.u32 $0x7, s4  }
0xa: {  	s4 =	sadd.s32 $0xFAA00, s5;
	s28 =	sshrl.u32 s9, $0x1;
	s8 =	smul.u32 $0x61A800, s8  }
0xb: {  	s9 =	ssub.s32 s9, s28;
	s11 =	sadd.s32 s14, s11;
	s14 =	simm.s32 $0x84D0  }
0xc: {  	s12 =	sshrl.u32 s7, $0x3;
	s6 =	sadd.s32 $0x7D0, s7;
	s7 =	smax.u32 s9, $0x1  }
0xd: {  	s30 =	sadd.s32 $0x3E8, s11;
	s5 =	sadd.s32 s4, s12;
	s8 =	sor.u32 s29, s8  }
0xe: {  	s9 =	sshrl.u32 s30, $0x3;
	s12 =	simm.s32 $0x3E8;
	s31 =	sadd.s32 $0x1F400, s8  }
0xf: {  	s8 =	sshrl.u32 s8, $0x3;
	s9 =	sadd.s32 s9, s4;
	s11 =	sshrl.u32 s31, $0x3  }
0x10: {  	s8 =	sadd.s32 s8, s10;
	s10 =	sadd.s32 s11, s10;
	s11 =	simm.s32 $0x3  }
.LBB2_1:
0x11: {  	[tilespmem:s2], [sflag:$0x3] =	stream.linear.gather [hbm4b:s5+s2], $0x3E8, $0x38;
	[tilespmem:$0x101D0] =	vst v63  }
0x12: {  	_ =	swait.ge [sflag:s11], $0x3E8  }
0x13: {  	[sflag:s11] =	ssyncset.done $0x0  }
0x14: {  	[sflag:s11] =	ssyncadd.s32 $0xFFFFFC18  }
0x15: {  	[tilespmem:s13], [sflag:$0x1] =	stream.indirect.gather [hbm4b:s3+s12], $0x20, s2, s12, $0xb8;
	[tilespmem:$0x101D0] =	vst v63  }
0x16: {  	_ = 	snop  }
0x17: {  	[tilespmem:s12], [sflag:$0x3] =	stream.linear.gather [hbm4b:s9+s2], $0x3E8, $0x38;
	[tilespmem:$0x101D0] =	vst v63  }
0x18: {  	_ =	swait.ge [sflag:s11], $0x3E8  }
0x19: {  	[sflag:s11] =	ssyncset.done $0x0  }
0x1a: {  	[sflag:s11] =	ssyncadd.s32 $0xFFFFFC18  }
0x1b: {  	[tilespmem:s14], [sflag:$0x2] =	stream.indirect.gather [hbm4b:s3+s12], $0x20, s12, s12, $0xb8;
	[tilespmem:$0x101D0] =	vst v63  }
0x1c: {  	_ =	swait.ge [sflag:s15], $0x7D00  }
0x1d: {  	s20 =	smin.u32 s2, $0x2E;
	[sflag:s15] =	ssyncset.done $0x0  }
0x1e: {  	s20 =	smul.u32 $0x3E8, s20;
	[sflag:s15] =	ssyncadd.s32 $0xFFFF8300  }
0x1f: {  	[hbm4b:s8+s16] =	stream.strided.scatter [tilespmem:s13], [sflag:$0x3], $0x7D00, s17, s16, $0x38;
	[tilespmem:$0x101D0] =	vst v63  }
0x20: {  	s20 =	sadd.s32 s20, s6;
	_ =	swait.ge [sflag:s11], $0x7D00  }
0x21: {  	s20 =	sshrl.u32 s20, $0x3;
	[sflag:s11] =	ssyncset.done $0x0  }
0x22: {  	s20 =	sadd.s32 s4, s20;
	[sflag:s11] =	ssyncadd.s32 $0xFFFF8300  }
0x23: {  	[tilespmem:s2], [sflag:$0x3] =	stream.linear.gather [hbm4b:s20+s2], $0x3E8, $0x38;
	[tilespmem:$0x101D0] =	vst v63  }
0x24: {  	_ =	swait.ge [sflag:s11], $0x3E8  }
0x25: {  	[sflag:s11] =	ssyncset.done $0x0  }
0x26: {  	[sflag:s11] =	ssyncadd.s32 $0xFFFFFC18  }
0x27: {  	[tilespmem:s13], [sflag:$0x1] =	stream.indirect.gather [hbm4b:s3+s12], $0x20, s2, s12, $0xb8;
	[tilespmem:$0x101D0] =	vst v63  }
0x28: {  	_ =	swait.ge [sflag:s18], $0x7D00  }
0x29: {  	[sflag:s18] =	ssyncset.done $0x0  }
0x2a: {  	[sflag:s18] =	ssyncadd.s32 $0xFFFF8300  }
0x2b: {  	[hbm4b:s10+s16] =	stream.strided.scatter [tilespmem:s14], [sflag:$0x3], $0x7D00, s17, s16, $0x38;
	[tilespmem:$0x101D0] =	vst v63  }
0x2c: {  	s21 =	sadd.s32 $0x7D00, s10;
	s22 =	smov.u32 s8;
	_ =	swait.ge [sflag:s11], $0x7D00  }
0x2d: {  	s23 =	smov.u32 s9;
	s20 =	simm.s32 $0x2;
	[sflag:s11] =	ssyncset.done $0x0  }
.LBB2_2:
0x2e: {  	[sflag:s11] =	ssyncadd.s32 $0xFFFF8300  }
0x2f: {  	s22 =	sadd.s32 $0x7D00, s22;
	s23 =	sadd.s32 $0xFA, s23;
	s24 =	smov.u32 s20  }
0x30: {  	[tilespmem:s12], [sflag:$0x3] =	stream.linear.gather [hbm4b:s23+s2], $0x3E8, $0x38;
	[tilespmem:$0x101D0] =	vst v63  }
0x31: {  	p0 =	sne.s32 s20, $0x30;
	s20 =	sadd.s32 $0x2, s20;
	_ =	swait.ge [sflag:s11], $0x3E8  }
0x32: {  	[sflag:s11] =	ssyncset.done $0x0  }
0x33: {  	[sflag:s11] =	ssyncadd.s32 $0xFFFFFC18  }
0x34: {  	[tilespmem:s14], [sflag:$0x2] =	stream.indirect.gather [hbm4b:s3+s12], $0x20, s12, s12, $0xb8;
	[tilespmem:$0x101D0] =	vst v63  }
0x35: {  	_ =	swait.ge [sflag:s15], $0x7D00  }
0x36: {  	s24 =	smin.u32 s24, $0x2E;
	[sflag:s15] =	ssyncset.done $0x0  }
0x37: {  	s24 =	smul.u32 $0x3E8, s24;
	[sflag:s15] =	ssyncadd.s32 $0xFFFF8300  }
0x38: {  	[hbm4b:s22+s16] =	stream.strided.scatter [tilespmem:s13], [sflag:$0x3], $0x7D00, s17, s16, $0x38;
	[tilespmem:$0x101D0] =	vst v63  }
0x39: {  	s24 =	sadd.s32 s24, s6;
	_ =	swait.ge [sflag:s11], $0x7D00  }
0x3a: {  	s24 =	sshrl.u32 s24, $0x3;
	[sflag:s11] =	ssyncset.done $0x0  }
0x3b: {  	s24 =	sadd.s32 s4, s24;
	[sflag:s11] =	ssyncadd.s32 $0xFFFF8300  }
0x3c: {  	[tilespmem:s2], [sflag:$0x3] =	stream.linear.gather [hbm4b:s24+s2], $0x3E8, $0x38;
	[tilespmem:$0x101D0] =	vst v63  }
0x3d: {  	_ =	swait.ge [sflag:s11], $0x3E8  }
0x3e: {  	[sflag:s11] =	ssyncset.done $0x0  }
0x3f: {  	[sflag:s11] =	ssyncadd.s32 $0xFFFFFC18  }
0x40: {  	[tilespmem:s13], [sflag:$0x1] =	stream.indirect.gather [hbm4b:s3+s12], $0x20, s2, s12, $0xb8;
	[tilespmem:$0x101D0] =	vst v63  }
0x41: {  	_ =	swait.ge [sflag:s18], $0x7D00  }
.Ltmp0:
0x42: {  	[sflag:s18] =	ssyncset.done $0x0;
	(pc) =	sbr.rel @p0 .LBB2_2-.Ltmp0, $4  }
0x43: {  	[sflag:s18] =	ssyncadd.s32 $0xFFFF8300  }
0x44: {  	[hbm4b:s21+s16] =	stream.strided.scatter [tilespmem:s14], [sflag:$0x3], $0x7D00, s17, s16, $0x38;
	[tilespmem:$0x101D0] =	vst v63  }
0x45: {  	_ =	swait.ge [sflag:s11], $0x7D00  }
0x46: {  	s21 =	sadd.s32 $0x7D00, s21;
	[sflag:s11] =	ssyncset.done $0x0  }
0x47: {  	s19 =	sadd.s32 $0x1, s19  }
0x48: {  	p0 =	sne.s32 s19, s7  }
.Ltmp1:
0x49: {  	_ = 	snop;
	(pc) =	sbr.rel @p0 .LBB2_1-.Ltmp1, $4  }
0x4a: {  	[sflag:s11] =	ssyncadd.s32 $0xFFFF8300  }
0x4b: {  	_ =	swait.ge [sflag:s15], $0x7D00  }
0x4c: {  	[sflag:s15] =	ssyncset.done $0x0  }
0x4d: {  	[sflag:s15] =	ssyncadd.s32 $0xFFFF8300  }
0x4e: {  	_ =	sfence.sel $0x180000  }
0x4f: {  	[bflag:$0x0] =	sbarrier.arrive $0xFFFF  }
0x50: {  	p0 =	sne.s32 s1, $0x0;
	_ =	strace $0x90000047  }
0x51: {  	s0 =	sadd.s32 @!p0 $0x100000, s0;
	[bflag:$0x2] =	sbarrier.arrive $0xFFFF  }
0x52: {  	[sflag:s0] =	ssyncadd.tile.s32 @!p0 $0x1;
	_ =	shalt  }
.Lfunc_end2:
_tile_overlayer_lowered:
.L_overlay_start_2:
0x53: {  	(tag) =	ssettag $0x2  }
0x54: {  	s0 =	rddreg [dreg:$0x0];
	s2 =	stileid.u32  }
0x55: {  	s1 =	rddreg [dreg:$0x1];
	p0 =	sne.s32 s2, $0x0  }
0x56: {  	s3 =	rddreg [dreg:$0x2];
	[bflag:$0x3] =	sbarrier.arrive $0xFFFF;
	s2 =	simm.s32 @!p0 $0x1C03  }
0x57: {  	[timem:s3], [sflag:s2] =	dma.local @!p0 [hbm:s0], s1  }
0x58: {  	s0 =	simm.s32 @!p0 $0x3  }
0x59: {  	_ =	swait.ge @!p0 [sflag:s0], s1  }
0x5a: {  	s1 =	ssub.s32 @!p0 $0x0, s1;
	[sflag:s0] =	ssyncset.done @!p0 $0x0  }
0x5b: {  	[sflag:s0] =	ssyncadd.s32 @!p0 s1  }
0x5c: {  	[bflag:$0x3] =	sbarrier.arrive $0xFFFF  }
0x5d: {  	_ =	shalt  }

// kernel: kernel.15.cloned.1.call-start
scs
__scs_entry_jumppad:
0x0: {  	(pc) =	sbr.rel $0x88, $3  }
0x1: {  	(tag) =	ssettag $0x0;
	lr =	simm.s32 $0x1  }
0x2: {  	[smem:$0x3F8D] =	sst lr;
	_ =	strace $0xD0000000  }
0x3: {  	_ = 	snop  }
0x4: {  	_ = 	snop  }
0x5: {  	_ = 	snop  }
0x6: {  	_ = 	snop  }
0x7: {  	_ = 	snop  }
__scs_overlays_trampoline_lowered:
0x8: {  	[smem:$0x3F9C] =	sst s0  }
0x9: {  	[smem:$0x3F9D] =	sst s1  }
0xa: {  	[smem:$0x3F9E] =	sst s2  }
0xb: {  	[smem:$0x3F9F] =	sst s3  }
0xc: {  	[smem:$0x3FA0] =	sst s4  }
0xd: {  	[smem:$0x3FA1] =	sst s5  }
0xe: {  	[smem:$0x3FA2] =	sst s6  }
0xf: {  	[smem:$0x3FA3] =	sst s7  }
0x10: {  	[smem:$0x3FA4] =	sst s8  }
0x11: {  	[smem:$0x3FA5] =	sst s9;
	s0 =	simm.s32 @!p0 $0x0  }
0x12: {  	s1 =	sld [smem:$0x3F8B];
	s0 =	simm.s32 @p0 $0x1  }
0x13: {  	[smem:$0x3FA6] =	sst s0;
	s0 =	simm.s32 @!p1 $0x0  }
0x14: {  	s2 =	sld [smem:$0x3F8A];
	s0 =	simm.s32 @p1 $0x1  }
0x15: {  	[smem:$0x3FA7] =	sst s0;
	s0 =	simm.s32 @!p2 $0x0  }
0x16: {  	s3 =	sld [smem:$0x3FDB];
	s0 =	simm.s32 @p2 $0x1  }
0x17: {  	s4 =	simm.s32 $0x1BF5;
	[smem:$0x3FA9] =	sst s0  }
0x18: {  	s0 =	sld [smem:$0x3F8C];
	_ =	swait.ge [sflag:s4], $0x0  }
0x19: {  	s7 =	sld [smem:$0x3F8D]  }
0x1a: {  	s8 =	sadd.s32 $0xFFFFE003, lr  }
0x1b: {  	s9 =	sadd.s32 $0xFFFFFEF7, lr;
	s5 =	simm.s32 $0xFFFFFFFF;
	p2 =	slt.u32 s8, $0xFFFFF086  }
0x1c: {  	p1 =	slt.u32 s9, $0xF7A;
	s5 =	simm.s32 @!p2 $0x0  }
0x1d: {  	s5 =	simm.s32 @p1 $0x1;
	p0 =	seq.s32 s7, s2  }
0x1e: {  	s7 =	smul.u32 @!p0 $0xF7A, s2;
	p2 =	seq.s32 @!p0 s5, $0x0  }
0x1f: {  	s9 =	smul.u32 $0xF7A, s1;
	s8 =	simm.s32 @!p0 $0x1BF5;
	p2 =	por !p2, p0  }
0x20: {  	[sflag:s8] =	ssyncset.s32 @!p0 $0xFFFFF086;
	s6 =	sadd.s32 @!p0 s3, s7;
	s7 =	simm.s32 @!p0 $0x108  }
0x21: {  	s3 =	sadd.s32 s3, s9;
	s6 =	sadd.s32 @!p0 $0x88, s6;
	s7 =	simm.s32 @p2 $0x1082  }
0x22: {  	[simem:s7], [sflag:s8] =	dma.local @!p0 [hbm:s6], $0xF7A  }
0x23: {  	s9 =	sor.u32 $0xD0000000, s2;
	s6 =	simm.s32 $0x108;
	_ =	swait.ge @!p0 [sflag:s8], $0x0  }
0x24: {  	s3 =	sadd.s32 $0x88, s3;
	s6 =	simm.s32 @!p1 $0x1082;
	[sflag:s4] =	ssyncset.s32 $0xFFFFF086  }
0x25: {  	[simem:s6], [sflag:s4] =	dma.local [hbm:s3], $0xF7A  }
0x26: {  	[smem:$0x3F8D] =	sst s1;
	(tag) =	ssettag s2;
	_ =	strace s9  }
0x27: {  	s1 =	sld [smem:$0x3F9D]  }
0x28: {  	s2 =	sld [smem:$0x3F9E]  }
0x29: {  	s4 =	sld [smem:$0x3FA0]  }
0x2a: {  	p0 =	seq.s32 s5, $0x0;
	s5 =	sld [smem:$0x3FA1]  }
0x2b: {  	s6 =	sld [smem:$0x3FA2]  }
0x2c: {  	s7 =	sld [smem:$0x3FA3]  }
0x2d: {  	s3 =	simm.s32 $0x108;
	s8 =	sld [smem:$0x3FA4]  }
0x2e: {  	s3 =	simm.s32 @!p0 $0x1082;
	s9 =	sld [smem:$0x3FA5]  }
0x2f: {  	lr =	sadd.s32 s0, s3;
	s0 =	sld [smem:$0x3F9C]  }
0x30: {  	s3 =	sld [smem:$0x3F9F]  }
0x31: {  	[smem:$0x3FA8] =	sst s10  }
0x32: {  	s10 =	sld [smem:$0x3FA6];
	_ =	sdelay $0x3  }
0x33: {  	p0 =	seq.s32 s10, $0x1;
	s10 =	sld [smem:$0x3FA8];
	_ =	sdelay $0x3  }
0x34: {  	[smem:$0x3FA8] =	sst s10  }
0x35: {  	s10 =	sld [smem:$0x3FA7];
	_ =	sdelay $0x3  }
0x36: {  	p1 =	seq.s32 s10, $0x1;
	s10 =	sld [smem:$0x3FA8];
	_ =	sdelay $0x3  }
0x37: {  	[smem:$0x3FA8] =	sst s10  }
0x38: {  	s10 =	sld [smem:$0x3FA9]  }
0x39: {  	_ = 	snop;
	(pc) =	sbr.ind lr, $3  }
0x3a: {  	_ = 	snop  }
0x3b: {  	_ = 	snop  }
0x3c: {  	p2 =	seq.s32 s10, $0x1;
	s10 =	sld [smem:$0x3FA8]  }
0x3d: {  	_ =	shalt  }
0x3e: {  	_ =	shalt  }
0x3f: {  	_ =	shalt  }
0x40: {  	_ =	shalt  }
0x41: {  	_ =	shalt  }
0x42: {  	_ =	shalt  }
0x43: {  	_ =	shalt  }
0x44: {  	_ =	shalt  }
0x45: {  	_ =	shalt  }
0x46: {  	_ =	shalt  }
0x47: {  	_ =	shalt  }
0x48: {  	_ =	shalt  }
0x49: {  	_ =	shalt  }
0x4a: {  	_ =	shalt  }
0x4b: {  	_ =	shalt  }
0x4c: {  	_ =	shalt  }
0x4d: {  	_ =	shalt  }
0x4e: {  	_ =	shalt  }
0x4f: {  	_ =	shalt  }
0x50: {  	_ =	shalt  }
0x51: {  	_ =	shalt  }
0x52: {  	_ =	shalt  }
0x53: {  	_ =	shalt  }
0x54: {  	_ =	shalt  }
0x55: {  	_ =	shalt  }
0x56: {  	_ =	shalt  }
0x57: {  	_ =	shalt  }
0x58: {  	_ =	shalt  }
0x59: {  	_ =	shalt  }
0x5a: {  	_ =	shalt  }
0x5b: {  	_ =	shalt  }
0x5c: {  	_ =	shalt  }
0x5d: {  	_ =	shalt  }
0x5e: {  	_ =	shalt  }
0x5f: {  	_ =	shalt  }
0x60: {  	_ =	shalt  }
0x61: {  	_ =	shalt  }
0x62: {  	_ =	shalt  }
0x63: {  	_ =	shalt  }
0x64: {  	_ =	shalt  }
0x65: {  	_ =	shalt  }
0x66: {  	_ =	shalt  }
0x67: {  	_ =	shalt  }
0x68: {  	_ =	shalt  }
0x69: {  	_ =	shalt  }
0x6a: {  	_ =	shalt  }
0x6b: {  	_ =	shalt  }
0x6c: {  	_ =	shalt  }
0x6d: {  	_ =	shalt  }
0x6e: {  	_ =	shalt  }
0x6f: {  	_ =	shalt  }
0x70: {  	_ =	shalt  }
0x71: {  	_ =	shalt  }
0x72: {  	_ =	shalt  }
0x73: {  	_ =	shalt  }
0x74: {  	_ =	shalt  }
0x75: {  	_ =	shalt  }
0x76: {  	_ =	shalt  }
0x77: {  	_ =	shalt  }
0x78: {  	_ =	shalt  }
0x79: {  	_ =	shalt  }
0x7a: {  	_ =	shalt  }
0x7b: {  	_ =	shalt  }
0x7c: {  	_ =	shalt  }
0x7d: {  	_ =	shalt  }
0x7e: {  	_ =	shalt  }
0x7f: {  	_ =	shalt  }
0x80: {  	_ =	shalt  }
0x81: {  	_ =	shalt  }
0x82: {  	_ =	shalt  }
0x83: {  	_ =	shalt  }
0x84: {  	_ =	shalt  }
0x85: {  	_ =	shalt  }
0x86: {  	_ =	shalt  }
0x87: {  	_ =	shalt  }
.Lfunc_end0:
.L_simem_size_0:
called_computation.1_lowered:
.L_overlay_start_0:
0x88: {  	s2 =	sld [smem:$0x3FD9]  }
0x89: {  	s3 =	sld [smem:$0x3FFE];
	_ =	sdelay $0x1  }
0x8a: {  	s1 =	srdreg.scid  }
0x8b: {  	s0 =	sand.u32 $0x1, s1  }
0x8c: {  	s17 =	sshll.u32 s0, $0xA;
	s2 =	sadd.s32 s3, s2  }
0x8d: {  	s2 =	sadd.s32 s2, s17  }
0x8e: {  	[smem:$0x3FB4] =	sst s2  }
0x8f: {  	_ = 	snop  }
0x90: {  	(tm) =	ssettm $0x1  }
0x91: {  	s18 =	sld [smem:$0x3FFB];
	_ =	sdelay $0x3  }
0x92: {  	_ =	strace s18  }
0x93: {  	s2 =	sld [smem:$0x3FFC];
	_ =	sdelay $0x3  }
0x94: {  	_ =	strace s2  }
0x95: {  	s2 =	sld [smem:$0x3FFD];
	_ =	sdelay $0x3  }
0x96: {  	_ =	strace s2  }
0x97: {  	_ =	strace $0x8FFFFFFF  }
0x98: {  	s19 =	sld [smem:$0x3FDB];
	_ =	sdelay $0x1  }
0x99: {  	s20 =	simm.s32 $_scs_section_size  }
0x9a: {  	s4 =	simm.s32 $_size__tile_overlayer_lowered;
	s5 =	simm.s32 $_tile_overlayer_lowered  }
0x9b: {  	s6 =	simm.s32 $0x1BFF;
	s21 =	sshll.u32 s5, $0x1;
	s3 =	sadd.s32 s20, s19  }
0x9c: {  	s22 =	simm.s32 $0x0;
	s4 =	sshll.u32 s4, $0x1;
	s5 =	sadd.s32 s21, s3  }
0x9d: {  	[timem:s22], [sflag:s6] =	dma.local [hbm:s5], s4  }
0x9e: {  	_ =	swait.ge [sflag:s6], s4  }
0x9f: {  	s4 =	ssub.s32 $0x0, s4;
	[sflag:s6] =	ssyncset.done $0x0  }
0xa0: {  	[sflag:s6] =	ssyncadd.s32 s4;
	_ =	sdelay $0x1  }
0xa1: {  	s23 =	simm.s32 $0x1B8B  }
0xa2: {  	_ =	swait.ge [sflag:s23], $0x1  }
0xa3: {  	[sflag:s23] =	ssyncset.done $0x0  }
0xa4: {  	[sflag:s23] =	ssyncadd.s32 $0xFFFFFFFF  }
0xa5: {  	s4 =	sld [smem:$0x0]  }
0xa6: {  	s5 =	sand.u32 $0xFFFFFFFE, s1  }
0xa7: {  	p0 =	sne.s32 s1, s5  }
0xa8: {  	s5 =	sshll.u32 @p0 s5, $0xE  }
0xa9: {  	s5 =	sadd.s32 @p0 $0x11B8D, s5;
	s6 =	sshll.u32 @p0 s4, $0x11  }
0xaa: {  	s5 =	sor.u32 @p0 s6, s5  }
0xab: {  	[sflag:s5] =	ssyncadd.remote.s32 @p0 $0x1;
	_ =	sdelay $0x1  }
0xac: {  	s5 =	simm.s32 @p0 $0x1B8D  }
0xad: {  	_ =	swait.eq @p0 [sflag:s5], $0x1  }
0xae: {  	[sflag:s5] =	ssyncadd.s32 @p0 $0xFFFFFFFF  }
0xaf: {  	s6 =	sshll.u32 @!p0 s1, $0xE  }
0xb0: {  	s6 =	sor.u32 @!p0 $0x4000, s6;
	s5 =	simm.s32 @!p0 $0x1B8D  }
0xb1: {  	s4 =	sshll.u32 @!p0 s4, $0x11;
	s6 =	sadd.s32 @!p0 $0x11B8D, s6;
	_ =	swait.eq @!p0 [sflag:s5], $0x1  }
0xb2: {  	s4 =	sor.u32 @!p0 s4, s6;
	[sflag:s5] =	ssyncadd.s32 @!p0 $0xFFFFFFFF  }
0xb3: {  	s25 =	simm.s32 $0x1B8E;
	s24 =	sld [smem:$0x3FFE];
	[sflag:s4] =	ssyncadd.remote.s32 @!p0 $0x1  }
0xb4: {  	s26 =	simm.s32 $execute0_lowered;
	[smem:$0x3FD2] =	sst s25  }
0xb5: {  	s5 =	sshll.u32 s26, $0x1;
	_ =	strace $0x8000004C;
	[dreg:$0x1] =	wrdreg $0xFFFFFFFF  }
0xb6: {  	s28 =	simm.s32 $_size_execute0_lowered;
	s3 =	sadd.s32 s3, s5;
	[dreg:$0x0] =	wrdreg $0x0  }
0xb7: {  	s5 =	sshll.u32 s28, $0x1;
	[dreg:$0x2] =	wrdreg s3  }
0xb8: {  	[dreg:$0x3] =	wrdreg s5  }
0xb9: {  	[dreg:$0x4] =	wrdreg $0xC0  }
0xba: {  	_ =	task [dreg:s22], $0x5FFFF  }
0xbb: {  	[dreg:$0x1] =	wrdreg $0xFFFFFFFF  }
0xbc: {  	[dreg:$0x0] =	wrdreg $0x60  }
0xbd: {  	[dreg:$0x2] =	wrdreg s24  }
0xbe: {  	[dreg:$0x3] =	wrdreg $0x67200  }
0xbf: {  	[dreg:$0x4] =	wrdreg $0xA  }
0xc0: {  	_ =	task.clear_ibuf [dreg:s22], $0x5FFFF;
	_ =	strace $0x9000004C  }
0xc1: {  	s29 =	simm.s32 $0xA;
	_ =	strace $0x8000004E  }
0xc2: {  	_ =	swait.ge [sflag:s29], $0x1  }
0xc3: {  	[sflag:s29] =	ssyncadd.s32 $0xFFFFFFFF  }
0xc4: {  	_ =	strace $0x9000004E  }
0xc5: {  	_ =	sfence  }
0xc6: {  	s30 =	sld [smem:$0x0];
	_ =	sdelay $0x2  }
0xc7: {  	s31 =	sshll.u32 s1, $0xD;
	s1 =	sshrl.u32 s1, $0x2  }
0xc8: {  	s4 =	sand.u32 $0x4000, s31;
	s1 =	sadd.s32 s1, s30  }
0xc9: {  	s0 =	sor.u32 s4, s0;
	s1 =	sshll.u32 s1, $0x11  }
0xca: {  	s0 =	sor.u32 s1, s0  }
0xcb: {  	s0 =	sadd.s32 $0x8F2B, s0  }
0xcc: {  	[sflag:s0] =	ssyncadd.remote.s32 $0x1  }
0xcd: {  	_ =	sfence.sel $0xFFFF  }
0xce: {  	[dreg:$0x0] =	wrdreg $0xFFFFFFFF;
	(pc) =	sbr.abs _section_cstart, $3  }
0xcf: {  	[dreg:$0x1] =	wrdreg $0xFFFFFFFF  }
0xd0: {  	_ =	task.clear_ibuf [dreg:s22], $0x2FFFF;
	_ =	strace $0x9FFFFFFF  }
0xd1: {  	(tm) =	ssettm $0x7FFFFFFF  }
tec
execute0_lowered:
.L_overlay_start_1:
0x0: {  	(tag) =	ssettag $0x1  }
0x1: {  	s7 =	rddreg [dreg:$0x0]  }
0x2: {  	s2 =	rddreg [dreg:$0x1];
	s1 =	stileid.u32  }
0x3: {  	s5 =	srdreg.scid;
	s3 =	simm.s32 $0x0;
	s20 =	simm.s32 $0x80  }
0x4: {  	s21 =	simm.s32 $0x320;
	s4 =	smul.u32 $0x186A0, s1;
	s8 =	sand.u32 $0x1, s5  }
0x5: {  	[smem:$0x7FF] =	sst s3;
	s5 =	sadd.s32 $0x92E600, s7;
	s19 =	smul.u32 $0x30D4, s1  }
0x6: {  	s6 =	sadd.s32 $0x12B800, s7;
	s13 =	sand.u32 $0x3, s1;
	s9 =	smul.u32 $0x186A00, s8  }
0x7: {  	s24 =	sshll.u32 s1, $0x3;
	s28 =	sshll.u32 s1, $0x6;
	s14 =	smul.u32 $0x30D4000, s8  }
0x8: {  	_ =	strace $0x8000004D;
	s12 =	ssub.s32 $0x2, s8;
	s15 =	smul.u32 $0xC35000, s13  }
0x9: {  	s25 =	sand.u32 $0x60, s24;
	s8 =	sor.u32 $0x1C03, s28;
	s24 =	simm.s32 $0x1  }
0xa: {  	s10 =	sshrl.u32 s4, $0x3;
	s23 =	sshrl.u32 s12, $0x1;
	s18 =	sadd.s32 s4, s2  }
0xb: {  	s30 =	sadd.s32 s19, s6;
	s19 =	simm.s32 $0x20;
	s11 =	sadd.s32 s10, s7  }
0xc: {  	s9 =	sadd.s32 s4, s9;
	s17 =	ssub.s32 s12, s23;
	s26 =	sadd.s32 s14, s15  }
0xd: {  	s10 =	sadd.s32 s6, s10;
	s12 =	sor.u32 s25, s14;
	s23 =	simm.s32 $0x3520  }
0xe: {  	s22 =	sshrl.u32 s9, $0x3;
	s15 =	sor.u32 s25, s26;
	s9 =	smul.u32 $0x186A0, s13  }
0xf: {  	s14 =	smax.u32 s17, $0x1;
	s17 =	sshrl.u32 s18, $0x3;
	s18 =	simm.s32 $0x3  }
0x10: {  	s25 =	simm.s32 $0x2;
	s26 =	simm.s32 $0x0;
	s16 =	sadd.s32 s22, s7  }
0x11: {  	s7 =	sadd.s32 $0xC9C00, s11;
	s29 =	sshrl.u32 s15, $0x3;
	s15 =	sadd.s32 $0xC800, s15  }
0x12: {  	s22 =	simm.s32 $0x190;
	s11 =	sadd.s32 s5, s29;
	s31 =	sshrl.u32 s15, $0x3  }
0x13: {  	s13 =	sadd.s32 $0x313E00, s16;
	s15 =	sadd.s32 $0x32, s30;
	s16 =	sadd.s32 s31, s5  }
.LBB2_1:
0x14: {  	[spmem:s17], [sflag:s8] =	dma.local [hbm:s7], $0x30D4  }
0x15: {  	_ =	swait.ge [sflag:s18], $0x30D4  }
0x16: {  	[sflag:s18] =	ssyncset.done $0x0  }
0x17: {  	[sflag:s18] =	ssyncadd.s32 $0xFFFFCF2C  }
0x18: {  	[bflag:$0x0] =	sbarrier.arrive $0xFFFF  }
0x19: {  	[tilespmem:s3], [sflag:$0x1] =	stream.linear.gather [hbm4b:s10+s3], $0x190, $0x38;
	[tilespmem:$0x1EDC0] =	vst v63  }
0x1a: {  	_ = 	snop  }
0x1b: {  	[tilespmem:s21], [sflag:$0x1] =	stream.strided.gather [hbm4b:s11+s19], $0x3200, s20, s19, $0x38;
	[tilespmem:$0x1EDC0] =	vst v63  }
0x1c: {  	_ = 	snop  }
0x1d: {  	[tilespmem:s22], [sflag:$0x2] =	stream.linear.gather [hbm4b:s15+s3], $0x190, $0x38;
	[tilespmem:$0x1EDC0] =	vst v63  }
0x1e: {  	_ = 	snop  }
0x1f: {  	[tilespmem:s23], [sflag:$0x2] =	stream.strided.gather [hbm4b:s16+s19], $0x3200, s20, s19, $0x38;
	[tilespmem:$0x1EDC0] =	vst v63  }
0x20: {  	_ =	swait.ge [sflag:s24], $0x190  }
0x21: {  	s28 =	smin.u32 s3, $0xF6;
	[sflag:s24] =	ssyncset.done $0x0  }
0x22: {  	s28 =	smul.u32 $0x190, s28;
	[sflag:s24] =	ssyncadd.s32 $0xFFFFFE70  }
0x23: {  	_ =	swait.ge [sflag:s24], $0x3200  }
0x24: {  	s28 =	sadd.s32 $0x320, s28;
	[sflag:s24] =	ssyncset.done $0x0  }
0x25: {  	s29 =	sadd.s32 s9, s28;
	[sflag:s24] =	ssyncadd.s32 $0xFFFFCE00  }
0x26: {  	[spmem:s2] =	stream.indirect.scatter.add.f32 [tilespmem:s21], [sflag:$0x3], $0x20, s3, s22, $0xb8;
	[tilespmem:$0x1EDC0] =	vst v63  }
0x27: {  	s28 =	sadd.s32 s4, s28;
	s29 =	sshll.u32 s29, $0x7;
	_ =	swait.ge [sflag:s18], $0x3200  }
0x28: {  	s28 =	sshrl.u32 s28, $0x3;
	s29 =	sadd.s32 s12, s29;
	[sflag:s18] =	ssyncset.done $0x0  }
0x29: {  	s28 =	sadd.s32 s6, s28;
	s29 =	sshrl.u32 s29, $0x3;
	[sflag:s18] =	ssyncadd.s32 $0xFFFFCE00  }
0x2a: {  	[tilespmem:s3], [sflag:$0x1] =	stream.linear.gather [hbm4b:s28+s3], $0x190, $0x38;
	[tilespmem:$0x1EDC0] =	vst v63  }
0x2b: {  	s28 =	sadd.s32 s5, s29  }
0x2c: {  	[tilespmem:s21], [sflag:$0x1] =	stream.strided.gather [hbm4b:s28+s19], $0x3200, s20, s19, $0x38;
	[tilespmem:$0x1EDC0] =	vst v63  }
0x2d: {  	_ =	swait.ge [sflag:s25], $0x190  }
0x2e: {  	[sflag:s25] =	ssyncset.done $0x0  }
0x2f: {  	[sflag:s25] =	ssyncadd.s32 $0xFFFFFE70  }
0x30: {  	_ =	swait.ge [sflag:s25], $0x3200  }
0x31: {  	s30 =	smov.u32 s16;
	[sflag:s25] =	ssyncset.done $0x0  }
0x32: {  	s29 =	smov.u32 s15;
	s28 =	simm.s32 $0x2;
	[sflag:s25] =	ssyncadd.s32 $0xFFFFCE00  }
0x33: {  	[spmem:s2] =	stream.indirect.scatter.add.f32 [tilespmem:s23], [sflag:$0x3], $0x20, s22, s22, $0xb8;
	[tilespmem:$0x1EDC0] =	vst v63  }
.LBB2_2:
0x34: {  	_ =	swait.ge [sflag:s18], $0x3200  }
0x35: {  	s29 =	sadd.s32 $0x64, s29;
	s30 =	sadd.s32 $0x3200, s30;
	s31 =	smov.u32 s28  }
0x36: {  	p0 =	sne.s32 s28, $0xF8;
	s28 =	sadd.s32 $0x2, s28;
	[sflag:s18] =	ssyncset.done $0x0  }
0x37: {  	[sflag:s18] =	ssyncadd.s32 $0xFFFFCE00  }
0x38: {  	[tilespmem:s22], [sflag:$0x2] =	stream.linear.gather [hbm4b:s29+s3], $0x190, $0x38;
	[tilespmem:$0x1EDC0] =	vst v63  }
0x39: {  	_ = 	snop  }
0x3a: {  	[tilespmem:s23], [sflag:$0x2] =	stream.strided.gather [hbm4b:s30+s19], $0x3200, s20, s19, $0x38;
	[tilespmem:$0x1EDC0] =	vst v63  }
0x3b: {  	_ =	swait.ge [sflag:s24], $0x190  }
0x3c: {  	s31 =	smin.u32 s31, $0xF6;
	[sflag:s24] =	ssyncset.done $0x0  }
0x3d: {  	s31 =	smul.u32 $0x190, s31;
	[sflag:s24] =	ssyncadd.s32 $0xFFFFFE70  }
0x3e: {  	_ =	swait.ge [sflag:s24], $0x3200  }
0x3f: {  	s31 =	sadd.s32 $0x320, s31;
	[sflag:s24] =	ssyncset.done $0x0  }
0x40: {  	s0 =	sadd.s32 s4, s31;
	s31 =	sadd.s32 s9, s31;
	[sflag:s24] =	ssyncadd.s32 $0xFFFFCE00  }
0x41: {  	[spmem:s2] =	stream.indirect.scatter.add.f32 [tilespmem:s21], [sflag:$0x3], $0x20, s3, s22, $0xb8;
	[tilespmem:$0x1EDC0] =	vst v63  }
0x42: {  	s0 =	sshrl.u32 s0, $0x3;
	s31 =	sshll.u32 s31, $0x7;
	_ =	swait.ge [sflag:s18], $0x3200  }
0x43: {  	s0 =	sadd.s32 s6, s0;
	s31 =	sadd.s32 s12, s31;
	[sflag:s18] =	ssyncset.done $0x0  }
0x44: {  	s31 =	sshrl.u32 s31, $0x3;
	[sflag:s18] =	ssyncadd.s32 $0xFFFFCE00  }
0x45: {  	[tilespmem:s3], [sflag:$0x1] =	stream.linear.gather [hbm4b:s0+s3], $0x190, $0x38;
	[tilespmem:$0x1EDC0] =	vst v63  }
0x46: {  	s0 =	sadd.s32 s5, s31  }
0x47: {  	[tilespmem:s21], [sflag:$0x1] =	stream.strided.gather [hbm4b:s0+s19], $0x3200, s20, s19, $0x38;
	[tilespmem:$0x1EDC0] =	vst v63  }
0x48: {  	_ =	swait.ge [sflag:s25], $0x190  }
0x49: {  	[sflag:s25] =	ssyncset.done $0x0  }
.Ltmp0:
0x4a: {  	[sflag:s25] =	ssyncadd.s32 $0xFFFFFE70;
	(pc) =	sbr.rel @p0 .LBB2_2-.Ltmp0, $4  }
0x4b: {  	_ =	swait.ge [sflag:s25], $0x3200  }
0x4c: {  	[sflag:s25] =	ssyncset.done $0x0  }
0x4d: {  	[sflag:s25] =	ssyncadd.s32 $0xFFFFCE00  }
0x4e: {  	[spmem:s2] =	stream.indirect.scatter.add.f32 [tilespmem:s23], [sflag:$0x3], $0x20, s22, s22, $0xb8;
	[tilespmem:$0x1EDC0] =	vst v63  }
0x4f: {  	_ =	swait.ge [sflag:s18], $0x3200  }
0x50: {  	[sflag:s18] =	ssyncset.done $0x0  }
0x51: {  	[sflag:s18] =	ssyncadd.s32 $0xFFFFCE00  }
0x52: {  	_ =	swait.ge [sflag:s24], $0x190  }
0x53: {  	[sflag:s24] =	ssyncset.done $0x0  }
0x54: {  	[sflag:s24] =	ssyncadd.s32 $0xFFFFFE70  }
0x55: {  	_ =	swait.ge [sflag:s24], $0x3200  }
0x56: {  	s26 =	sadd.s32 $0x1, s26;
	[sflag:s24] =	ssyncset.done $0x0  }
0x57: {  	p0 =	sne.s32 s26, s14;
	[sflag:s24] =	ssyncadd.s32 $0xFFFFCE00  }
.Ltmp1:
0x58: {  	[bflag:$0x0] =	sbarrier.arrive $0xFFFF;
	(pc) =	sbr.rel @p0 .LBB2_1-.Ltmp1, $4  }
0x59: {  	[hbm:s13], [sflag:s8] =	dma.local [spmem:s17], $0x30D4  }
0x5a: {  	_ =	swait.ge [sflag:s18], $0x30D4  }
0x5b: {  	[sflag:s18] =	ssyncset.done $0x0  }
0x5c: {  	[sflag:s18] =	ssyncadd.s32 $0xFFFFCF2C  }
0x5d: {  	_ =	sfence.sel $0x180000  }
0x5e: {  	[bflag:$0x0] =	sbarrier.arrive $0xFFFF  }
0x5f: {  	_ =	strace $0x9000004D  }
0x60: {  	[bflag:$0x2] =	sbarrier.arrive $0xFFFF  }
0x61: {  	p0 =	sne.s32 s1, $0x0;
	s0 =	rddreg [dreg:$0x2]  }
0x62: {  	s0 =	sadd.s32 @!p0 $0x100000, s0  }
0x63: {  	[sflag:s0] =	ssyncadd.tile.s32 @!p0 $0x1;
	_ =	shalt  }
.Lfunc_end2:
_tile_overlayer_lowered:
.L_overlay_start_2:
0x64: {  	(tag) =	ssettag $0x2  }
0x65: {  	s0 =	rddreg [dreg:$0x0];
	s2 =	stileid.u32  }
0x66: {  	s1 =	rddreg [dreg:$0x1];
	p0 =	sne.s32 s2, $0x0  }
0x67: {  	s3 =	rddreg [dreg:$0x2];
	[bflag:$0x3] =	sbarrier.arrive $0xFFFF;
	s2 =	simm.s32 @!p0 $0x1C03  }
0x68: {  	[timem:s3], [sflag:s2] =	dma.local @!p0 [hbm:s0], s1  }
0x69: {  	s0 =	simm.s32 @!p0 $0x3  }
0x6a: {  	_ =	swait.ge @!p0 [sflag:s0], s1  }
0x6b: {  	s1 =	ssub.s32 @!p0 $0x0, s1;
	[sflag:s0] =	ssyncset.done @!p0 $0x0  }
0x6c: {  	[sflag:s0] =	ssyncadd.s32 @!p0 s1  }
0x6d: {  	[bflag:$0x3] =	sbarrier.arrive $0xFFFF  }
0x6e: {  	_ =	shalt  }

// kernel: kernel.18.cloned.1.call-start
scs
__scs_entry_jumppad:
0x0: {  	(pc) =	sbr.rel $0x88, $3  }
0x1: {  	(tag) =	ssettag $0x0;
	lr =	simm.s32 $0x1  }
0x2: {  	[smem:$0x3F8D] =	sst lr;
	_ =	strace $0xD0000000  }
0x3: {  	_ = 	snop  }
0x4: {  	_ = 	snop  }
0x5: {  	_ = 	snop  }
0x6: {  	_ = 	snop  }
0x7: {  	_ = 	snop  }
__scs_overlays_trampoline_lowered:
0x8: {  	[smem:$0x3F9C] =	sst s0  }
0x9: {  	[smem:$0x3F9D] =	sst s1  }
0xa: {  	[smem:$0x3F9E] =	sst s2  }
0xb: {  	[smem:$0x3F9F] =	sst s3  }
0xc: {  	[smem:$0x3FA0] =	sst s4  }
0xd: {  	[smem:$0x3FA1] =	sst s5  }
0xe: {  	[smem:$0x3FA2] =	sst s6  }
0xf: {  	[smem:$0x3FA3] =	sst s7  }
0x10: {  	[smem:$0x3FA4] =	sst s8  }
0x11: {  	[smem:$0x3FA5] =	sst s9;
	s0 =	simm.s32 @!p0 $0x0  }
0x12: {  	s1 =	sld [smem:$0x3F8B];
	s0 =	simm.s32 @p0 $0x1  }
0x13: {  	[smem:$0x3FA6] =	sst s0;
	s0 =	simm.s32 @!p1 $0x0  }
0x14: {  	s2 =	sld [smem:$0x3F8A];
	s0 =	simm.s32 @p1 $0x1  }
0x15: {  	[smem:$0x3FA7] =	sst s0;
	s0 =	simm.s32 @!p2 $0x0  }
0x16: {  	s3 =	sld [smem:$0x3FDB];
	s0 =	simm.s32 @p2 $0x1  }
0x17: {  	s4 =	simm.s32 $0x1BF5;
	[smem:$0x3FA9] =	sst s0  }
0x18: {  	s0 =	sld [smem:$0x3F8C];
	_ =	swait.ge [sflag:s4], $0x0  }
0x19: {  	s7 =	sld [smem:$0x3F8D]  }
0x1a: {  	s8 =	sadd.s32 $0xFFFFE003, lr  }
0x1b: {  	s9 =	sadd.s32 $0xFFFFFEF7, lr;
	s5 =	simm.s32 $0xFFFFFFFF;
	p2 =	slt.u32 s8, $0xFFFFF086  }
0x1c: {  	p1 =	slt.u32 s9, $0xF7A;
	s5 =	simm.s32 @!p2 $0x0  }
0x1d: {  	s5 =	simm.s32 @p1 $0x1;
	p0 =	seq.s32 s7, s2  }
0x1e: {  	s7 =	smul.u32 @!p0 $0xF7A, s2;
	p2 =	seq.s32 @!p0 s5, $0x0  }
0x1f: {  	s9 =	smul.u32 $0xF7A, s1;
	s8 =	simm.s32 @!p0 $0x1BF5;
	p2 =	por !p2, p0  }
0x20: {  	[sflag:s8] =	ssyncset.s32 @!p0 $0xFFFFF086;
	s6 =	sadd.s32 @!p0 s3, s7;
	s7 =	simm.s32 @!p0 $0x108  }
0x21: {  	s3 =	sadd.s32 s3, s9;
	s6 =	sadd.s32 @!p0 $0x88, s6;
	s7 =	simm.s32 @p2 $0x1082  }
0x22: {  	[simem:s7], [sflag:s8] =	dma.local @!p0 [hbm:s6], $0xF7A  }
0x23: {  	s9 =	sor.u32 $0xD0000000, s2;
	s6 =	simm.s32 $0x108;
	_ =	swait.ge @!p0 [sflag:s8], $0x0  }
0x24: {  	s3 =	sadd.s32 $0x88, s3;
	s6 =	simm.s32 @!p1 $0x1082;
	[sflag:s4] =	ssyncset.s32 $0xFFFFF086  }
0x25: {  	[simem:s6], [sflag:s4] =	dma.local [hbm:s3], $0xF7A  }
0x26: {  	[smem:$0x3F8D] =	sst s1;
	(tag) =	ssettag s2;
	_ =	strace s9  }
0x27: {  	s1 =	sld [smem:$0x3F9D]  }
0x28: {  	s2 =	sld [smem:$0x3F9E]  }
0x29: {  	s4 =	sld [smem:$0x3FA0]  }
0x2a: {  	p0 =	seq.s32 s5, $0x0;
	s5 =	sld [smem:$0x3FA1]  }
0x2b: {  	s6 =	sld [smem:$0x3FA2]  }
0x2c: {  	s7 =	sld [smem:$0x3FA3]  }
0x2d: {  	s3 =	simm.s32 $0x108;
	s8 =	sld [smem:$0x3FA4]  }
0x2e: {  	s3 =	simm.s32 @!p0 $0x1082;
	s9 =	sld [smem:$0x3FA5]  }
0x2f: {  	lr =	sadd.s32 s0, s3;
	s0 =	sld [smem:$0x3F9C]  }
0x30: {  	s3 =	sld [smem:$0x3F9F]  }
0x31: {  	[smem:$0x3FA8] =	sst s10  }
0x32: {  	s10 =	sld [smem:$0x3FA6];
	_ =	sdelay $0x3  }
0x33: {  	p0 =	seq.s32 s10, $0x1;
	s10 =	sld [smem:$0x3FA8];
	_ =	sdelay $0x3  }
0x34: {  	[smem:$0x3FA8] =	sst s10  }
0x35: {  	s10 =	sld [smem:$0x3FA7];
	_ =	sdelay $0x3  }
0x36: {  	p1 =	seq.s32 s10, $0x1;
	s10 =	sld [smem:$0x3FA8];
	_ =	sdelay $0x3  }
0x37: {  	[smem:$0x3FA8] =	sst s10  }
0x38: {  	s10 =	sld [smem:$0x3FA9]  }
0x39: {  	_ = 	snop;
	(pc) =	sbr.ind lr, $3  }
0x3a: {  	_ = 	snop  }
0x3b: {  	_ = 	snop  }
0x3c: {  	p2 =	seq.s32 s10, $0x1;
	s10 =	sld [smem:$0x3FA8]  }
0x3d: {  	_ =	shalt  }
0x3e: {  	_ =	shalt  }
0x3f: {  	_ =	shalt  }
0x40: {  	_ =	shalt  }
0x41: {  	_ =	shalt  }
0x42: {  	_ =	shalt  }
0x43: {  	_ =	shalt  }
0x44: {  	_ =	shalt  }
0x45: {  	_ =	shalt  }
0x46: {  	_ =	shalt  }
0x47: {  	_ =	shalt  }
0x48: {  	_ =	shalt  }
0x49: {  	_ =	shalt  }
0x4a: {  	_ =	shalt  }
0x4b: {  	_ =	shalt  }
0x4c: {  	_ =	shalt  }
0x4d: {  	_ =	shalt  }
0x4e: {  	_ =	shalt  }
0x4f: {  	_ =	shalt  }
0x50: {  	_ =	shalt  }
0x51: {  	_ =	shalt  }
0x52: {  	_ =	shalt  }
0x53: {  	_ =	shalt  }
0x54: {  	_ =	shalt  }
0x55: {  	_ =	shalt  }
0x56: {  	_ =	shalt  }
0x57: {  	_ =	shalt  }
0x58: {  	_ =	shalt  }
0x59: {  	_ =	shalt  }
0x5a: {  	_ =	shalt  }
0x5b: {  	_ =	shalt  }
0x5c: {  	_ =	shalt  }
0x5d: {  	_ =	shalt  }
0x5e: {  	_ =	shalt  }
0x5f: {  	_ =	shalt  }
0x60: {  	_ =	shalt  }
0x61: {  	_ =	shalt  }
0x62: {  	_ =	shalt  }
0x63: {  	_ =	shalt  }
0x64: {  	_ =	shalt  }
0x65: {  	_ =	shalt  }
0x66: {  	_ =	shalt  }
0x67: {  	_ =	shalt  }
0x68: {  	_ =	shalt  }
0x69: {  	_ =	shalt  }
0x6a: {  	_ =	shalt  }
0x6b: {  	_ =	shalt  }
0x6c: {  	_ =	shalt  }
0x6d: {  	_ =	shalt  }
0x6e: {  	_ =	shalt  }
0x6f: {  	_ =	shalt  }
0x70: {  	_ =	shalt  }
0x71: {  	_ =	shalt  }
0x72: {  	_ =	shalt  }
0x73: {  	_ =	shalt  }
0x74: {  	_ =	shalt  }
0x75: {  	_ =	shalt  }
0x76: {  	_ =	shalt  }
0x77: {  	_ =	shalt  }
0x78: {  	_ =	shalt  }
0x79: {  	_ =	shalt  }
0x7a: {  	_ =	shalt  }
0x7b: {  	_ =	shalt  }
0x7c: {  	_ =	shalt  }
0x7d: {  	_ =	shalt  }
0x7e: {  	_ =	shalt  }
0x7f: {  	_ =	shalt  }
0x80: {  	_ =	shalt  }
0x81: {  	_ =	shalt  }
0x82: {  	_ =	shalt  }
0x83: {  	_ =	shalt  }
0x84: {  	_ =	shalt  }
0x85: {  	_ =	shalt  }
0x86: {  	_ =	shalt  }
0x87: {  	_ =	shalt  }
.Lfunc_end0:
.L_simem_size_0:
called_computation.2_lowered:
.L_overlay_start_0:
0x88: {  	s2 =	sld [smem:$0x3FD9]  }
0x89: {  	s3 =	sld [smem:$0x3FFE];
	_ =	sdelay $0x1  }
0x8a: {  	s1 =	srdreg.scid  }
0x8b: {  	s0 =	sand.u32 $0x1, s1  }
0x8c: {  	s17 =	sshll.u32 s0, $0xA;
	s2 =	sadd.s32 s3, s2  }
0x8d: {  	s2 =	sadd.s32 s2, s17  }
0x8e: {  	[smem:$0x3FB4] =	sst s2  }
0x8f: {  	_ = 	snop  }
0x90: {  	s18 =	sld [smem:$0x3FD0];
	(tm) =	ssettm $0x1  }
0x91: {  	s19 =	sld [smem:$0x3FFB];
	_ =	sdelay $0x3  }
0x92: {  	_ =	strace s19  }
0x93: {  	s2 =	sld [smem:$0x3FFC];
	_ =	sdelay $0x3  }
0x94: {  	_ =	strace s2  }
0x95: {  	s2 =	sld [smem:$0x3FFD];
	_ =	sdelay $0x3  }
0x96: {  	_ =	strace s2  }
0x97: {  	_ =	strace $0x8FFFFFFF  }
0x98: {  	s20 =	sld [smem:$0x3FDB];
	_ =	sdelay $0x1  }
0x99: {  	s4 =	simm.s32 $_scs_section_size  }
0x9a: {  	s5 =	simm.s32 $_size__tile_overlayer_lowered;
	s6 =	simm.s32 $_tile_overlayer_lowered  }
0x9b: {  	s7 =	simm.s32 $0x1BFF;
	s21 =	sshll.u32 s6, $0x1;
	s4 =	sadd.s32 s4, s20  }
0x9c: {  	s22 =	simm.s32 $0x0;
	s5 =	sshll.u32 s5, $0x1;
	s6 =	sadd.s32 s21, s4  }
0x9d: {  	[timem:s22], [sflag:s7] =	dma.local [hbm:s6], s5  }
0x9e: {  	_ =	swait.ge [sflag:s7], s5  }
0x9f: {  	s5 =	ssub.s32 $0x0, s5;
	[sflag:s7] =	ssyncset.done $0x0  }
0xa0: {  	[sflag:s7] =	ssyncadd.s32 s5;
	_ =	sdelay $0x1  }
0xa1: {  	s23 =	simm.s32 $0x1B8B  }
0xa2: {  	_ =	swait.ge [sflag:s23], $0x1  }
0xa3: {  	[sflag:s23] =	ssyncset.done $0x0  }
0xa4: {  	[sflag:s23] =	ssyncadd.s32 $0xFFFFFFFF  }
0xa5: {  	s5 =	sld [smem:$0x0]  }
0xa6: {  	s6 =	sand.u32 $0xFFFFFFFE, s1  }
0xa7: {  	p0 =	sne.s32 s1, s6  }
0xa8: {  	s6 =	sshll.u32 @p0 s6, $0xE  }
0xa9: {  	s6 =	sadd.s32 @p0 $0x11B8D, s6;
	s7 =	sshll.u32 @p0 s5, $0x11  }
0xaa: {  	s6 =	sor.u32 @p0 s7, s6  }
0xab: {  	[sflag:s6] =	ssyncadd.remote.s32 @p0 $0x1;
	_ =	sdelay $0x1  }
0xac: {  	s6 =	simm.s32 @p0 $0x1B8D  }
0xad: {  	_ =	swait.eq @p0 [sflag:s6], $0x1  }
0xae: {  	[sflag:s6] =	ssyncadd.s32 @p0 $0xFFFFFFFF  }
0xaf: {  	s7 =	sshll.u32 @!p0 s1, $0xE  }
0xb0: {  	s7 =	sor.u32 @!p0 $0x4000, s7;
	s6 =	simm.s32 @!p0 $0x1B8D  }
0xb1: {  	s5 =	sshll.u32 @!p0 s5, $0x11;
	s7 =	sadd.s32 @!p0 $0x11B8D, s7;
	_ =	swait.eq @!p0 [sflag:s6], $0x1  }
0xb2: {  	s5 =	sor.u32 @!p0 s5, s7;
	[sflag:s6] =	ssyncadd.s32 @!p0 $0xFFFFFFFF  }
0xb3: {  	s25 =	simm.s32 $0x1B8E;
	s24 =	sld [smem:$0x3FFE];
	[sflag:s5] =	ssyncadd.remote.s32 @!p0 $0x1  }
0xb4: {  	s26 =	simm.s32 $execute0_lowered;
	[smem:$0x3FD2] =	sst s25  }
0xb5: {  	s6 =	sshll.u32 s26, $0x1;
	_ =	strace $0x80000049;
	[dreg:$0x1] =	wrdreg $0xFFFFFFFF  }
0xb6: {  	s28 =	simm.s32 $_size_execute0_lowered;
	s4 =	sadd.s32 s4, s6;
	[dreg:$0x0] =	wrdreg $0x0  }
0xb7: {  	s6 =	sshll.u32 s28, $0x1;
	[dreg:$0x2] =	wrdreg s4  }
0xb8: {  	[dreg:$0x3] =	wrdreg s6  }
0xb9: {  	[dreg:$0x4] =	wrdreg $0xC0  }
0xba: {  	_ =	task [dreg:s22], $0x5FFFF  }
0xbb: {  	[dreg:$0x1] =	wrdreg $0xFFFFFFFF  }
0xbc: {  	[dreg:$0x0] =	wrdreg $0x60  }
0xbd: {  	[dreg:$0x2] =	wrdreg s24  }
0xbe: {  	[dreg:$0x3] =	wrdreg s18  }
0xbf: {  	[dreg:$0x4] =	wrdreg $0x46500  }
0xc0: {  	[dreg:$0x5] =	wrdreg $0x9  }
0xc1: {  	_ =	task.clear_ibuf [dreg:s22], $0x6FFFF;
	_ =	strace $0x90000049  }
0xc2: {  	s29 =	simm.s32 $0x9;
	_ =	strace $0x8000004B  }
0xc3: {  	_ =	swait.ge [sflag:s29], $0x1  }
0xc4: {  	[sflag:s29] =	ssyncadd.s32 $0xFFFFFFFF  }
0xc5: {  	_ =	strace $0x9000004B  }
0xc6: {  	_ =	sfence  }
0xc7: {  	s30 =	sld [smem:$0x0];
	_ =	sdelay $0x2  }
0xc8: {  	s31 =	sshll.u32 s1, $0xD;
	s1 =	sshrl.u32 s1, $0x2  }
0xc9: {  	s4 =	sand.u32 $0x4000, s31;
	s1 =	sadd.s32 s1, s30  }
0xca: {  	s0 =	sor.u32 s4, s0;
	s1 =	sshll.u32 s1, $0x11  }
0xcb: {  	s0 =	sor.u32 s1, s0  }
0xcc: {  	s0 =	sadd.s32 $0x8F2B, s0  }
0xcd: {  	[sflag:s0] =	ssyncadd.remote.s32 $0x1  }
0xce: {  	_ =	sfence.sel $0xFFFF  }
0xcf: {  	[dreg:$0x0] =	wrdreg $0xFFFFFFFF;
	(pc) =	sbr.abs _section_cstart, $3  }
0xd0: {  	[dreg:$0x1] =	wrdreg $0xFFFFFFFF  }
0xd1: {  	_ =	task.clear_ibuf [dreg:s22], $0x2FFFF;
	_ =	strace $0x9FFFFFFF  }
0xd2: {  	(tm) =	ssettm $0x7FFFFFFF  }
0xd3: {  	_ =	shalt  }
tec
execute0_lowered:
.L_overlay_start_1:
0x0: {  	(tag) =	ssettag $0x1  }
0x1: {  	s5 =	rddreg [dreg:$0x0]  }
0x2: {  	s2 =	rddreg [dreg:$0x1]  }
0x3: {  	s3 =	rddreg [dreg:$0x2]  }
0x4: {  	s0 =	rddreg [dreg:$0x3];
	s1 =	stileid.u32  }
0x5: {  	s4 =	simm.s32 $0x0;
	s7 =	srdreg.scid;
	s12 =	simm.s32 $0x7D0  }
0x6: {  	s13 =	simm.s32 $0x0;
	s6 =	smul.u32 $0x61A8, s1;
	[smem:$0x7FF] =	sst s4  }
0x7: {  	s8 =	smul.u32 $0x30D4, s1;
	s7 =	sand.u32 $0x1, s7;
	s31 =	sshll.u32 s1, $0x6  }
0x8: {  	_ =	strace $0x8000004A;
	s7 =	ssub.s32 $0x2, s7;
	s9 =	sshrl.u32 s6, $0x3  }
0x9: {  	s10 =	sadd.s32 s8, s5;
	s29 =	sshrl.u32 s7, $0x1;
	s11 =	sadd.s32 s6, s3  }
0xa: {  	s6 =	sor.u32 $0x1C01, s31;
	s28 =	sadd.s32 s9, s5;
	s30 =	ssub.s32 s7, s29  }
0xb: {  	s9 =	sadd.s32 $0x12B800, s10;
	s10 =	sshrl.u32 s11, $0x3;
	s11 =	simm.s32 $0x1  }
0xc: {  	s5 =	sadd.s32 $0x15C600, s28;
	s7 =	sadd.s32 $0x168A00, s28;
	s8 =	smax.u32 s30, $0x1  }
.LBB2_1:
0xd: {  	[spmem:s10], [sflag:s6] =	dma.local [hbm:s5], $0xC35  }
0xe: {  	_ =	swait.ge [sflag:s11], $0xC35  }
0xf: {  	[sflag:s11] =	ssyncset.done $0x0  }
0x10: {  	[sflag:s11] =	ssyncadd.s32 $0xFFFFF3CB  }
0x11: {  	[tilespmem:s12], [sflag:$0x1] =	stream.linear.gather [hbm4b:s2+s4], $0x3E80, $0x38;
	[tilespmem:$0xA7F8] =	vst v63  }
0x12: {  	_ =	swait.ge [sflag:s11], $0x3E80  }
0x13: {  	[sflag:s11] =	ssyncset.done $0x0  }
0x14: {  	[sflag:s11] =	ssyncadd.s32 $0xFFFFC180  }
0x15: {  	s14 =	sadd.s32 $0x0, s9;
	[bflag:$0x0] =	sbarrier.arrive $0xFFFF  }
0x16: {  	[tilespmem:s4], [sflag:$0x1] =	stream.linear.gather [hbm4b:s14+s4], $0x7D0, $0x38;
	[tilespmem:$0xA7F8] =	vst v63  }
0x17: {  	_ =	swait.ge [sflag:s11], $0x7D0  }
0x18: {  	[sflag:s11] =	ssyncset.done $0x0  }
0x19: {  	[sflag:s11] =	ssyncadd.s32 $0xFFFFF830  }
0x1a: {  	[spmem:s3] =	stream.indirect.scatter.add.f32 [tilespmem:s12], [sflag:$0x1], $0x8, s4, s12, $0xb8;
	[tilespmem:$0xA7F8] =	vst v63  }
0x1b: {  	_ =	swait.ge [sflag:s11], $0x3E80  }
0x1c: {  	s15 =	simm.s32 $0x1F4;
	s14 =	simm.s32 $0xFA;
	[sflag:s11] =	ssyncset.done $0x0  }
.LBB2_2:
0x1d: {  	s16 =	sadd.s32 s14, s9  }
0x1e: {  	[sflag:s11] =	ssyncadd.s32 $0xFFFFC180;
	s14 =	smov.u32 s15;
	s17 =	sadd.s32 $0xFA, s15  }
0x1f: {  	[tilespmem:s4], [sflag:$0x1] =	stream.linear.gather [hbm4b:s16+s4], $0x7D0, $0x38;
	[tilespmem:$0xA7F8] =	vst v63  }
0x20: {  	p0 =	sne.s32 s15, $0x2FDA;
	_ =	swait.ge [sflag:s11], $0x7D0  }
.Ltmp0:
0x21: {  	[sflag:s11] =	ssyncset.done $0x0;
	(pc) =	sbr.rel @p0 .LBB2_2-.Ltmp0, $4  }
0x22: {  	[sflag:s11] =	ssyncadd.s32 $0xFFFFF830  }
0x23: {  	[spmem:s3] =	stream.indirect.scatter.add.f32 [tilespmem:s12], [sflag:$0x1], $0x8, s4, s12, $0xb8;
	[tilespmem:$0xA7F8] =	vst v63  }
0x24: {  	_ =	swait.ge [sflag:s11], $0x3E80  }
0x25: {  	s15 =	smov.u32 s17;
	[sflag:s11] =	ssyncset.done $0x0  }
0x26: {  	s14 =	sadd.s32 s14, s9;
	[sflag:s11] =	ssyncadd.s32 $0xFFFFC180  }
0x27: {  	[tilespmem:s4], [sflag:$0x1] =	stream.linear.gather [hbm4b:s14+s4], $0x7D0, $0x38;
	[tilespmem:$0xA7F8] =	vst v63  }
0x28: {  	_ =	swait.ge [sflag:s11], $0x7D0  }
0x29: {  	[sflag:s11] =	ssyncset.done $0x0  }
0x2a: {  	[sflag:s11] =	ssyncadd.s32 $0xFFFFF830  }
0x2b: {  	[spmem:s3] =	stream.indirect.scatter.add.f32 [tilespmem:s12], [sflag:$0x1], $0x8, s4, s12, $0xb8;
	[tilespmem:$0xA7F8] =	vst v63  }
0x2c: {  	_ =	swait.ge [sflag:s11], $0x3E80  }
0x2d: {  	s13 =	sadd.s32 $0x1, s13;
	[sflag:s11] =	ssyncset.done $0x0  }
0x2e: {  	p0 =	sne.s32 s13, s8;
	[sflag:s11] =	ssyncadd.s32 $0xFFFFC180  }
.Ltmp1:
0x2f: {  	[bflag:$0x0] =	sbarrier.arrive $0xFFFF;
	(pc) =	sbr.rel @p0 .LBB2_1-.Ltmp1, $4  }
0x30: {  	[hbm:s7], [sflag:s6] =	dma.local [spmem:s10], $0xC35  }
0x31: {  	_ =	swait.ge [sflag:s11], $0xC35  }
0x32: {  	[sflag:s11] =	ssyncset.done $0x0  }
0x33: {  	[sflag:s11] =	ssyncadd.s32 $0xFFFFF3CB  }
0x34: {  	_ =	sfence.sel $0x180000  }
0x35: {  	[bflag:$0x0] =	sbarrier.arrive $0xFFFF  }
0x36: {  	p0 =	sne.s32 s1, $0x0;
	_ =	strace $0x9000004A  }
0x37: {  	s0 =	sadd.s32 @!p0 $0x100000, s0;
	[bflag:$0x2] =	sbarrier.arrive $0xFFFF  }
0x38: {  	[sflag:s0] =	ssyncadd.tile.s32 @!p0 $0x1;
	_ =	shalt  }
.Lfunc_end2:
_tile_overlayer_lowered:
.L_overlay_start_2:
0x39: {  	(tag) =	ssettag $0x2  }
0x3a: {  	s0 =	rddreg [dreg:$0x0];
	s2 =	stileid.u32  }
0x3b: {  	s1 =	rddreg [dreg:$0x1];
	p0 =	sne.s32 s2, $0x0  }
0x3c: {  	s3 =	rddreg [dreg:$0x2];
	[bflag:$0x3] =	sbarrier.arrive $0xFFFF;
	s2 =	simm.s32 @!p0 $0x1C01  }
0x3d: {  	[timem:s3], [sflag:s2] =	dma.local @!p0 [hbm:s0], s1  }
0x3e: {  	s0 =	simm.s32 @!p0 $0x1  }
0x3f: {  	_ =	swait.ge @!p0 [sflag:s0], s1  }
0x40: {  	s1 =	ssub.s32 @!p0 $0x0, s1;
	[sflag:s0] =	ssyncset.done @!p0 $0x0  }
0x41: {  	[sflag:s0] =	ssyncadd.s32 @!p0 s1  }
0x42: {  	[bflag:$0x3] =	sbarrier.arrive $0xFFFF  }
0x43: {  	_ =	shalt  }

// kernel: kernel.21.cloned.1.call-start
scs
__scs_entry_jumppad:
0x0: {  	(pc) =	sbr.rel $0x88, $3  }
0x1: {  	(tag) =	ssettag $0x0;
	lr =	simm.s32 $0x1  }
0x2: {  	[smem:$0x3F8D] =	sst lr;
	_ =	strace $0xD0000000  }
0x3: {  	_ = 	snop  }
0x4: {  	_ = 	snop  }
0x5: {  	_ = 	snop  }
0x6: {  	_ = 	snop  }
0x7: {  	_ = 	snop  }
__scs_overlays_trampoline_lowered:
0x8: {  	[smem:$0x3F9C] =	sst s0  }
0x9: {  	[smem:$0x3F9D] =	sst s1  }
0xa: {  	[smem:$0x3F9E] =	sst s2  }
0xb: {  	[smem:$0x3F9F] =	sst s3  }
0xc: {  	[smem:$0x3FA0] =	sst s4  }
0xd: {  	[smem:$0x3FA1] =	sst s5  }
0xe: {  	[smem:$0x3FA2] =	sst s6  }
0xf: {  	[smem:$0x3FA3] =	sst s7  }
0x10: {  	[smem:$0x3FA4] =	sst s8  }
0x11: {  	[smem:$0x3FA5] =	sst s9;
	s0 =	simm.s32 @!p0 $0x0  }
0x12: {  	s1 =	sld [smem:$0x3F8B];
	s0 =	simm.s32 @p0 $0x1  }
0x13: {  	[smem:$0x3FA6] =	sst s0;
	s0 =	simm.s32 @!p1 $0x0  }
0x14: {  	s2 =	sld [smem:$0x3F8A];
	s0 =	simm.s32 @p1 $0x1  }
0x15: {  	[smem:$0x3FA7] =	sst s0;
	s0 =	simm.s32 @!p2 $0x0  }
0x16: {  	s3 =	sld [smem:$0x3FDB];
	s0 =	simm.s32 @p2 $0x1  }
0x17: {  	s4 =	simm.s32 $0x1BF5;
	[smem:$0x3FA9] =	sst s0  }
0x18: {  	s0 =	sld [smem:$0x3F8C];
	_ =	swait.ge [sflag:s4], $0x0  }
0x19: {  	s7 =	sld [smem:$0x3F8D]  }
0x1a: {  	s8 =	sadd.s32 $0xFFFFE003, lr  }
0x1b: {  	s9 =	sadd.s32 $0xFFFFFEF7, lr;
	s5 =	simm.s32 $0xFFFFFFFF;
	p2 =	slt.u32 s8, $0xFFFFF086  }
0x1c: {  	p1 =	slt.u32 s9, $0xF7A;
	s5 =	simm.s32 @!p2 $0x0  }
0x1d: {  	s5 =	simm.s32 @p1 $0x1;
	p0 =	seq.s32 s7, s2  }
0x1e: {  	s7 =	smul.u32 @!p0 $0xF7A, s2;
	p2 =	seq.s32 @!p0 s5, $0x0  }
0x1f: {  	s9 =	smul.u32 $0xF7A, s1;
	s8 =	simm.s32 @!p0 $0x1BF5;
	p2 =	por !p2, p0  }
0x20: {  	[sflag:s8] =	ssyncset.s32 @!p0 $0xFFFFF086;
	s6 =	sadd.s32 @!p0 s3, s7;
	s7 =	simm.s32 @!p0 $0x108  }
0x21: {  	s3 =	sadd.s32 s3, s9;
	s6 =	sadd.s32 @!p0 $0x88, s6;
	s7 =	simm.s32 @p2 $0x1082  }
0x22: {  	[simem:s7], [sflag:s8] =	dma.local @!p0 [hbm:s6], $0xF7A  }
0x23: {  	s9 =	sor.u32 $0xD0000000, s2;
	s6 =	simm.s32 $0x108;
	_ =	swait.ge @!p0 [sflag:s8], $0x0  }
0x24: {  	s3 =	sadd.s32 $0x88, s3;
	s6 =	simm.s32 @!p1 $0x1082;
	[sflag:s4] =	ssyncset.s32 $0xFFFFF086  }
0x25: {  	[simem:s6], [sflag:s4] =	dma.local [hbm:s3], $0xF7A  }
0x26: {  	[smem:$0x3F8D] =	sst s1;
	(tag) =	ssettag s2;
	_ =	strace s9  }
0x27: {  	s1 =	sld [smem:$0x3F9D]  }
0x28: {  	s2 =	sld [smem:$0x3F9E]  }
0x29: {  	s4 =	sld [smem:$0x3FA0]  }
0x2a: {  	p0 =	seq.s32 s5, $0x0;
	s5 =	sld [smem:$0x3FA1]  }
0x2b: {  	s6 =	sld [smem:$0x3FA2]  }
0x2c: {  	s7 =	sld [smem:$0x3FA3]  }
0x2d: {  	s3 =	simm.s32 $0x108;
	s8 =	sld [smem:$0x3FA4]  }
0x2e: {  	s3 =	simm.s32 @!p0 $0x1082;
	s9 =	sld [smem:$0x3FA5]  }
0x2f: {  	lr =	sadd.s32 s0, s3;
	s0 =	sld [smem:$0x3F9C]  }
0x30: {  	s3 =	sld [smem:$0x3F9F]  }
0x31: {  	[smem:$0x3FA8] =	sst s10  }
0x32: {  	s10 =	sld [smem:$0x3FA6];
	_ =	sdelay $0x3  }
0x33: {  	p0 =	seq.s32 s10, $0x1;
	s10 =	sld [smem:$0x3FA8];
	_ =	sdelay $0x3  }
0x34: {  	[smem:$0x3FA8] =	sst s10  }
0x35: {  	s10 =	sld [smem:$0x3FA7];
	_ =	sdelay $0x3  }
0x36: {  	p1 =	seq.s32 s10, $0x1;
	s10 =	sld [smem:$0x3FA8];
	_ =	sdelay $0x3  }
0x37: {  	[smem:$0x3FA8] =	sst s10  }
0x38: {  	s10 =	sld [smem:$0x3FA9]  }
0x39: {  	_ = 	snop;
	(pc) =	sbr.ind lr, $3  }
0x3a: {  	_ = 	snop  }
0x3b: {  	_ = 	snop  }
0x3c: {  	p2 =	seq.s32 s10, $0x1;
	s10 =	sld [smem:$0x3FA8]  }
0x3d: {  	_ =	shalt  }
0x3e: {  	_ =	shalt  }
0x3f: {  	_ =	shalt  }
0x40: {  	_ =	shalt  }
0x41: {  	_ =	shalt  }
0x42: {  	_ =	shalt  }
0x43: {  	_ =	shalt  }
0x44: {  	_ =	shalt  }
0x45: {  	_ =	shalt  }
0x46: {  	_ =	shalt  }
0x47: {  	_ =	shalt  }
0x48: {  	_ =	shalt  }
0x49: {  	_ =	shalt  }
0x4a: {  	_ =	shalt  }
0x4b: {  	_ =	shalt  }
0x4c: {  	_ =	shalt  }
0x4d: {  	_ =	shalt  }
0x4e: {  	_ =	shalt  }
0x4f: {  	_ =	shalt  }
0x50: {  	_ =	shalt  }
0x51: {  	_ =	shalt  }
0x52: {  	_ =	shalt  }
0x53: {  	_ =	shalt  }
0x54: {  	_ =	shalt  }
0x55: {  	_ =	shalt  }
0x56: {  	_ =	shalt  }
0x57: {  	_ =	shalt  }
0x58: {  	_ =	shalt  }
0x59: {  	_ =	shalt  }
0x5a: {  	_ =	shalt  }
0x5b: {  	_ =	shalt  }
0x5c: {  	_ =	shalt  }
0x5d: {  	_ =	shalt  }
0x5e: {  	_ =	shalt  }
0x5f: {  	_ =	shalt  }
0x60: {  	_ =	shalt  }
0x61: {  	_ =	shalt  }
0x62: {  	_ =	shalt  }
0x63: {  	_ =	shalt  }
0x64: {  	_ =	shalt  }
0x65: {  	_ =	shalt  }
0x66: {  	_ =	shalt  }
0x67: {  	_ =	shalt  }
0x68: {  	_ =	shalt  }
0x69: {  	_ =	shalt  }
0x6a: {  	_ =	shalt  }
0x6b: {  	_ =	shalt  }
0x6c: {  	_ =	shalt  }
0x6d: {  	_ =	shalt  }
0x6e: {  	_ =	shalt  }
0x6f: {  	_ =	shalt  }
0x70: {  	_ =	shalt  }
0x71: {  	_ =	shalt  }
0x72: {  	_ =	shalt  }
0x73: {  	_ =	shalt  }
0x74: {  	_ =	shalt  }
0x75: {  	_ =	shalt  }
0x76: {  	_ =	shalt  }
0x77: {  	_ =	shalt  }
0x78: {  	_ =	shalt  }
0x79: {  	_ =	shalt  }
0x7a: {  	_ =	shalt  }
0x7b: {  	_ =	shalt  }
0x7c: {  	_ =	shalt  }
0x7d: {  	_ =	shalt  }
0x7e: {  	_ =	shalt  }
0x7f: {  	_ =	shalt  }
0x80: {  	_ =	shalt  }
0x81: {  	_ =	shalt  }
0x82: {  	_ =	shalt  }
0x83: {  	_ =	shalt  }
0x84: {  	_ =	shalt  }
0x85: {  	_ =	shalt  }
0x86: {  	_ =	shalt  }
0x87: {  	_ =	shalt  }
.Lfunc_end0:
.L_simem_size_0:
called_computation.3_lowered:
.L_overlay_start_0:
0x88: {  	s2 =	sld [smem:$0x3FD9]  }
0x89: {  	s3 =	sld [smem:$0x3FFE];
	_ =	sdelay $0x1  }
0x8a: {  	s1 =	srdreg.scid  }
0x8b: {  	s0 =	sand.u32 $0x1, s1  }
0x8c: {  	s16 =	sshll.u32 s0, $0xA;
	s2 =	sadd.s32 s3, s2  }
0x8d: {  	s2 =	sadd.s32 s2, s16  }
0x8e: {  	[smem:$0x3FB4] =	sst s2  }
0x8f: {  	_ = 	snop  }
0x90: {  	(tm) =	ssettm $0x1  }
0x91: {  	s17 =	sld [smem:$0x3FFB];
	_ =	sdelay $0x3  }
0x92: {  	_ =	strace s17  }
0x93: {  	s2 =	sld [smem:$0x3FFC];
	_ =	sdelay $0x3  }
0x94: {  	_ =	strace s2  }
0x95: {  	s2 =	sld [smem:$0x3FFD];
	_ =	sdelay $0x3  }
0x96: {  	_ =	strace s2  }
0x97: {  	_ =	strace $0x8FFFFFFF  }
0x98: {  	s18 =	sld [smem:$0x3FDB];
	_ =	sdelay $0x1  }
0x99: {  	s19 =	simm.s32 $_scs_section_size  }
0x9a: {  	s4 =	simm.s32 $_size__tile_overlayer_lowered;
	s5 =	simm.s32 $_tile_overlayer_lowered  }
0x9b: {  	s22 =	simm.s32 $0x1BFF;
	s21 =	sshll.u32 s5, $0x1;
	s2 =	sadd.s32 s19, s18  }
0x9c: {  	s6 =	simm.s32 $0x0;
	s20 =	sshll.u32 s4, $0x1;
	s4 =	sadd.s32 s21, s2  }
0x9d: {  	[timem:s6], [sflag:s22] =	dma.local [hbm:s4], s20  }
0x9e: {  	_ =	swait.ge [sflag:s22], s20  }
0x9f: {  	s3 =	ssub.s32 $0x0, s20;
	[sflag:s22] =	ssyncset.done $0x0  }
0xa0: {  	[sflag:s22] =	ssyncadd.s32 s3;
	_ =	sdelay $0x1  }
0xa1: {  	s23 =	simm.s32 $0x1B8B  }
0xa2: {  	_ =	swait.ge [sflag:s23], $0x1  }
0xa3: {  	[sflag:s23] =	ssyncset.done $0x0  }
0xa4: {  	s25 =	simm.s32 $0x1B8E;
	s24 =	sld [smem:$0x3FFE];
	[sflag:s23] =	ssyncadd.s32 $0xFFFFFFFF  }
0xa5: {  	s26 =	simm.s32 $execute0_lowered;
	[smem:$0x3FD2] =	sst s25  }
0xa6: {  	s4 =	sshll.u32 s26, $0x1;
	_ =	strace $0x8000004F;
	[dreg:$0x1] =	wrdreg $0xFFFFFFFF  }
0xa7: {  	s28 =	simm.s32 $_size_execute0_lowered;
	s2 =	sadd.s32 s2, s4;
	[dreg:$0x0] =	wrdreg $0x0  }
0xa8: {  	s4 =	sshll.u32 s28, $0x1;
	[dreg:$0x2] =	wrdreg s2  }
0xa9: {  	[dreg:$0x3] =	wrdreg s4  }
0xaa: {  	[dreg:$0x4] =	wrdreg $0xC0  }
0xab: {  	_ =	task [dreg:s6], $0x5FFFF  }
0xac: {  	[dreg:$0x1] =	wrdreg $0xFFFFFFFF  }
0xad: {  	[dreg:$0x0] =	wrdreg $0x60  }
0xae: {  	[dreg:$0x2] =	wrdreg s24  }
0xaf: {  	[dreg:$0x3] =	wrdreg $0x9  }
0xb0: {  	_ =	task.clear_ibuf [dreg:s6], $0x4FFFF;
	_ =	strace $0x9000004F  }
0xb1: {  	s29 =	simm.s32 $0x9;
	_ =	strace $0x80000051  }
0xb2: {  	_ =	swait.ge [sflag:s29], $0x1  }
0xb3: {  	[sflag:s29] =	ssyncadd.s32 $0xFFFFFFFF  }
0xb4: {  	_ =	strace $0x90000051  }
0xb5: {  	_ =	sfence  }
0xb6: {  	s30 =	sld [smem:$0x0];
	_ =	sdelay $0x2  }
0xb7: {  	s31 =	sshll.u32 s1, $0xD;
	s1 =	sshrl.u32 s1, $0x2  }
0xb8: {  	s3 =	sand.u32 $0x4000, s31;
	s1 =	sadd.s32 s1, s30  }
0xb9: {  	s0 =	sor.u32 s3, s0;
	s1 =	sshll.u32 s1, $0x11  }
0xba: {  	s0 =	sor.u32 s1, s0  }
0xbb: {  	s0 =	sadd.s32 $0x8F2B, s0  }
0xbc: {  	[sflag:s0] =	ssyncadd.remote.s32 $0x1  }
0xbd: {  	_ =	sfence.sel $0xFFFF  }
0xbe: {  	[dreg:$0x0] =	wrdreg $0xFFFFFFFF;
	(pc) =	sbr.abs _section_cstart, $3  }
0xbf: {  	[dreg:$0x1] =	wrdreg $0xFFFFFFFF  }
0xc0: {  	_ =	task.clear_ibuf [dreg:s6], $0x2FFFF;
	_ =	strace $0x9FFFFFFF  }
0xc1: {  	(tm) =	ssettm $0x7FFFFFFF  }
tec
execute0_lowered:
.L_overlay_start_1:
0x0: {  	(tag) =	ssettag $0x1  }
0x1: {  	s5 =	rddreg [dreg:$0x0]  }
0x2: {  	s0 =	rddreg [dreg:$0x1];
	s2 =	simm.s32 $0x0  }
0x3: {  	s3 =	srdreg.scid;
	s1 =	stileid.u32;
	s16 =	simm.s32 $0x1  }
0x4: {  	s17 =	simm.s32 $0x40;
	s18 =	simm.s32 $0x80;
	s19 =	simm.s32 $0x2  }
0x5: {  	s20 =	simm.s32 $0x0;
	[smem:$0x7FF] =	sst s2;
	s6 =	sand.u32 $0x1, s3  }
0x6: {  	s4 =	sshll.u32 s1, $0x1;
	s3 =	sadd.s32 $0x313E00, s5;
	s25 =	sshrl.u32 s1, $0x3  }
0x7: {  	s9 =	sshll.u32 s1, $0x4;
	s11 =	sadd.s32 $0x439000, s5;
	s29 =	smul.u32 $0x186A0, s1  }
0x8: {  	_ =	strace $0x80000050;
	s7 =	sor.u32 s6, s4;
	s10 =	smul.u32 $0x30D4000, s25  }
0x9: {  	s4 =	sadd.s32 $0xFAA00, s5;
	s9 =	sand.u32 $0x40, s9;
	s15 =	smul.u32 $0xC350, s6  }
0xa: {  	s26 =	ssub.s32 $0x2, s6;
	s8 =	sand.u32 $0x7, s7;
	s7 =	smul.u32 $0xC350, s7  }
0xb: {  	s13 =	sshrl.u32 s26, $0x1;
	s8 =	smul.u32 $0x61A800, s8;
	s12 =	sor.u32 s9, s10  }
0xc: {  	s13 =	ssub.s32 s26, s13;
	s30 =	sadd.s32 s15, s29;
	s7 =	sshrl.u32 s7, $0x3  }
0xd: {  	s15 =	simm.s32 $0x6720;
	s12 =	sadd.s32 s8, s12;
	s5 =	sadd.s32 s4, s7  }
0xe: {  	s8 =	sadd.s32 s8, s10;
	s7 =	smax.u32 s13, $0x1;
	s10 =	sadd.s32 $0x190, s30  }
0xf: {  	s13 =	simm.s32 $0x190;
	s28 =	sadd.s32 $0x60E000, s12;
	s9 =	sor.u32 s9, s8  }
0x10: {  	s8 =	sadd.s32 $0x320, s30;
	s10 =	sshrl.u32 s10, $0x3;
	s14 =	sshrl.u32 s28, $0x3  }
0x11: {  	s31 =	sadd.s32 $0xC800, s9;
	s9 =	sshrl.u32 s9, $0x3;
	s10 =	sadd.s32 s10, s4  }
0x12: {  	s6 =	sadd.s32 s11, s14;
	s12 =	sshrl.u32 s31, $0x3;
	s9 =	sadd.s32 s9, s11  }
0x13: {  	s14 =	simm.s32 $0x320;
	s11 =	sadd.s32 s12, s11;
	s12 =	simm.s32 $0x3  }
.LBB2_1:
0x14: {  	[tilespmem:s2], [sflag:$0x3] =	stream.linear.gather [hbm4b:s5+s2], $0x190, $0x38;
	[tilespmem:$0xCB20] =	vst v63  }
0x15: {  	_ =	swait.ge [sflag:s12], $0x190  }
0x16: {  	[sflag:s12] =	ssyncset.done $0x0  }
0x17: {  	[sflag:s12] =	ssyncadd.s32 $0xFFFFFE70  }
0x18: {  	[tilespmem:s14], [sflag:$0x1] =	stream.indirect.gather [hbm4b:s3+s13], $0x40, s2, s13, $0xb8;
	[tilespmem:$0xCB20] =	vst v63  }
0x19: {  	_ = 	snop  }
0x1a: {  	[tilespmem:s13], [sflag:$0x3] =	stream.linear.gather [hbm4b:s10+s2], $0x190, $0x38;
	[tilespmem:$0xCB20] =	vst v63  }
0x1b: {  	_ =	swait.ge [sflag:s12], $0x190  }
0x1c: {  	[sflag:s12] =	ssyncset.done $0x0  }
0x1d: {  	[sflag:s12] =	ssyncadd.s32 $0xFFFFFE70  }
0x1e: {  	[tilespmem:s15], [sflag:$0x2] =	stream.indirect.gather [hbm4b:s3+s13], $0x40, s13, s13, $0xb8;
	[tilespmem:$0xCB20] =	vst v63  }
0x1f: {  	_ =	swait.ge [sflag:s16], $0x6400  }
0x20: {  	[sflag:s16] =	ssyncset.done $0x0  }
0x21: {  	s21 =	sadd.s32 $0x0, s9;
	[sflag:s16] =	ssyncadd.s32 $0xFFFF9C00  }
0x22: {  	[hbm4b:s21+s17] =	stream.strided.scatter [tilespmem:s14], [sflag:$0x3], $0x6400, s18, s17, $0x38;
	[tilespmem:$0xCB20] =	vst v63  }
0x23: {  	_ =	swait.ge [sflag:s12], $0x6400  }
0x24: {  	s30 =	sshrl.u32 s8, $0x3;
	[sflag:s12] =	ssyncset.done $0x0  }
0x25: {  	s21 =	sadd.s32 s4, s30;
	[sflag:s12] =	ssyncadd.s32 $0xFFFF9C00  }
0x26: {  	[tilespmem:s2], [sflag:$0x3] =	stream.linear.gather [hbm4b:s21+s2], $0x190, $0x38;
	[tilespmem:$0xCB20] =	vst v63  }
0x27: {  	_ =	swait.ge [sflag:s12], $0x190  }
0x28: {  	[sflag:s12] =	ssyncset.done $0x0  }
0x29: {  	[sflag:s12] =	ssyncadd.s32 $0xFFFFFE70  }
0x2a: {  	[tilespmem:s14], [sflag:$0x1] =	stream.indirect.gather [hbm4b:s3+s13], $0x40, s2, s13, $0xb8;
	[tilespmem:$0xCB20] =	vst v63  }
0x2b: {  	_ =	swait.ge [sflag:s19], $0x6400  }
0x2c: {  	[sflag:s19] =	ssyncset.done $0x0  }
0x2d: {  	s31 =	sadd.s32 $0x0, s11;
	[sflag:s19] =	ssyncadd.s32 $0xFFFF9C00  }
0x2e: {  	[hbm4b:s31+s17] =	stream.strided.scatter [tilespmem:s15], [sflag:$0x3], $0x6400, s18, s17, $0x38;
	[tilespmem:$0xCB20] =	vst v63  }
0x2f: {  	s22 =	smov.u32 s8;
	_ =	swait.ge [sflag:s12], $0x6400  }
0x30: {  	s23 =	smov.u32 s10;
	s21 =	simm.s32 $0x3200;
	[sflag:s12] =	ssyncset.done $0x0  }
.LBB2_2:
0x31: {  	[sflag:s12] =	ssyncadd.s32 $0xFFFF9C00  }
0x32: {  	s22 =	sadd.s32 $0x320, s22;
	s23 =	sadd.s32 $0x64, s23;
	s24 =	smov.u32 s21  }
0x33: {  	[tilespmem:s13], [sflag:$0x3] =	stream.linear.gather [hbm4b:s23+s2], $0x190, $0x38;
	[tilespmem:$0xCB20] =	vst v63  }
0x34: {  	p0 =	sne.s32 s21, $0xBEA00;
	s21 =	sadd.s32 $0x3200, s21;
	_ =	swait.ge [sflag:s12], $0x190  }
0x35: {  	[sflag:s12] =	ssyncset.done $0x0  }
0x36: {  	[sflag:s12] =	ssyncadd.s32 $0xFFFFFE70  }
0x37: {  	[tilespmem:s15], [sflag:$0x2] =	stream.indirect.gather [hbm4b:s3+s13], $0x40, s13, s13, $0xb8;
	[tilespmem:$0xCB20] =	vst v63  }
0x38: {  	_ =	swait.ge [sflag:s16], $0x6400  }
0x39: {  	[sflag:s16] =	ssyncset.done $0x0  }
0x3a: {  	s25 =	sadd.s32 s24, s9;
	[sflag:s16] =	ssyncadd.s32 $0xFFFF9C00  }
0x3b: {  	[hbm4b:s25+s17] =	stream.strided.scatter [tilespmem:s14], [sflag:$0x3], $0x6400, s18, s17, $0x38;
	[tilespmem:$0xCB20] =	vst v63  }
0x3c: {  	_ =	swait.ge [sflag:s12], $0x6400  }
0x3d: {  	s25 =	sshrl.u32 s22, $0x3;
	[sflag:s12] =	ssyncset.done $0x0  }
0x3e: {  	s25 =	sadd.s32 s4, s25;
	[sflag:s12] =	ssyncadd.s32 $0xFFFF9C00  }
0x3f: {  	[tilespmem:s2], [sflag:$0x3] =	stream.linear.gather [hbm4b:s25+s2], $0x190, $0x38;
	[tilespmem:$0xCB20] =	vst v63  }
0x40: {  	_ =	swait.ge [sflag:s12], $0x190  }
0x41: {  	[sflag:s12] =	ssyncset.done $0x0  }
0x42: {  	[sflag:s12] =	ssyncadd.s32 $0xFFFFFE70  }
0x43: {  	[tilespmem:s14], [sflag:$0x1] =	stream.indirect.gather [hbm4b:s3+s13], $0x40, s2, s13, $0xb8;
	[tilespmem:$0xCB20] =	vst v63  }
0x44: {  	_ =	swait.ge [sflag:s19], $0x6400  }
.Ltmp0:
0x45: {  	[sflag:s19] =	ssyncset.done $0x0;
	(pc) =	sbr.rel @p0 .LBB2_2-.Ltmp0, $4  }
0x46: {  	s24 =	sadd.s32 s24, s11;
	[sflag:s19] =	ssyncadd.s32 $0xFFFF9C00  }
0x47: {  	[hbm4b:s24+s17] =	stream.strided.scatter [tilespmem:s15], [sflag:$0x3], $0x6400, s18, s17, $0x38;
	[tilespmem:$0xCB20] =	vst v63  }
0x48: {  	_ =	swait.ge [sflag:s12], $0x6400  }
0x49: {  	[sflag:s12] =	ssyncset.done $0x0  }
0x4a: {  	[sflag:s12] =	ssyncadd.s32 $0xFFFF9C00  }
0x4b: {  	s20 =	sadd.s32 $0x1, s20;
	_ =	swait.ge [sflag:s16], $0x6400  }
0x4c: {  	p0 =	sne.s32 s20, s7;
	[sflag:s16] =	ssyncset.done $0x0  }
.Ltmp1:
0x4d: {  	[sflag:s16] =	ssyncadd.s32 $0xFFFF9C00;
	(pc) =	sbr.rel @p0 .LBB2_1-.Ltmp1, $4  }
0x4e: {  	[hbm4b:s6+s17] =	stream.strided.scatter [tilespmem:s14], [sflag:$0x3], $0x6400, s18, s17, $0x38;
	[tilespmem:$0xCB20] =	vst v63  }
0x4f: {  	_ =	swait.ge [sflag:s12], $0x6400  }
0x50: {  	[sflag:s12] =	ssyncset.done $0x0  }
0x51: {  	[sflag:s12] =	ssyncadd.s32 $0xFFFF9C00  }
0x52: {  	_ =	sfence.sel $0x180000  }
0x53: {  	[bflag:$0x0] =	sbarrier.arrive $0xFFFF  }
0x54: {  	p0 =	sne.s32 s1, $0x0;
	_ =	strace $0x90000050  }
0x55: {  	s0 =	sadd.s32 @!p0 $0x100000, s0;
	[bflag:$0x2] =	sbarrier.arrive $0xFFFF  }
0x56: {  	[sflag:s0] =	ssyncadd.tile.s32 @!p0 $0x1;
	_ =	shalt  }
.Lfunc_end2:
_tile_overlayer_lowered:
.L_overlay_start_2:
0x57: {  	(tag) =	ssettag $0x2  }
0x58: {  	s0 =	rddreg [dreg:$0x0];
	s2 =	stileid.u32  }
0x59: {  	s1 =	rddreg [dreg:$0x1];
	p0 =	sne.s32 s2, $0x0  }
0x5a: {  	s3 =	rddreg [dreg:$0x2];
	[bflag:$0x3] =	sbarrier.arrive $0xFFFF;
	s2 =	simm.s32 @!p0 $0x1C03  }
0x5b: {  	[timem:s3], [sflag:s2] =	dma.local @!p0 [hbm:s0], s1  }
0x5c: {  	s0 =	simm.s32 @!p0 $0x3  }
0x5d: {  	_ =	swait.ge @!p0 [sflag:s0], s1  }
0x5e: {  	s1 =	ssub.s32 @!p0 $0x0, s1;
	[sflag:s0] =	ssyncset.done @!p0 $0x0  }
0x5f: {  	[sflag:s0] =	ssyncadd.s32 @!p0 s1  }
0x60: {  	[bflag:$0x3] =	sbarrier.arrive $0xFFFF  }
0x61: {  	_ =	shalt  }

// kernel: kernel.24.cloned.1.call-start
scs
__scs_entry_jumppad:
0x0: {  	(pc) =	sbr.rel $0x88, $3  }
0x1: {  	(tag) =	ssettag $0x0;
	lr =	simm.s32 $0x1  }
0x2: {  	[smem:$0x3F8D] =	sst lr;
	_ =	strace $0xD0000000  }
0x3: {  	_ = 	snop  }
0x4: {  	_ = 	snop  }
0x5: {  	_ = 	snop  }
0x6: {  	_ = 	snop  }
0x7: {  	_ = 	snop  }
__scs_overlays_trampoline_lowered:
0x8: {  	[smem:$0x3F9C] =	sst s0  }
0x9: {  	[smem:$0x3F9D] =	sst s1  }
0xa: {  	[smem:$0x3F9E] =	sst s2  }
0xb: {  	[smem:$0x3F9F] =	sst s3  }
0xc: {  	[smem:$0x3FA0] =	sst s4  }
0xd: {  	[smem:$0x3FA1] =	sst s5  }
0xe: {  	[smem:$0x3FA2] =	sst s6  }
0xf: {  	[smem:$0x3FA3] =	sst s7  }
0x10: {  	[smem:$0x3FA4] =	sst s8  }
0x11: {  	[smem:$0x3FA5] =	sst s9;
	s0 =	simm.s32 @!p0 $0x0  }
0x12: {  	s1 =	sld [smem:$0x3F8B];
	s0 =	simm.s32 @p0 $0x1  }
0x13: {  	[smem:$0x3FA6] =	sst s0;
	s0 =	simm.s32 @!p1 $0x0  }
0x14: {  	s2 =	sld [smem:$0x3F8A];
	s0 =	simm.s32 @p1 $0x1  }
0x15: {  	[smem:$0x3FA7] =	sst s0;
	s0 =	simm.s32 @!p2 $0x0  }
0x16: {  	s3 =	sld [smem:$0x3FDB];
	s0 =	simm.s32 @p2 $0x1  }
0x17: {  	s4 =	simm.s32 $0x1BF5;
	[smem:$0x3FA9] =	sst s0  }
0x18: {  	s0 =	sld [smem:$0x3F8C];
	_ =	swait.ge [sflag:s4], $0x0  }
0x19: {  	s7 =	sld [smem:$0x3F8D]  }
0x1a: {  	s8 =	sadd.s32 $0xFFFFE003, lr  }
0x1b: {  	s9 =	sadd.s32 $0xFFFFFEF7, lr;
	s5 =	simm.s32 $0xFFFFFFFF;
	p2 =	slt.u32 s8, $0xFFFFF086  }
0x1c: {  	p1 =	slt.u32 s9, $0xF7A;
	s5 =	simm.s32 @!p2 $0x0  }
0x1d: {  	s5 =	simm.s32 @p1 $0x1;
	p0 =	seq.s32 s7, s2  }
0x1e: {  	s7 =	smul.u32 @!p0 $0xF7A, s2;
	p2 =	seq.s32 @!p0 s5, $0x0  }
0x1f: {  	s9 =	smul.u32 $0xF7A, s1;
	s8 =	simm.s32 @!p0 $0x1BF5;
	p2 =	por !p2, p0  }
0x20: {  	[sflag:s8] =	ssyncset.s32 @!p0 $0xFFFFF086;
	s6 =	sadd.s32 @!p0 s3, s7;
	s7 =	simm.s32 @!p0 $0x108  }
0x21: {  	s3 =	sadd.s32 s3, s9;
	s6 =	sadd.s32 @!p0 $0x88, s6;
	s7 =	simm.s32 @p2 $0x1082  }
0x22: {  	[simem:s7], [sflag:s8] =	dma.local @!p0 [hbm:s6], $0xF7A  }
0x23: {  	s9 =	sor.u32 $0xD0000000, s2;
	s6 =	simm.s32 $0x108;
	_ =	swait.ge @!p0 [sflag:s8], $0x0  }
0x24: {  	s3 =	sadd.s32 $0x88, s3;
	s6 =	simm.s32 @!p1 $0x1082;
	[sflag:s4] =	ssyncset.s32 $0xFFFFF086  }
0x25: {  	[simem:s6], [sflag:s4] =	dma.local [hbm:s3], $0xF7A  }
0x26: {  	[smem:$0x3F8D] =	sst s1;
	(tag) =	ssettag s2;
	_ =	strace s9  }
0x27: {  	s1 =	sld [smem:$0x3F9D]  }
0x28: {  	s2 =	sld [smem:$0x3F9E]  }
0x29: {  	s4 =	sld [smem:$0x3FA0]  }
0x2a: {  	p0 =	seq.s32 s5, $0x0;
	s5 =	sld [smem:$0x3FA1]  }
0x2b: {  	s6 =	sld [smem:$0x3FA2]  }
0x2c: {  	s7 =	sld [smem:$0x3FA3]  }
0x2d: {  	s3 =	simm.s32 $0x108;
	s8 =	sld [smem:$0x3FA4]  }
0x2e: {  	s3 =	simm.s32 @!p0 $0x1082;
	s9 =	sld [smem:$0x3FA5]  }
0x2f: {  	lr =	sadd.s32 s0, s3;
	s0 =	sld [smem:$0x3F9C]  }
0x30: {  	s3 =	sld [smem:$0x3F9F]  }
0x31: {  	[smem:$0x3FA8] =	sst s10  }
0x32: {  	s10 =	sld [smem:$0x3FA6];
	_ =	sdelay $0x3  }
0x33: {  	p0 =	seq.s32 s10, $0x1;
	s10 =	sld [smem:$0x3FA8];
	_ =	sdelay $0x3  }
0x34: {  	[smem:$0x3FA8] =	sst s10  }
0x35: {  	s10 =	sld [smem:$0x3FA7];
	_ =	sdelay $0x3  }
0x36: {  	p1 =	seq.s32 s10, $0x1;
	s10 =	sld [smem:$0x3FA8];
	_ =	sdelay $0x3  }
0x37: {  	[smem:$0x3FA8] =	sst s10  }
0x38: {  	s10 =	sld [smem:$0x3FA9]  }
0x39: {  	_ = 	snop;
	(pc) =	sbr.ind lr, $3  }
0x3a: {  	_ = 	snop  }
0x3b: {  	_ = 	snop  }
0x3c: {  	p2 =	seq.s32 s10, $0x1;
	s10 =	sld [smem:$0x3FA8]  }
0x3d: {  	_ =	shalt  }
0x3e: {  	_ =	shalt  }
0x3f: {  	_ =	shalt  }
0x40: {  	_ =	shalt  }
0x41: {  	_ =	shalt  }
0x42: {  	_ =	shalt  }
0x43: {  	_ =	shalt  }
0x44: {  	_ =	shalt  }
0x45: {  	_ =	shalt  }
0x46: {  	_ =	shalt  }
0x47: {  	_ =	shalt  }
0x48: {  	_ =	shalt  }
0x49: {  	_ =	shalt  }
0x4a: {  	_ =	shalt  }
0x4b: {  	_ =	shalt  }
0x4c: {  	_ =	shalt  }
0x4d: {  	_ =	shalt  }
0x4e: {  	_ =	shalt  }
0x4f: {  	_ =	shalt  }
0x50: {  	_ =	shalt  }
0x51: {  	_ =	shalt  }
0x52: {  	_ =	shalt  }
0x53: {  	_ =	shalt  }
0x54: {  	_ =	shalt  }
0x55: {  	_ =	shalt  }
0x56: {  	_ =	shalt  }
0x57: {  	_ =	shalt  }
0x58: {  	_ =	shalt  }
0x59: {  	_ =	shalt  }
0x5a: {  	_ =	shalt  }
0x5b: {  	_ =	shalt  }
0x5c: {  	_ =	shalt  }
0x5d: {  	_ =	shalt  }
0x5e: {  	_ =	shalt  }
0x5f: {  	_ =	shalt  }
0x60: {  	_ =	shalt  }
0x61: {  	_ =	shalt  }
0x62: {  	_ =	shalt  }
0x63: {  	_ =	shalt  }
0x64: {  	_ =	shalt  }
0x65: {  	_ =	shalt  }
0x66: {  	_ =	shalt  }
0x67: {  	_ =	shalt  }
0x68: {  	_ =	shalt  }
0x69: {  	_ =	shalt  }
0x6a: {  	_ =	shalt  }
0x6b: {  	_ =	shalt  }
0x6c: {  	_ =	shalt  }
0x6d: {  	_ =	shalt  }
0x6e: {  	_ =	shalt  }
0x6f: {  	_ =	shalt  }
0x70: {  	_ =	shalt  }
0x71: {  	_ =	shalt  }
0x72: {  	_ =	shalt  }
0x73: {  	_ =	shalt  }
0x74: {  	_ =	shalt  }
0x75: {  	_ =	shalt  }
0x76: {  	_ =	shalt  }
0x77: {  	_ =	shalt  }
0x78: {  	_ =	shalt  }
0x79: {  	_ =	shalt  }
0x7a: {  	_ =	shalt  }
0x7b: {  	_ =	shalt  }
0x7c: {  	_ =	shalt  }
0x7d: {  	_ =	shalt  }
0x7e: {  	_ =	shalt  }
0x7f: {  	_ =	shalt  }
0x80: {  	_ =	shalt  }
0x81: {  	_ =	shalt  }
0x82: {  	_ =	shalt  }
0x83: {  	_ =	shalt  }
0x84: {  	_ =	shalt  }
0x85: {  	_ =	shalt  }
0x86: {  	_ =	shalt  }
0x87: {  	_ =	shalt  }
.Lfunc_end0:
.L_simem_size_0:
called_computation.4_lowered:
.L_overlay_start_0:
0x88: {  	s2 =	sld [smem:$0x3FD9]  }
0x89: {  	s3 =	sld [smem:$0x3FFE];
	_ =	sdelay $0x1  }
0x8a: {  	s1 =	srdreg.scid  }
0x8b: {  	s0 =	sand.u32 $0x1, s1  }
0x8c: {  	s16 =	sshll.u32 s0, $0xA;
	s2 =	sadd.s32 s3, s2  }
0x8d: {  	s2 =	sadd.s32 s2, s16  }
0x8e: {  	[smem:$0x3FB4] =	sst s2  }
0x8f: {  	_ = 	snop  }
0x90: {  	(tm) =	ssettm $0x1  }
0x91: {  	s17 =	sld [smem:$0x3FFB];
	_ =	sdelay $0x3  }
0x92: {  	_ =	strace s17  }
0x93: {  	s2 =	sld [smem:$0x3FFC];
	_ =	sdelay $0x3  }
0x94: {  	_ =	strace s2  }
0x95: {  	s2 =	sld [smem:$0x3FFD];
	_ =	sdelay $0x3  }
0x96: {  	_ =	strace s2  }
0x97: {  	_ =	strace $0x8FFFFFFF  }
0x98: {  	s18 =	sld [smem:$0x3FDB];
	_ =	sdelay $0x1  }
0x99: {  	s19 =	simm.s32 $_scs_section_size  }
0x9a: {  	s4 =	simm.s32 $_size__tile_overlayer_lowered;
	s5 =	simm.s32 $_tile_overlayer_lowered  }
0x9b: {  	s22 =	simm.s32 $0x1BFF;
	s21 =	sshll.u32 s5, $0x1;
	s2 =	sadd.s32 s19, s18  }
0x9c: {  	s6 =	simm.s32 $0x0;
	s20 =	sshll.u32 s4, $0x1;
	s4 =	sadd.s32 s21, s2  }
0x9d: {  	[timem:s6], [sflag:s22] =	dma.local [hbm:s4], s20  }
0x9e: {  	_ =	swait.ge [sflag:s22], s20  }
0x9f: {  	s3 =	ssub.s32 $0x0, s20;
	[sflag:s22] =	ssyncset.done $0x0  }
0xa0: {  	[sflag:s22] =	ssyncadd.s32 s3;
	_ =	sdelay $0x1  }
0xa1: {  	s23 =	simm.s32 $0x1B8B  }
0xa2: {  	_ =	swait.ge [sflag:s23], $0x1  }
0xa3: {  	[sflag:s23] =	ssyncset.done $0x0  }
0xa4: {  	s25 =	simm.s32 $0x1B8E;
	s24 =	sld [smem:$0x3FFE];
	[sflag:s23] =	ssyncadd.s32 $0xFFFFFFFF  }
0xa5: {  	s26 =	simm.s32 $execute0_lowered;
	[smem:$0x3FD2] =	sst s25  }
0xa6: {  	s4 =	sshll.u32 s26, $0x1;
	_ =	strace $0x80000052;
	[dreg:$0x1] =	wrdreg $0xFFFFFFFF  }
0xa7: {  	s28 =	simm.s32 $_size_execute0_lowered;
	s2 =	sadd.s32 s2, s4;
	[dreg:$0x0] =	wrdreg $0x0  }
0xa8: {  	s4 =	sshll.u32 s28, $0x1;
	[dreg:$0x2] =	wrdreg s2  }
0xa9: {  	[dreg:$0x3] =	wrdreg s4  }
0xaa: {  	[dreg:$0x4] =	wrdreg $0xC0  }
0xab: {  	_ =	task [dreg:s6], $0x5FFFF  }
0xac: {  	[dreg:$0x1] =	wrdreg $0xFFFFFFFF  }
0xad: {  	[dreg:$0x0] =	wrdreg $0x60  }
0xae: {  	[dreg:$0x2] =	wrdreg s24  }
0xaf: {  	[dreg:$0x3] =	wrdreg $0x67200  }
0xb0: {  	[dreg:$0x4] =	wrdreg $0x9  }
0xb1: {  	_ =	task.clear_ibuf [dreg:s6], $0x5FFFF;
	_ =	strace $0x90000052  }
0xb2: {  	s29 =	simm.s32 $0x9;
	_ =	strace $0x80000054  }
0xb3: {  	_ =	swait.ge [sflag:s29], $0x1  }
0xb4: {  	[sflag:s29] =	ssyncadd.s32 $0xFFFFFFFF  }
0xb5: {  	_ =	strace $0x90000054  }
0xb6: {  	_ =	sfence  }
0xb7: {  	s30 =	sld [smem:$0x0];
	_ =	sdelay $0x2  }
0xb8: {  	s31 =	sshll.u32 s1, $0xD;
	s1 =	sshrl.u32 s1, $0x2  }
0xb9: {  	s3 =	sand.u32 $0x4000, s31;
	s1 =	sadd.s32 s1, s30  }
0xba: {  	s0 =	sor.u32 s3, s0;
	s1 =	sshll.u32 s1, $0x11  }
0xbb: {  	s0 =	sor.u32 s1, s0  }
0xbc: {  	s0 =	sadd.s32 $0x8F2B, s0  }
0xbd: {  	[sflag:s0] =	ssyncadd.remote.s32 $0x1  }
0xbe: {  	_ =	sfence.sel $0xFFFF  }
0xbf: {  	[dreg:$0x0] =	wrdreg $0xFFFFFFFF;
	(pc) =	sbr.abs _section_cstart, $3  }
0xc0: {  	[dreg:$0x1] =	wrdreg $0xFFFFFFFF  }
0xc1: {  	_ =	task.clear_ibuf [dreg:s6], $0x2FFFF;
	_ =	strace $0x9FFFFFFF  }
0xc2: {  	(tm) =	ssettm $0x7FFFFFFF  }
0xc3: {  	_ =	shalt  }
tec
execute0_lowered:
.L_overlay_start_1:
0x0: {  	(tag) =	ssettag $0x1  }
0x1: {  	s7 =	rddreg [dreg:$0x0]  }
0x2: {  	s2 =	rddreg [dreg:$0x1];
	s1 =	stileid.u32  }
0x3: {  	s5 =	srdreg.scid;
	s3 =	simm.s32 $0x0;
	s20 =	simm.s32 $0x80  }
0x4: {  	s21 =	simm.s32 $0x320;
	s4 =	smul.u32 $0x186A0, s1;
	s8 =	sand.u32 $0x1, s5  }
0x5: {  	[smem:$0x7FF] =	sst s3;
	s5 =	sadd.s32 $0x106E000, s7;
	s19 =	smul.u32 $0x30D4, s1  }
0x6: {  	s6 =	sadd.s32 $0x12B800, s7;
	s13 =	sand.u32 $0x3, s1;
	s9 =	smul.u32 $0x186A00, s8  }
0x7: {  	s24 =	sshll.u32 s1, $0x3;
	s28 =	sshll.u32 s1, $0x6;
	s14 =	smul.u32 $0x30D4000, s8  }
0x8: {  	_ =	strace $0x80000053;
	s12 =	ssub.s32 $0x2, s8;
	s15 =	smul.u32 $0xC35000, s13  }
0x9: {  	s25 =	sand.u32 $0x60, s24;
	s8 =	sor.u32 $0x1C03, s28;
	s24 =	simm.s32 $0x1  }
0xa: {  	s10 =	sshrl.u32 s4, $0x3;
	s23 =	sshrl.u32 s12, $0x1;
	s18 =	sadd.s32 s4, s2  }
0xb: {  	s30 =	sadd.s32 s19, s6;
	s19 =	simm.s32 $0x20;
	s11 =	sadd.s32 s10, s7  }
0xc: {  	s9 =	sadd.s32 s4, s9;
	s17 =	ssub.s32 s12, s23;
	s26 =	sadd.s32 s14, s15  }
0xd: {  	s10 =	sadd.s32 s6, s10;
	s12 =	sor.u32 s25, s14;
	s23 =	simm.s32 $0x3520  }
0xe: {  	s22 =	sshrl.u32 s9, $0x3;
	s15 =	sor.u32 s25, s26;
	s9 =	smul.u32 $0x186A0, s13  }
0xf: {  	s14 =	smax.u32 s17, $0x1;
	s17 =	sshrl.u32 s18, $0x3;
	s18 =	simm.s32 $0x3  }
0x10: {  	s25 =	simm.s32 $0x2;
	s26 =	simm.s32 $0x0;
	s16 =	sadd.s32 s22, s7  }
0x11: {  	s7 =	sadd.s32 $0xC9C00, s11;
	s29 =	sshrl.u32 s15, $0x3;
	s15 =	sadd.s32 $0xC800, s15  }
0x12: {  	s22 =	simm.s32 $0x190;
	s11 =	sadd.s32 s5, s29;
	s31 =	sshrl.u32 s15, $0x3  }
0x13: {  	s13 =	sadd.s32 $0x313E00, s16;
	s15 =	sadd.s32 $0x32, s30;
	s16 =	sadd.s32 s31, s5  }
.LBB2_1:
0x14: {  	[spmem:s17], [sflag:s8] =	dma.local [hbm:s7], $0x30D4  }
0x15: {  	_ =	swait.ge [sflag:s18], $0x30D4  }
0x16: {  	[sflag:s18] =	ssyncset.done $0x0  }
0x17: {  	[sflag:s18] =	ssyncadd.s32 $0xFFFFCF2C  }
0x18: {  	[bflag:$0x0] =	sbarrier.arrive $0xFFFF  }
0x19: {  	[tilespmem:s3], [sflag:$0x1] =	stream.linear.gather [hbm4b:s10+s3], $0x190, $0x38;
	[tilespmem:$0x1EDC0] =	vst v63  }
0x1a: {  	_ = 	snop  }
0x1b: {  	[tilespmem:s21], [sflag:$0x1] =	stream.strided.gather [hbm4b:s11+s19], $0x3200, s20, s19, $0x38;
	[tilespmem:$0x1EDC0] =	vst v63  }
0x1c: {  	_ = 	snop  }
0x1d: {  	[tilespmem:s22], [sflag:$0x2] =	stream.linear.gather [hbm4b:s15+s3], $0x190, $0x38;
	[tilespmem:$0x1EDC0] =	vst v63  }
0x1e: {  	_ = 	snop  }
0x1f: {  	[tilespmem:s23], [sflag:$0x2] =	stream.strided.gather [hbm4b:s16+s19], $0x3200, s20, s19, $0x38;
	[tilespmem:$0x1EDC0] =	vst v63  }
0x20: {  	_ =	swait.ge [sflag:s24], $0x190  }
0x21: {  	s28 =	smin.u32 s3, $0xF6;
	[sflag:s24] =	ssyncset.done $0x0  }
0x22: {  	s28 =	smul.u32 $0x190, s28;
	[sflag:s24] =	ssyncadd.s32 $0xFFFFFE70  }
0x23: {  	_ =	swait.ge [sflag:s24], $0x3200  }
0x24: {  	s28 =	sadd.s32 $0x320, s28;
	[sflag:s24] =	ssyncset.done $0x0  }
0x25: {  	s29 =	sadd.s32 s9, s28;
	[sflag:s24] =	ssyncadd.s32 $0xFFFFCE00  }
0x26: {  	[spmem:s2] =	stream.indirect.scatter.add.f32 [tilespmem:s21], [sflag:$0x3], $0x20, s3, s22, $0xb8;
	[tilespmem:$0x1EDC0] =	vst v63  }
0x27: {  	s28 =	sadd.s32 s4, s28;
	s29 =	sshll.u32 s29, $0x7;
	_ =	swait.ge [sflag:s18], $0x3200  }
0x28: {  	s28 =	sshrl.u32 s28, $0x3;
	s29 =	sadd.s32 s12, s29;
	[sflag:s18] =	ssyncset.done $0x0  }
0x29: {  	s28 =	sadd.s32 s6, s28;
	s29 =	sshrl.u32 s29, $0x3;
	[sflag:s18] =	ssyncadd.s32 $0xFFFFCE00  }
0x2a: {  	[tilespmem:s3], [sflag:$0x1] =	stream.linear.gather [hbm4b:s28+s3], $0x190, $0x38;
	[tilespmem:$0x1EDC0] =	vst v63  }
0x2b: {  	s28 =	sadd.s32 s5, s29  }
0x2c: {  	[tilespmem:s21], [sflag:$0x1] =	stream.strided.gather [hbm4b:s28+s19], $0x3200, s20, s19, $0x38;
	[tilespmem:$0x1EDC0] =	vst v63  }
0x2d: {  	_ =	swait.ge [sflag:s25], $0x190  }
0x2e: {  	[sflag:s25] =	ssyncset.done $0x0  }
0x2f: {  	[sflag:s25] =	ssyncadd.s32 $0xFFFFFE70  }
0x30: {  	_ =	swait.ge [sflag:s25], $0x3200  }
0x31: {  	s30 =	smov.u32 s16;
	[sflag:s25] =	ssyncset.done $0x0  }
0x32: {  	s29 =	smov.u32 s15;
	s28 =	simm.s32 $0x2;
	[sflag:s25] =	ssyncadd.s32 $0xFFFFCE00  }
0x33: {  	[spmem:s2] =	stream.indirect.scatter.add.f32 [tilespmem:s23], [sflag:$0x3], $0x20, s22, s22, $0xb8;
	[tilespmem:$0x1EDC0] =	vst v63  }
.LBB2_2:
0x34: {  	_ =	swait.ge [sflag:s18], $0x3200  }
0x35: {  	s29 =	sadd.s32 $0x64, s29;
	s30 =	sadd.s32 $0x3200, s30;
	s31 =	smov.u32 s28  }
0x36: {  	p0 =	sne.s32 s28, $0xF8;
	s28 =	sadd.s32 $0x2, s28;
	[sflag:s18] =	ssyncset.done $0x0  }
0x37: {  	[sflag:s18] =	ssyncadd.s32 $0xFFFFCE00  }
0x38: {  	[tilespmem:s22], [sflag:$0x2] =	stream.linear.gather [hbm4b:s29+s3], $0x190, $0x38;
	[tilespmem:$0x1EDC0] =	vst v63  }
0x39: {  	_ = 	snop  }
0x3a: {  	[tilespmem:s23], [sflag:$0x2] =	stream.strided.gather [hbm4b:s30+s19], $0x3200, s20, s19, $0x38;
	[tilespmem:$0x1EDC0] =	vst v63  }
0x3b: {  	_ =	swait.ge [sflag:s24], $0x190  }
0x3c: {  	s31 =	smin.u32 s31, $0xF6;
	[sflag:s24] =	ssyncset.done $0x0  }
0x3d: {  	s31 =	smul.u32 $0x190, s31;
	[sflag:s24] =	ssyncadd.s32 $0xFFFFFE70  }
0x3e: {  	_ =	swait.ge [sflag:s24], $0x3200  }
0x3f: {  	s31 =	sadd.s32 $0x320, s31;
	[sflag:s24] =	ssyncset.done $0x0  }
0x40: {  	s0 =	sadd.s32 s4, s31;
	s31 =	sadd.s32 s9, s31;
	[sflag:s24] =	ssyncadd.s32 $0xFFFFCE00  }
0x41: {  	[spmem:s2] =	stream.indirect.scatter.add.f32 [tilespmem:s21], [sflag:$0x3], $0x20, s3, s22, $0xb8;
	[tilespmem:$0x1EDC0] =	vst v63  }
0x42: {  	s0 =	sshrl.u32 s0, $0x3;
	s31 =	sshll.u32 s31, $0x7;
	_ =	swait.ge [sflag:s18], $0x3200  }
0x43: {  	s0 =	sadd.s32 s6, s0;
	s31 =	sadd.s32 s12, s31;
	[sflag:s18] =	ssyncset.done $0x0  }
0x44: {  	s31 =	sshrl.u32 s31, $0x3;
	[sflag:s18] =	ssyncadd.s32 $0xFFFFCE00  }
0x45: {  	[tilespmem:s3], [sflag:$0x1] =	stream.linear.gather [hbm4b:s0+s3], $0x190, $0x38;
	[tilespmem:$0x1EDC0] =	vst v63  }
0x46: {  	s0 =	sadd.s32 s5, s31  }
0x47: {  	[tilespmem:s21], [sflag:$0x1] =	stream.strided.gather [hbm4b:s0+s19], $0x3200, s20, s19, $0x38;
	[tilespmem:$0x1EDC0] =	vst v63  }
0x48: {  	_ =	swait.ge [sflag:s25], $0x190  }
0x49: {  	[sflag:s25] =	ssyncset.done $0x0  }
.Ltmp0:
0x4a: {  	[sflag:s25] =	ssyncadd.s32 $0xFFFFFE70;
	(pc) =	sbr.rel @p0 .LBB2_2-.Ltmp0, $4  }
0x4b: {  	_ =	swait.ge [sflag:s25], $0x3200  }
0x4c: {  	[sflag:s25] =	ssyncset.done $0x0  }
0x4d: {  	[sflag:s25] =	ssyncadd.s32 $0xFFFFCE00  }
0x4e: {  	[spmem:s2] =	stream.indirect.scatter.add.f32 [tilespmem:s23], [sflag:$0x3], $0x20, s22, s22, $0xb8;
	[tilespmem:$0x1EDC0] =	vst v63  }
0x4f: {  	_ =	swait.ge [sflag:s18], $0x3200  }
0x50: {  	[sflag:s18] =	ssyncset.done $0x0  }
0x51: {  	[sflag:s18] =	ssyncadd.s32 $0xFFFFCE00  }
0x52: {  	_ =	swait.ge [sflag:s24], $0x190  }
0x53: {  	[sflag:s24] =	ssyncset.done $0x0  }
0x54: {  	[sflag:s24] =	ssyncadd.s32 $0xFFFFFE70  }
0x55: {  	_ =	swait.ge [sflag:s24], $0x3200  }
0x56: {  	s26 =	sadd.s32 $0x1, s26;
	[sflag:s24] =	ssyncset.done $0x0  }
0x57: {  	p0 =	sne.s32 s26, s14;
	[sflag:s24] =	ssyncadd.s32 $0xFFFFCE00  }
.Ltmp1:
0x58: {  	[bflag:$0x0] =	sbarrier.arrive $0xFFFF;
	(pc) =	sbr.rel @p0 .LBB2_1-.Ltmp1, $4  }
0x59: {  	[hbm:s13], [sflag:s8] =	dma.local [spmem:s17], $0x30D4  }
0x5a: {  	_ =	swait.ge [sflag:s18], $0x30D4  }
0x5b: {  	[sflag:s18] =	ssyncset.done $0x0  }
0x5c: {  	[sflag:s18] =	ssyncadd.s32 $0xFFFFCF2C  }
0x5d: {  	_ =	sfence.sel $0x180000  }
0x5e: {  	[bflag:$0x0] =	sbarrier.arrive $0xFFFF  }
0x5f: {  	_ =	strace $0x90000053  }
0x60: {  	[bflag:$0x2] =	sbarrier.arrive $0xFFFF  }
0x61: {  	p0 =	sne.s32 s1, $0x0;
	s0 =	rddreg [dreg:$0x2]  }
0x62: {  	s0 =	sadd.s32 @!p0 $0x100000, s0  }
0x63: {  	[sflag:s0] =	ssyncadd.tile.s32 @!p0 $0x1;
	_ =	shalt  }
.Lfunc_end2:
_tile_overlayer_lowered:
.L_overlay_start_2:
0x64: {  	(tag) =	ssettag $0x2  }
0x65: {  	s0 =	rddreg [dreg:$0x0];
	s2 =	stileid.u32  }
0x66: {  	s1 =	rddreg [dreg:$0x1];
	p0 =	sne.s32 s2, $0x0  }
0x67: {  	s3 =	rddreg [dreg:$0x2];
	[bflag:$0x3] =	sbarrier.arrive $0xFFFF;
	s2 =	simm.s32 @!p0 $0x1C03  }
0x68: {  	[timem:s3], [sflag:s2] =	dma.local @!p0 [hbm:s0], s1  }
0x69: {  	s0 =	simm.s32 @!p0 $0x3  }
0x6a: {  	_ =	swait.ge @!p0 [sflag:s0], s1  }
0x6b: {  	s1 =	ssub.s32 @!p0 $0x0, s1;
	[sflag:s0] =	ssyncset.done @!p0 $0x0  }
0x6c: {  	[sflag:s0] =	ssyncadd.s32 @!p0 s1  }
0x6d: {  	[bflag:$0x3] =	sbarrier.arrive $0xFFFF  }
0x6e: {  	_ =	shalt  }

</sc_bundles>
